<compile_context>
chip_gen: v7x
topology: tpu7x:2x2x1
jax: 0.10.2.dev20260603
libtpu: 0.0.44.dev20260713+nightly
codegen_flags: <defaults>
</compile_context>

<pallas_src>
import jax
import jax.numpy as jnp
from jax import lax
from jax.experimental import pallas as pl
from jax.experimental.pallas import tpu as pltpu
from jax.experimental.pallas import tpu_sc as plsc

N = 10000
D = 128
DH = 64
E = 320000

NC = 2
NS = 16
L = 16
EPT = E // NS
C = 80
NH = 10
NCHUNK = EPT // (NH * C)
SEG = NS * NH
NW = NC * NS
SEGW = SEG // NW
TCH = EPT // C
RPT = 624
TB = NS * RPT
TR = N - TB
DW = 16

_BA = 1000
_BC = 1000


def _tc_head(x_ref, w_ref, al_ref, ar_ref, hlo_ref, hhi_ref, elr_ref):
    h = jnp.dot(x_ref[...], w_ref[...], preferred_element_type=jnp.float32)
    hlo_ref[...] = h[:, :DH]
    hhi_ref[...] = h[:, DH:]
    el = jnp.sum(h * al_ref[...], axis=1, keepdims=True)
    er = jnp.sum(h * ar_ref[...], axis=1, keepdims=True)
    elr_ref[...] = jnp.concatenate([el, er], axis=1)


def _tc_head_call(x, W, al, ar):
    return pl.pallas_call(
        _tc_head,
        grid=(N // _BA,),
        in_specs=[
            pl.BlockSpec((_BA, D), lambda i: (i, 0)),
            pl.BlockSpec((D, D), lambda i: (0, 0)),
            pl.BlockSpec((1, D), lambda i: (0, 0)),
            pl.BlockSpec((1, D), lambda i: (0, 0)),
        ],
        out_specs=[
            pl.BlockSpec((_BA, DH), lambda i: (i, 0)),
            pl.BlockSpec((_BA, DH), lambda i: (i, 0)),
            pl.BlockSpec((_BA, 2), lambda i: (i, 0)),
        ],
        out_shape=[
            jax.ShapeDtypeStruct((N, DH), jnp.float32),
            jax.ShapeDtypeStruct((N, DH), jnp.float32),
            jax.ShapeDtypeStruct((N, 2), jnp.float32),
        ],
    )(x, W, al, ar)


def _sc_w(elr_hbm, src_hbm, dst_hbm, w_hbm, elr_v, src_v, dst_v, wseg_v):
    c = lax.axis_index("c")
    s = lax.axis_index("s")
    wid = c * NS + s

    pltpu.sync_copy(elr_hbm, elr_v)

    col0 = jnp.zeros((L,), jnp.int32)
    col1 = jnp.full((L,), 1, dtype=jnp.int32)

    def seg_body(q, carry):
        seg = wid * SEGW + q
        pltpu.sync_copy(src_hbm.at[seg], src_v)
        pltpu.sync_copy(dst_hbm.at[seg], dst_v)

        @plsc.parallel_loop(0, NCHUNK * (C // L), unroll=4)
        def w_body(m):
            j = m // (C // L)
            k = m % (C // L)
            srcv = src_v[j, pl.ds(k * L, L)]
            dstv = dst_v[j, pl.ds(k * L, L)]
            e = (plsc.load_gather(elr_v, [srcv, col0])
                 + plsc.load_gather(elr_v, [dstv, col1]))
            e = jnp.where(e >= 0.0, e, e * 0.2)
            wseg_v[j, pl.ds(k * L, L)] = jnp.exp(e)
        pltpu.sync_copy(wseg_v, w_hbm.at[seg])
        return carry

    lax.fori_loop(0, SEGW, seg_body, 0)


def _sc_w_call(elr, src3, dst3):
    mesh = plsc.VectorSubcoreMesh(
        core_axis_name="c", subcore_axis_name="s", num_cores=NC,
        num_subcores=NS)
    return pl.kernel(
        _sc_w,
        compiler_params=pltpu.CompilerParams(
            needs_layout_passes=False, use_tc_tiling_on_sc=False),
        out_type=jax.ShapeDtypeStruct((SEG, NCHUNK, C), jnp.float32),
        mesh=mesh,
        scratch_types=[
            pltpu.VMEM((N, 2), jnp.float32),
            pltpu.VMEM((NCHUNK, C), jnp.int32),
            pltpu.VMEM((NCHUNK, C), jnp.int32),
            pltpu.VMEM((NCHUNK, C), jnp.float32),
        ],
    )(elr, src3, dst3)


def _sc_edges(hlo_hbm, hhi_hbm, w_hbm, src_hbm, dst_hbm, z64_hbm, z16_hbm,
              accp_hbm, denp_hbm,
              src_c, dst_c, w_c, w_v, rows_bf, rows_f, acc_sh, den_sh,
              sem_i, sem_g, sem_s):
    c = lax.axis_index("c")
    s = lax.axis_index("s")

    pltpu.sync_copy(z16_hbm.at[pl.ds(0, C)], w_v.at[0])
    pltpu.sync_copy(z16_hbm.at[pl.ds(0, C)], w_v.at[1])

    rbase = s * RPT
    pltpu.sync_copy(z64_hbm, acc_sh.at[pl.ds(rbase, RPT)])
    pltpu.sync_copy(z16_hbm, den_sh.at[pl.ds(rbase, RPT)])

    @pl.when(s == NS - 1)
    def _zero_tail():
        pltpu.sync_copy(z64_hbm.at[pl.ds(0, TR)], acc_sh.at[pl.ds(TB, TR)])
        pltpu.sync_copy(z16_hbm.at[pl.ds(0, TR)], den_sh.at[pl.ds(TB, TR)])

    plsc.subcore_barrier()

    col0 = jnp.zeros((L,), jnp.int32)

    def den_on(g):
        return (c == 0) == (g < TCH // 2)

    def stage(g):
        r4 = g % 4
        pltpu.async_copy(src_hbm.at[s, g], src_c.at[r4], sem_i)
        pltpu.async_copy(dst_hbm.at[s, g], dst_c.at[r4], sem_i)
        pltpu.async_copy(w_hbm.at[s, g], w_c.at[r4], sem_i)

    def wait_stage(g):
        r4 = g % 4
        pltpu.make_async_copy(src_hbm.at[s, g], src_c.at[r4], sem_i).wait()
        pltpu.make_async_copy(dst_hbm.at[s, g], dst_c.at[r4], sem_i).wait()
        pltpu.make_async_copy(w_hbm.at[s, g], w_c.at[r4], sem_i).wait()

    def spread_w(g):
        r4 = g % 4
        b = g % 2

        @plsc.parallel_loop(0, C // L, unroll=C // L)
        def w_body(k):
            w = w_c[r4, pl.ds(k * L, L)]
            plsc.store_scatter(
                w_v, [jnp.full((L,), b, dtype=jnp.int32),
                      k * L + lax.iota(jnp.int32, L), col0], w)

    def drain_scatters(g):
        pltpu.make_async_copy(
            rows_f.at[g % 2], acc_sh.at[dst_c.at[g % 4]], sem_s).wait()

        @pl.when(den_on(g))
        def _drain_den():
            pltpu.make_async_copy(
                w_v.at[g % 2], den_sh.at[dst_c.at[g % 4]], sem_s).wait()

    def make_chunk_body(h_ref):
        def chunk_body(g, carry):
            r2 = g % 2
            r4 = g % 4
            b = g % 2
            pltpu.make_async_copy(
                h_ref.at[src_c.at[r4]], rows_bf.at[r2], sem_g).wait()

            @pl.when(g >= 2)
            def _drain_prev():
                drain_scatters(g - 2)

            @pl.when(g + 2 < TCH)
            def _stage_ahead():
                stage(g + 2)

            @pl.when(den_on(g))
            def _den_scatter():
                spread_w(g)
                pltpu.async_copy(w_v.at[b], den_sh.at[dst_c.at[r4]], sem_s,
                                 add=True)

            @pl.when(g + 1 < TCH)
            def _prefetch():
                wait_stage(g + 1)
                pltpu.async_copy(
                    h_ref.at[src_c.at[(g + 1) % 4]], rows_bf.at[(g + 1) % 2],
                    sem_g)

            mask_hi = jnp.full((L,), -65536, dtype=jnp.int32)

            @plsc.parallel_loop(0, C, unroll=8)
            def row_body(r):
                wr = plsc.load_gather(
                    w_c, [jnp.full((L,), r4, dtype=jnp.int32),
                          jnp.full((L,), r, dtype=jnp.int32)])
                for q in range(DH // (2 * L)):
                    vi = rows_bf[r2, r, pl.ds(q * L, L)]
                    lo = plsc.bitcast(vi << 16, jnp.float32)
                    hi = plsc.bitcast(vi & mask_hi, jnp.float32)
                    rows_f[r2, r, pl.ds(2 * q * L, L)] = lo * wr
                    rows_f[r2, r, pl.ds((2 * q + 1) * L, L)] = hi * wr

            pltpu.async_copy(rows_f.at[r2], acc_sh.at[dst_c.at[r4]], sem_s,
                             add=True)
            return carry

        return chunk_body

    def run(h_ref):
        stage(0)
        stage(1)
        wait_stage(0)
        pltpu.async_copy(h_ref.at[src_c.at[0]], rows_bf.at[0], sem_g)
        lax.fori_loop(0, TCH, make_chunk_body(h_ref), 0)
        drain_scatters(TCH - 2)
        drain_scatters(TCH - 1)

    @pl.when(c == 0)
    def _run_lo():
        run(hlo_hbm)

    @pl.when(c == 1)
    def _run_hi():
        run(hhi_hbm)

    plsc.subcore_barrier()
    pltpu.sync_copy(acc_sh.at[pl.ds(rbase, RPT)],
                    accp_hbm.at[c, pl.ds(rbase, RPT)])
    pltpu.sync_copy(den_sh.at[pl.ds(rbase, RPT)],
                    denp_hbm.at[c, pl.ds(rbase, RPT)])

    @pl.when(s == NS - 1)
    def _out_tail():
        pltpu.sync_copy(acc_sh.at[pl.ds(TB, TR)], accp_hbm.at[c, pl.ds(TB, TR)])
        pltpu.sync_copy(den_sh.at[pl.ds(TB, TR)], denp_hbm.at[c, pl.ds(TB, TR)])


def _sc_edges_call(hlo, hhi, w3, src3, dst3, z64, z16):
    mesh = plsc.VectorSubcoreMesh(
        core_axis_name="c", subcore_axis_name="s", num_cores=NC,
        num_subcores=NS)
    return pl.kernel(
        _sc_edges,
        compiler_params=pltpu.CompilerParams(
            needs_layout_passes=False, use_tc_tiling_on_sc=False),
        out_type=[
            jax.ShapeDtypeStruct((NC, N, DH), jnp.float32),
            jax.ShapeDtypeStruct((NC, N, DW), jnp.float32),
        ],
        mesh=mesh,
        scratch_types=[
            pltpu.VMEM((4, C), jnp.int32),
            pltpu.VMEM((4, C), jnp.int32),
            pltpu.VMEM((4, C), jnp.float32),
            pltpu.VMEM((2, C, DW), jnp.float32),
            pltpu.VMEM((2, C, DH // 2), jnp.int32),
            pltpu.VMEM((2, C, DH), jnp.float32),
            pltpu.VMEM_SHARED((N, DH), jnp.float32),
            pltpu.VMEM_SHARED((N, DW), jnp.float32),
            pltpu.SemaphoreType.DMA,
            pltpu.SemaphoreType.DMA,
            pltpu.SemaphoreType.DMA,
        ],
    )(hlo, hhi, w3, src3, dst3, z64, z16)


def _tc_tail(accp_ref, denp_ref, bias_ref, g_ref, b_ref, out_ref):
    acc = jnp.concatenate([accp_ref[0], accp_ref[1]], axis=1)
    den = denp_ref[0, :, 0:1] + denp_ref[1, :, 0:1]
    den = jnp.where(den > 0.0, den, 1.0)
    rst = acc / den + bias_ref[...]
    mu = jnp.mean(rst, axis=1, keepdims=True)
    var = jnp.mean((rst - mu) ** 2, axis=1, keepdims=True)
    y = (rst - mu) * lax.rsqrt(var + 1e-5) * g_ref[...] + b_ref[...]
    out_ref[...] = jnp.where(y > 0.0, y, jnp.exp(y) - 1.0)


def _tc_tail_call(accp, denp, bias, ln_g, ln_b):
    return pl.pallas_call(
        _tc_tail,
        grid=(N // _BC,),
        in_specs=[
            pl.BlockSpec((NC, _BC, DH), lambda i: (0, i, 0)),
            pl.BlockSpec((NC, _BC, DW), lambda i: (0, i, 0)),
            pl.BlockSpec((1, D), lambda i: (0, 0)),
            pl.BlockSpec((1, D), lambda i: (0, 0)),
            pl.BlockSpec((1, D), lambda i: (0, 0)),
        ],
        out_specs=pl.BlockSpec((_BC, D), lambda i: (i, 0)),
        out_shape=jax.ShapeDtypeStruct((N, D), jnp.float32),
    )(accp, denp, bias, ln_g, ln_b)


@jax.jit
def kernel(features, edge_index, W, attn_l, attn_r, bias, ln_g, ln_b):
    src = edge_index[0].astype(jnp.int32).reshape(SEG, NCHUNK, C)
    dst = edge_index[1].astype(jnp.int32).reshape(SEG, NCHUNK, C)
    al = attn_l.reshape(1, D).astype(jnp.float32)
    ar = attn_r.reshape(1, D).astype(jnp.float32)
    hlo, hhi, elr = _tc_head_call(features, W, al, ar)

    def pack_half(h64):
        t = h64.reshape(N, 2, 2, L).transpose(0, 1, 3, 2).reshape(N, DH)
        t = t.astype(jnp.bfloat16)
        return lax.bitcast_convert_type(t.reshape(N, DH // 2, 2), jnp.int32)

    hlo_p = pack_half(hlo)
    hhi_p = pack_half(hhi)
    w3 = _sc_w_call(elr, src, dst).reshape(NS, TCH, C)
    z64 = jnp.zeros((RPT, DH), jnp.float32)
    z16 = jnp.zeros((RPT, DW), jnp.float32)
    accp, denp = _sc_edges_call(hlo_p, hhi_p, w3, src.reshape(NS, TCH, C),
                                dst.reshape(NS, TCH, C), z64, z16)
    return _tc_tail_call(accp, denp, bias.reshape(1, D),
                         ln_g.reshape(1, D), ln_b.reshape(1, D))

# --- scband reference (transcript-rebuilt; emitter-appended) ---
"""Pipeline reference for scband-graph-gatconv-46402826666294 (READ-ONLY COPY).

The authoritative reference and input builder live on the scoring server;
editing this copy changes nothing except your own understanding.
"""

import jax, jax.numpy as jnp
import numpy as np

N_NODES = 10000
N_EDGES = 320000
IN_DIM = 128
OUT_DIM = 128
NUM_HEADS = 1


def setup_inputs(seed: int = 0) -> dict:
    key = jax.random.key(seed)
    ks = jax.random.split(key, 8)
    features = jax.random.normal(ks[0], (N_NODES, IN_DIM), dtype=jnp.float32)
    edge_index = jax.random.randint(ks[1], (2, N_EDGES), 0, N_NODES, dtype=jnp.int64)
    # GATConv params (DGL-style): fc weight, attn_l, attn_r, bias
    W = jax.random.normal(ks[2], (IN_DIM, NUM_HEADS * OUT_DIM), dtype=jnp.float32) * (1.0 / np.sqrt(IN_DIM))
    attn_l = jax.random.normal(ks[3], (NUM_HEADS, OUT_DIM), dtype=jnp.float32) * 0.1
    attn_r = jax.random.normal(ks[4], (NUM_HEADS, OUT_DIM), dtype=jnp.float32) * 0.1
    bias = jnp.zeros((NUM_HEADS * OUT_DIM,), dtype=jnp.float32)
    # LayerNorm params over out_dim*num_heads
    ln_g = jnp.ones((NUM_HEADS * OUT_DIM,), dtype=jnp.float32)
    ln_b = jnp.zeros((NUM_HEADS * OUT_DIM,), dtype=jnp.float32)
    return {"features": features, "edge_index": edge_index, "W": W,
            "attn_l": attn_l, "attn_r": attn_r, "bias": bias,
            "ln_g": ln_g, "ln_b": ln_b}


def reference(features, edge_index, W, attn_l, attn_r, bias, ln_g, ln_b):
    N = features.shape[0]
    H, D = NUM_HEADS, OUT_DIM
    # feat_drop disabled (eval mode / deterministic reference)
    h = features @ W                      # [N, H*D]
    h = h.reshape(N, H, D)
    el = jnp.sum(h * attn_l[None, :, :], axis=-1)   # [N, H]
    er = jnp.sum(h * attn_r[None, :, :], axis=-1)   # [N, H]
    src = edge_index[0]
    dst = edge_index[1]
    e = jax.nn.leaky_relu(el[src] + er[dst], negative_slope=0.2)  # [E, H]
    # edge softmax over incoming edges per dst node
    emax = jax.ops.segment_max(e, dst, num_segments=N)
    emax = jnp.where(jnp.isfinite(emax), emax, 0.0)
    ee = jnp.exp(e - emax[dst])
    denom = jax.ops.segment_sum(ee, dst, num_segments=N)
    alpha = ee / denom[dst]               # [E, H]
    msg = h[src] * alpha[:, :, None]      # [E, H, D]
    rst = jax.ops.segment_sum(msg, dst, num_segments=N)  # [N, H, D]
    rst = rst + bias.reshape(1, H, D)
    # wrapper: view(N,-1) -> LayerNorm -> ELU -> mean over heads
    feats = rst.reshape(N, H * D)
    mu = jnp.mean(feats, axis=-1, keepdims=True)
    var = jnp.var(feats, axis=-1, keepdims=True)
    feats = (feats - mu) / jnp.sqrt(var + 1e-5) * ln_g + ln_b
    feats = jax.nn.elu(feats)
    feats = feats.reshape(N, H, D)
    return jnp.mean(feats, axis=1)        # [N, D]

if __name__ == "__main__":
    import jax
    _d = setup_inputs()
    print(jax.jit(kernel)(*tuple(_d.values())))

</pallas_src>

<mosaic_0001>
#map = affine_map<(d0, d1) -> (0, 0)>
#map1 = affine_map<(d0, d1) -> (0, 0, 0)>
module attributes {stable_mosaic.version = 14 : i64} {
  func.func @_sc_edges(%arg0: i32, %arg1: i32, %arg2: memref<10000x32xi32, #tpu.memory_space<hbm>>, %arg3: memref<10000x32xi32, #tpu.memory_space<hbm>>, %arg4: memref<16x250x80xf32, #tpu.memory_space<hbm>>, %arg5: memref<16x250x80xi32, #tpu.memory_space<hbm>>, %arg6: memref<16x250x80xi32, #tpu.memory_space<hbm>>, %arg7: memref<624x64xf32, #tpu.memory_space<hbm>>, %arg8: memref<624x16xf32, #tpu.memory_space<hbm>>, %arg9: memref<2x10000x64xf32, #tpu.memory_space<hbm>>, %arg10: memref<2x10000x16xf32, #tpu.memory_space<hbm>>, %arg11: memref<4x80xi32, #tpu.memory_space<vmem>>, %arg12: memref<4x80xi32, #tpu.memory_space<vmem>>, %arg13: memref<4x80xf32, #tpu.memory_space<vmem>>, %arg14: memref<2x80x16xf32, #tpu.memory_space<vmem>>, %arg15: memref<2x80x32xi32, #tpu.memory_space<vmem>>, %arg16: memref<2x80x64xf32, #tpu.memory_space<vmem>>, %arg17: memref<10000x64xf32, #tpu.memory_space<vmem_shared>>, %arg18: memref<10000x16xf32, #tpu.memory_space<vmem_shared>>, %arg19: memref<!tpu.dma_semaphore, #tpu.memory_space<semaphore_mem>>, %arg20: memref<!tpu.dma_semaphore, #tpu.memory_space<semaphore_mem>>, %arg21: memref<!tpu.dma_semaphore, #tpu.memory_space<semaphore_mem>>) attributes {dimension_semantics = [#tpu.dimension_semantics<core_parallel>, #tpu.dimension_semantics<subcore_parallel>], iteration_bounds = array<i64: 2, 16>, scalar_prefetch = 0 : i64, scratch_operands = 11 : i64, tpu.core_type = #tpu.core_type<sc_vector_subcore>, window_params = [{transform_indices = #map}, {transform_indices = #map}, {transform_indices = #map1}, {transform_indices = #map1}, {transform_indices = #map1}, {transform_indices = #map}, {transform_indices = #map}, {transform_indices = #map1}, {transform_indices = #map1}]} {
    %run_scoped3A = arith.constant 0 : i32
    "tpu.region"() ({
      %run_scoped3A_21 = tpu.sem_alloc : memref<!tpu.dma_semaphore, #tpu.memory_space<semaphore_mem>>
      %dma_start3A = arith.constant 0 : i32
      %dma_start3A_22 = arith.constant 0 : i32
      %dma_start3A_23 = tpu.memref_slice %arg14[%run_scoped3A, %dma_start3A, %dma_start3A_22] : memref<2x80x16xf32, #tpu.memory_space<vmem>> -> memref<1x80x16xf32, #tpu.memory_space<vmem>>
      %dma_start3A_24 = tpu.memref_squeeze %dma_start3A_23 : memref<1x80x16xf32, #tpu.memory_space<vmem>> -> memref<80x16xf32, #tpu.memory_space<vmem>>
      %dma_start3A_25 = arith.constant 0 : i32
      %dma_start3A_26 = arith.constant 0 : i32
      %dma_start3A_27 = tpu.memref_slice %arg8[%dma_start3A_25, %dma_start3A_26] : memref<624x16xf32, #tpu.memory_space<hbm>> -> memref<80x16xf32, #tpu.memory_space<hbm>>
      %dma_start3A_28 = arith.constant 0 : i32
      %dma_start3A_29 = arith.constant 0 : i32
      %dma_start3A_30 = tpu.memref_slice %arg14[%run_scoped3A, %dma_start3A_28, %dma_start3A_29] : memref<2x80x16xf32, #tpu.memory_space<vmem>> -> memref<1x80x16xf32, #tpu.memory_space<vmem>>
      %dma_start3A_31 = tpu.memref_squeeze %dma_start3A_30 : memref<1x80x16xf32, #tpu.memory_space<vmem>> -> memref<80x16xf32, #tpu.memory_space<vmem>>
      %dma_start3A_32 = arith.constant 0 : i32
      %dma_start3A_33 = arith.constant 0 : i32
      %dma_start3A_34 = tpu.memref_slice %arg8[%dma_start3A_32, %dma_start3A_33] : memref<624x16xf32, #tpu.memory_space<hbm>> -> memref<80x16xf32, #tpu.memory_space<hbm>>
      tpu.enqueue_dma source(%dma_start3A_34 : memref<80x16xf32, #tpu.memory_space<hbm>>) target(%dma_start3A_31 : memref<80x16xf32, #tpu.memory_space<vmem>>) target_semaphore(%run_scoped3A_21 : memref<!tpu.dma_semaphore, #tpu.memory_space<semaphore_mem>>)
      %dma_wait3A = arith.constant 0 : i32
      %dma_wait3A_35 = arith.constant 0 : i32
      %dma_wait3A_36 = tpu.memref_slice %arg14[%run_scoped3A, %dma_wait3A, %dma_wait3A_35] : memref<2x80x16xf32, #tpu.memory_space<vmem>> -> memref<1x80x16xf32, #tpu.memory_space<vmem>>
      %dma_wait3A_37 = tpu.memref_squeeze %dma_wait3A_36 : memref<1x80x16xf32, #tpu.memory_space<vmem>> -> memref<80x16xf32, #tpu.memory_space<vmem>>
      %dma_wait3A_38 = arith.constant 0 : i32
      %dma_wait3A_39 = arith.constant 0 : i32
      %dma_wait3A_40 = tpu.memref_slice %arg8[%dma_wait3A_38, %dma_wait3A_39] : memref<624x16xf32, #tpu.memory_space<hbm>> -> memref<80x16xf32, #tpu.memory_space<hbm>>
      %dma_wait3A_41 = arith.constant 0 : i32
      %dma_wait3A_42 = arith.constant 0 : i32
      %dma_wait3A_43 = tpu.memref_slice %arg14[%run_scoped3A, %dma_wait3A_41, %dma_wait3A_42] : memref<2x80x16xf32, #tpu.memory_space<vmem>> -> memref<1x80x16xf32, #tpu.memory_space<vmem>>
      %dma_wait3A_44 = tpu.memref_squeeze %dma_wait3A_43 : memref<1x80x16xf32, #tpu.memory_space<vmem>> -> memref<80x16xf32, #tpu.memory_space<vmem>>
      %dma_wait3A_45 = arith.constant 0 : i32
      %dma_wait3A_46 = arith.constant 0 : i32
      %dma_wait3A_47 = tpu.memref_slice %arg8[%dma_wait3A_45, %dma_wait3A_46] : memref<624x16xf32, #tpu.memory_space<hbm>> -> memref<80x16xf32, #tpu.memory_space<hbm>>
      tpu.wait_dma2 semaphore(%run_scoped3A_21 : memref<!tpu.dma_semaphore, #tpu.memory_space<semaphore_mem>>) src(%dma_wait3A_47 : memref<80x16xf32, #tpu.memory_space<hbm>>) dst(%dma_wait3A_44 : memref<80x16xf32, #tpu.memory_space<vmem>>)
      tpu.yield
    }) : () -> ()
    %run_scoped3A_0 = arith.constant 1 : i32
    "tpu.region"() ({
      %run_scoped3A_21 = tpu.sem_alloc : memref<!tpu.dma_semaphore, #tpu.memory_space<semaphore_mem>>
      %dma_start3A = arith.constant 0 : i32
      %dma_start3A_22 = arith.constant 0 : i32
      %dma_start3A_23 = tpu.memref_slice %arg14[%run_scoped3A_0, %dma_start3A, %dma_start3A_22] : memref<2x80x16xf32, #tpu.memory_space<vmem>> -> memref<1x80x16xf32, #tpu.memory_space<vmem>>
      %dma_start3A_24 = tpu.memref_squeeze %dma_start3A_23 : memref<1x80x16xf32, #tpu.memory_space<vmem>> -> memref<80x16xf32, #tpu.memory_space<vmem>>
      %dma_start3A_25 = arith.constant 0 : i32
      %dma_start3A_26 = arith.constant 0 : i32
      %dma_start3A_27 = tpu.memref_slice %arg8[%dma_start3A_25, %dma_start3A_26] : memref<624x16xf32, #tpu.memory_space<hbm>> -> memref<80x16xf32, #tpu.memory_space<hbm>>
      %dma_start3A_28 = arith.constant 0 : i32
      %dma_start3A_29 = arith.constant 0 : i32
      %dma_start3A_30 = tpu.memref_slice %arg14[%run_scoped3A_0, %dma_start3A_28, %dma_start3A_29] : memref<2x80x16xf32, #tpu.memory_space<vmem>> -> memref<1x80x16xf32, #tpu.memory_space<vmem>>
      %dma_start3A_31 = tpu.memref_squeeze %dma_start3A_30 : memref<1x80x16xf32, #tpu.memory_space<vmem>> -> memref<80x16xf32, #tpu.memory_space<vmem>>
      %dma_start3A_32 = arith.constant 0 : i32
      %dma_start3A_33 = arith.constant 0 : i32
      %dma_start3A_34 = tpu.memref_slice %arg8[%dma_start3A_32, %dma_start3A_33] : memref<624x16xf32, #tpu.memory_space<hbm>> -> memref<80x16xf32, #tpu.memory_space<hbm>>
      tpu.enqueue_dma source(%dma_start3A_34 : memref<80x16xf32, #tpu.memory_space<hbm>>) target(%dma_start3A_31 : memref<80x16xf32, #tpu.memory_space<vmem>>) target_semaphore(%run_scoped3A_21 : memref<!tpu.dma_semaphore, #tpu.memory_space<semaphore_mem>>)
      %dma_wait3A = arith.constant 0 : i32
      %dma_wait3A_35 = arith.constant 0 : i32
      %dma_wait3A_36 = tpu.memref_slice %arg14[%run_scoped3A_0, %dma_wait3A, %dma_wait3A_35] : memref<2x80x16xf32, #tpu.memory_space<vmem>> -> memref<1x80x16xf32, #tpu.memory_space<vmem>>
      %dma_wait3A_37 = tpu.memref_squeeze %dma_wait3A_36 : memref<1x80x16xf32, #tpu.memory_space<vmem>> -> memref<80x16xf32, #tpu.memory_space<vmem>>
      %dma_wait3A_38 = arith.constant 0 : i32
      %dma_wait3A_39 = arith.constant 0 : i32
      %dma_wait3A_40 = tpu.memref_slice %arg8[%dma_wait3A_38, %dma_wait3A_39] : memref<624x16xf32, #tpu.memory_space<hbm>> -> memref<80x16xf32, #tpu.memory_space<hbm>>
      %dma_wait3A_41 = arith.constant 0 : i32
      %dma_wait3A_42 = arith.constant 0 : i32
      %dma_wait3A_43 = tpu.memref_slice %arg14[%run_scoped3A_0, %dma_wait3A_41, %dma_wait3A_42] : memref<2x80x16xf32, #tpu.memory_space<vmem>> -> memref<1x80x16xf32, #tpu.memory_space<vmem>>
      %dma_wait3A_44 = tpu.memref_squeeze %dma_wait3A_43 : memref<1x80x16xf32, #tpu.memory_space<vmem>> -> memref<80x16xf32, #tpu.memory_space<vmem>>
      %dma_wait3A_45 = arith.constant 0 : i32
      %dma_wait3A_46 = arith.constant 0 : i32
      %dma_wait3A_47 = tpu.memref_slice %arg8[%dma_wait3A_45, %dma_wait3A_46] : memref<624x16xf32, #tpu.memory_space<hbm>> -> memref<80x16xf32, #tpu.memory_space<hbm>>
      tpu.wait_dma2 semaphore(%run_scoped3A_21 : memref<!tpu.dma_semaphore, #tpu.memory_space<semaphore_mem>>) src(%dma_wait3A_47 : memref<80x16xf32, #tpu.memory_space<hbm>>) dst(%dma_wait3A_44 : memref<80x16xf32, #tpu.memory_space<vmem>>)
      tpu.yield
    }) : () -> ()
    %mul3A = arith.constant 624 : i32
    %mul3A_1 = arith.muli %arg1, %mul3A : i32
    "tpu.region"() ({
      %run_scoped3A_21 = tpu.sem_alloc : memref<!tpu.dma_semaphore, #tpu.memory_space<semaphore_mem>>
      %dma_start3A = arith.constant 0 : i32
      %dma_start3A_22 = tpu.memref_slice %arg17[%mul3A_1, %dma_start3A] : memref<10000x64xf32, #tpu.memory_space<vmem_shared>> -> memref<624x64xf32, #tpu.memory_space<vmem_shared>>
      tpu.enqueue_dma source(%arg7 : memref<624x64xf32, #tpu.memory_space<hbm>>) target(%dma_start3A_22 : memref<624x64xf32, #tpu.memory_space<vmem_shared>>) target_semaphore(%run_scoped3A_21 : memref<!tpu.dma_semaphore, #tpu.memory_space<semaphore_mem>>)
      %dma_wait3A = arith.constant 0 : i32
      %dma_wait3A_23 = tpu.memref_slice %arg17[%mul3A_1, %dma_wait3A] : memref<10000x64xf32, #tpu.memory_space<vmem_shared>> -> memref<624x64xf32, #tpu.memory_space<vmem_shared>>
      tpu.wait_dma2 semaphore(%run_scoped3A_21 : memref<!tpu.dma_semaphore, #tpu.memory_space<semaphore_mem>>) src(%arg7 : memref<624x64xf32, #tpu.memory_space<hbm>>) dst(%dma_wait3A_23 : memref<624x64xf32, #tpu.memory_space<vmem_shared>>)
      tpu.yield
    }) : () -> ()
    "tpu.region"() ({
      %run_scoped3A_21 = tpu.sem_alloc : memref<!tpu.dma_semaphore, #tpu.memory_space<semaphore_mem>>
      %dma_start3A = arith.constant 0 : i32
      %dma_start3A_22 = tpu.memref_slice %arg18[%mul3A_1, %dma_start3A] : memref<10000x16xf32, #tpu.memory_space<vmem_shared>> -> memref<624x16xf32, #tpu.memory_space<vmem_shared>>
      tpu.enqueue_dma source(%arg8 : memref<624x16xf32, #tpu.memory_space<hbm>>) target(%dma_start3A_22 : memref<624x16xf32, #tpu.memory_space<vmem_shared>>) target_semaphore(%run_scoped3A_21 : memref<!tpu.dma_semaphore, #tpu.memory_space<semaphore_mem>>)
      %dma_wait3A = arith.constant 0 : i32
      %dma_wait3A_23 = tpu.memref_slice %arg18[%mul3A_1, %dma_wait3A] : memref<10000x16xf32, #tpu.memory_space<vmem_shared>> -> memref<624x16xf32, #tpu.memory_space<vmem_shared>>
      tpu.wait_dma2 semaphore(%run_scoped3A_21 : memref<!tpu.dma_semaphore, #tpu.memory_space<semaphore_mem>>) src(%arg8 : memref<624x16xf32, #tpu.memory_space<hbm>>) dst(%dma_wait3A_23 : memref<624x16xf32, #tpu.memory_space<vmem_shared>>)
      tpu.yield
    }) : () -> ()
    %eq3A = arith.constant 15 : i32
    %eq3A_2 = arith.cmpi eq, %arg1, %eq3A : i32
    %convert_element_type3A = arith.extui %eq3A_2 : i1 to i32
    %cond3A = arith.constant 0 : i32
    %cond3A_3 = arith.cmpi ne, %convert_element_type3A, %cond3A : i32
    scf.if %cond3A_3 {
      "tpu.region"() ({
        %run_scoped3A_21 = tpu.sem_alloc : memref<!tpu.dma_semaphore, #tpu.memory_space<semaphore_mem>>
        %dma_start3A = arith.constant 9984 : i32
        %dma_start3A_22 = arith.constant 0 : i32
        %dma_start3A_23 = tpu.memref_slice %arg17[%dma_start3A, %dma_start3A_22] : memref<10000x64xf32, #tpu.memory_space<vmem_shared>> -> memref<16x64xf32, #tpu.memory_space<vmem_shared>>
        %dma_start3A_24 = arith.constant 0 : i32
        %dma_start3A_25 = arith.constant 0 : i32
        %dma_start3A_26 = tpu.memref_slice %arg7[%dma_start3A_24, %dma_start3A_25] : memref<624x64xf32, #tpu.memory_space<hbm>> -> memref<16x64xf32, #tpu.memory_space<hbm>>
        tpu.enqueue_dma source(%dma_start3A_26 : memref<16x64xf32, #tpu.memory_space<hbm>>) target(%dma_start3A_23 : memref<16x64xf32, #tpu.memory_space<vmem_shared>>) target_semaphore(%run_scoped3A_21 : memref<!tpu.dma_semaphore, #tpu.memory_space<semaphore_mem>>)
        %dma_wait3A = arith.constant 9984 : i32
        %dma_wait3A_27 = arith.constant 0 : i32
        %dma_wait3A_28 = tpu.memref_slice %arg17[%dma_wait3A, %dma_wait3A_27] : memref<10000x64xf32, #tpu.memory_space<vmem_shared>> -> memref<16x64xf32, #tpu.memory_space<vmem_shared>>
        %dma_wait3A_29 = arith.constant 0 : i32
        %dma_wait3A_30 = arith.constant 0 : i32
        %dma_wait3A_31 = tpu.memref_slice %arg7[%dma_wait3A_29, %dma_wait3A_30] : memref<624x64xf32, #tpu.memory_space<hbm>> -> memref<16x64xf32, #tpu.memory_space<hbm>>
        tpu.wait_dma2 semaphore(%run_scoped3A_21 : memref<!tpu.dma_semaphore, #tpu.memory_space<semaphore_mem>>) src(%dma_wait3A_31 : memref<16x64xf32, #tpu.memory_space<hbm>>) dst(%dma_wait3A_28 : memref<16x64xf32, #tpu.memory_space<vmem_shared>>)
        tpu.yield
      }) : () -> ()
      "tpu.region"() ({
        %run_scoped3A_21 = tpu.sem_alloc : memref<!tpu.dma_semaphore, #tpu.memory_space<semaphore_mem>>
        %dma_start3A = arith.constant 9984 : i32
        %dma_start3A_22 = arith.constant 0 : i32
        %dma_start3A_23 = tpu.memref_slice %arg18[%dma_start3A, %dma_start3A_22] : memref<10000x16xf32, #tpu.memory_space<vmem_shared>> -> memref<16x16xf32, #tpu.memory_space<vmem_shared>>
        %dma_start3A_24 = arith.constant 0 : i32
        %dma_start3A_25 = arith.constant 0 : i32
        %dma_start3A_26 = tpu.memref_slice %arg8[%dma_start3A_24, %dma_start3A_25] : memref<624x16xf32, #tpu.memory_space<hbm>> -> memref<16x16xf32, #tpu.memory_space<hbm>>
        tpu.enqueue_dma source(%dma_start3A_26 : memref<16x16xf32, #tpu.memory_space<hbm>>) target(%dma_start3A_23 : memref<16x16xf32, #tpu.memory_space<vmem_shared>>) target_semaphore(%run_scoped3A_21 : memref<!tpu.dma_semaphore, #tpu.memory_space<semaphore_mem>>)
        %dma_wait3A = arith.constant 9984 : i32
        %dma_wait3A_27 = arith.constant 0 : i32
        %dma_wait3A_28 = tpu.memref_slice %arg18[%dma_wait3A, %dma_wait3A_27] : memref<10000x16xf32, #tpu.memory_space<vmem_shared>> -> memref<16x16xf32, #tpu.memory_space<vmem_shared>>
        %dma_wait3A_29 = arith.constant 0 : i32
        %dma_wait3A_30 = arith.constant 0 : i32
        %dma_wait3A_31 = tpu.memref_slice %arg8[%dma_wait3A_29, %dma_wait3A_30] : memref<624x16xf32, #tpu.memory_space<hbm>> -> memref<16x16xf32, #tpu.memory_space<hbm>>
        tpu.wait_dma2 semaphore(%run_scoped3A_21 : memref<!tpu.dma_semaphore, #tpu.memory_space<semaphore_mem>>) src(%dma_wait3A_31 : memref<16x16xf32, #tpu.memory_space<hbm>>) dst(%dma_wait3A_28 : memref<16x16xf32, #tpu.memory_space<vmem_shared>>)
        tpu.yield
      }) : () -> ()
    } else {
    }
    %barrier3A = arith.constant 0 : index
    tpu.barrier barrier_id(%barrier3A)
    %broadcast_in_dim3A = arith.constant 0 : i32
    %broadcast_in_dim3A_4 = vector.broadcast %broadcast_in_dim3A : i32 to vector<16xi32>
    %eq3A_5 = arith.constant 0 : i32
    %eq3A_6 = arith.cmpi eq, %arg0, %eq3A_5 : i32
    %convert_element_type3A_7 = arith.extui %eq3A_6 : i1 to i32
    %cond3A_8 = arith.constant 0 : i32
    %cond3A_9 = arith.cmpi ne, %convert_element_type3A_7, %cond3A_8 : i32
    scf.if %cond3A_9 {
      %dma_start3A = arith.constant 0 : i32
      %dma_start3A_21 = arith.constant 0 : i32
      %dma_start3A_22 = arith.constant 0 : i32
      %dma_start3A_23 = tpu.memref_slice %arg11[%dma_start3A_21, %dma_start3A_22] : memref<4x80xi32, #tpu.memory_space<vmem>> -> memref<1x80xi32, #tpu.memory_space<vmem>>
      %dma_start3A_24 = tpu.memref_squeeze %dma_start3A_23 : memref<1x80xi32, #tpu.memory_space<vmem>> -> memref<80xi32, #tpu.memory_space<vmem>>
      %dma_start3A_25 = arith.constant 0 : i32
      %dma_start3A_26 = tpu.memref_slice %arg5[%arg1, %dma_start3A, %dma_start3A_25] : memref<16x250x80xi32, #tpu.memory_space<hbm>> -> memref<1x1x80xi32, #tpu.memory_space<hbm>>
      %dma_start3A_27 = tpu.memref_squeeze %dma_start3A_26 : memref<1x1x80xi32, #tpu.memory_space<hbm>> -> memref<80xi32, #tpu.memory_space<hbm>>
      %dma_start3A_28 = arith.constant 0 : i32
      %dma_start3A_29 = tpu.memref_slice %arg11[%dma_start3A_21, %dma_start3A_28] : memref<4x80xi32, #tpu.memory_space<vmem>> -> memref<1x80xi32, #tpu.memory_space<vmem>>
      %dma_start3A_30 = tpu.memref_squeeze %dma_start3A_29 : memref<1x80xi32, #tpu.memory_space<vmem>> -> memref<80xi32, #tpu.memory_space<vmem>>
      %dma_start3A_31 = arith.constant 0 : i32
      %dma_start3A_32 = tpu.memref_slice %arg5[%arg1, %dma_start3A, %dma_start3A_31] : memref<16x250x80xi32, #tpu.memory_space<hbm>> -> memref<1x1x80xi32, #tpu.memory_space<hbm>>
      %dma_start3A_33 = tpu.memref_squeeze %dma_start3A_32 : memref<1x1x80xi32, #tpu.memory_space<hbm>> -> memref<80xi32, #tpu.memory_space<hbm>>
      tpu.enqueue_dma source(%dma_start3A_33 : memref<80xi32, #tpu.memory_space<hbm>>) target(%dma_start3A_30 : memref<80xi32, #tpu.memory_space<vmem>>) target_semaphore(%arg19 : memref<!tpu.dma_semaphore, #tpu.memory_space<semaphore_mem>>)
      %dma_start3A_34 = arith.constant 0 : i32
      %dma_start3A_35 = arith.constant 0 : i32
      %dma_start3A_36 = arith.constant 0 : i32
      %dma_start3A_37 = tpu.memref_slice %arg12[%dma_start3A_35, %dma_start3A_36] : memref<4x80xi32, #tpu.memory_space<vmem>> -> memref<1x80xi32, #tpu.memory_space<vmem>>
      %dma_start3A_38 = tpu.memref_squeeze %dma_start3A_37 : memref<1x80xi32, #tpu.memory_space<vmem>> -> memref<80xi32, #tpu.memory_space<vmem>>
      %dma_start3A_39 = arith.constant 0 : i32
      %dma_start3A_40 = tpu.memref_slice %arg6[%arg1, %dma_start3A_34, %dma_start3A_39] : memref<16x250x80xi32, #tpu.memory_space<hbm>> -> memref<1x1x80xi32, #tpu.memory_space<hbm>>
      %dma_start3A_41 = tpu.memref_squeeze %dma_start3A_40 : memref<1x1x80xi32, #tpu.memory_space<hbm>> -> memref<80xi32, #tpu.memory_space<hbm>>
      %dma_start3A_42 = arith.constant 0 : i32
      %dma_start3A_43 = tpu.memref_slice %arg12[%dma_start3A_35, %dma_start3A_42] : memref<4x80xi32, #tpu.memory_space<vmem>> -> memref<1x80xi32, #tpu.memory_space<vmem>>
      %dma_start3A_44 = tpu.memref_squeeze %dma_start3A_43 : memref<1x80xi32, #tpu.memory_space<vmem>> -> memref<80xi32, #tpu.memory_space<vmem>>
      %dma_start3A_45 = arith.constant 0 : i32
      %dma_start3A_46 = tpu.memref_slice %arg6[%arg1, %dma_start3A_34, %dma_start3A_45] : memref<16x250x80xi32, #tpu.memory_space<hbm>> -> memref<1x1x80xi32, #tpu.memory_space<hbm>>
      %dma_start3A_47 = tpu.memref_squeeze %dma_start3A_46 : memref<1x1x80xi32, #tpu.memory_space<hbm>> -> memref<80xi32, #tpu.memory_space<hbm>>
      tpu.enqueue_dma source(%dma_start3A_47 : memref<80xi32, #tpu.memory_space<hbm>>) target(%dma_start3A_44 : memref<80xi32, #tpu.memory_space<vmem>>) target_semaphore(%arg19 : memref<!tpu.dma_semaphore, #tpu.memory_space<semaphore_mem>>)
      %dma_start3A_48 = arith.constant 0 : i32
      %dma_start3A_49 = arith.constant 0 : i32
      %dma_start3A_50 = arith.constant 0 : i32
      %dma_start3A_51 = tpu.memref_slice %arg13[%dma_start3A_49, %dma_start3A_50] : memref<4x80xf32, #tpu.memory_space<vmem>> -> memref<1x80xf32, #tpu.memory_space<vmem>>
      %dma_start3A_52 = tpu.memref_squeeze %dma_start3A_51 : memref<1x80xf32, #tpu.memory_space<vmem>> -> memref<80xf32, #tpu.memory_space<vmem>>
      %dma_start3A_53 = arith.constant 0 : i32
      %dma_start3A_54 = tpu.memref_slice %arg4[%arg1, %dma_start3A_48, %dma_start3A_53] : memref<16x250x80xf32, #tpu.memory_space<hbm>> -> memref<1x1x80xf32, #tpu.memory_space<hbm>>
      %dma_start3A_55 = tpu.memref_squeeze %dma_start3A_54 : memref<1x1x80xf32, #tpu.memory_space<hbm>> -> memref<80xf32, #tpu.memory_space<hbm>>
      %dma_start3A_56 = arith.constant 0 : i32
      %dma_start3A_57 = tpu.memref_slice %arg13[%dma_start3A_49, %dma_start3A_56] : memref<4x80xf32, #tpu.memory_space<vmem>> -> memref<1x80xf32, #tpu.memory_space<vmem>>
      %dma_start3A_58 = tpu.memref_squeeze %dma_start3A_57 : memref<1x80xf32, #tpu.memory_space<vmem>> -> memref<80xf32, #tpu.memory_space<vmem>>
      %dma_start3A_59 = arith.constant 0 : i32
      %dma_start3A_60 = tpu.memref_slice %arg4[%arg1, %dma_start3A_48, %dma_start3A_59] : memref<16x250x80xf32, #tpu.memory_space<hbm>> -> memref<1x1x80xf32, #tpu.memory_space<hbm>>
      %dma_start3A_61 = tpu.memref_squeeze %dma_start3A_60 : memref<1x1x80xf32, #tpu.memory_space<hbm>> -> memref<80xf32, #tpu.memory_space<hbm>>
      tpu.enqueue_dma source(%dma_start3A_61 : memref<80xf32, #tpu.memory_space<hbm>>) target(%dma_start3A_58 : memref<80xf32, #tpu.memory_space<vmem>>) target_semaphore(%arg19 : memref<!tpu.dma_semaphore, #tpu.memory_space<semaphore_mem>>)
      %dma_start3A_62 = arith.constant 1 : i32
      %dma_start3A_63 = arith.constant 1 : i32
      %dma_start3A_64 = arith.constant 0 : i32
      %dma_start3A_65 = tpu.memref_slice %arg11[%dma_start3A_63, %dma_start3A_64] : memref<4x80xi32, #tpu.memory_space<vmem>> -> memref<1x80xi32, #tpu.memory_space<vmem>>
      %dma_start3A_66 = tpu.memref_squeeze %dma_start3A_65 : memref<1x80xi32, #tpu.memory_space<vmem>> -> memref<80xi32, #tpu.memory_space<vmem>>
      %dma_start3A_67 = arith.constant 0 : i32
      %dma_start3A_68 = tpu.memref_slice %arg5[%arg1, %dma_start3A_62, %dma_start3A_67] : memref<16x250x80xi32, #tpu.memory_space<hbm>> -> memref<1x1x80xi32, #tpu.memory_space<hbm>>
      %dma_start3A_69 = tpu.memref_squeeze %dma_start3A_68 : memref<1x1x80xi32, #tpu.memory_space<hbm>> -> memref<80xi32, #tpu.memory_space<hbm>>
      %dma_start3A_70 = arith.constant 0 : i32
      %dma_start3A_71 = tpu.memref_slice %arg11[%dma_start3A_63, %dma_start3A_70] : memref<4x80xi32, #tpu.memory_space<vmem>> -> memref<1x80xi32, #tpu.memory_space<vmem>>
      %dma_start3A_72 = tpu.memref_squeeze %dma_start3A_71 : memref<1x80xi32, #tpu.memory_space<vmem>> -> memref<80xi32, #tpu.memory_space<vmem>>
      %dma_start3A_73 = arith.constant 0 : i32
      %dma_start3A_74 = tpu.memref_slice %arg5[%arg1, %dma_start3A_62, %dma_start3A_73] : memref<16x250x80xi32, #tpu.memory_space<hbm>> -> memref<1x1x80xi32, #tpu.memory_space<hbm>>
      %dma_start3A_75 = tpu.memref_squeeze %dma_start3A_74 : memref<1x1x80xi32, #tpu.memory_space<hbm>> -> memref<80xi32, #tpu.memory_space<hbm>>
      tpu.enqueue_dma source(%dma_start3A_75 : memref<80xi32, #tpu.memory_space<hbm>>) target(%dma_start3A_72 : memref<80xi32, #tpu.memory_space<vmem>>) target_semaphore(%arg19 : memref<!tpu.dma_semaphore, #tpu.memory_space<semaphore_mem>>)
      %dma_start3A_76 = arith.constant 1 : i32
      %dma_start3A_77 = arith.constant 1 : i32
      %dma_start3A_78 = arith.constant 0 : i32
      %dma_start3A_79 = tpu.memref_slice %arg12[%dma_start3A_77, %dma_start3A_78] : memref<4x80xi32, #tpu.memory_space<vmem>> -> memref<1x80xi32, #tpu.memory_space<vmem>>
      %dma_start3A_80 = tpu.memref_squeeze %dma_start3A_79 : memref<1x80xi32, #tpu.memory_space<vmem>> -> memref<80xi32, #tpu.memory_space<vmem>>
      %dma_start3A_81 = arith.constant 0 : i32
      %dma_start3A_82 = tpu.memref_slice %arg6[%arg1, %dma_start3A_76, %dma_start3A_81] : memref<16x250x80xi32, #tpu.memory_space<hbm>> -> memref<1x1x80xi32, #tpu.memory_space<hbm>>
      %dma_start3A_83 = tpu.memref_squeeze %dma_start3A_82 : memref<1x1x80xi32, #tpu.memory_space<hbm>> -> memref<80xi32, #tpu.memory_space<hbm>>
      %dma_start3A_84 = arith.constant 0 : i32
      %dma_start3A_85 = tpu.memref_slice %arg12[%dma_start3A_77, %dma_start3A_84] : memref<4x80xi32, #tpu.memory_space<vmem>> -> memref<1x80xi32, #tpu.memory_space<vmem>>
      %dma_start3A_86 = tpu.memref_squeeze %dma_start3A_85 : memref<1x80xi32, #tpu.memory_space<vmem>> -> memref<80xi32, #tpu.memory_space<vmem>>
      %dma_start3A_87 = arith.constant 0 : i32
      %dma_start3A_88 = tpu.memref_slice %arg6[%arg1, %dma_start3A_76, %dma_start3A_87] : memref<16x250x80xi32, #tpu.memory_space<hbm>> -> memref<1x1x80xi32, #tpu.memory_space<hbm>>
      %dma_start3A_89 = tpu.memref_squeeze %dma_start3A_88 : memref<1x1x80xi32, #tpu.memory_space<hbm>> -> memref<80xi32, #tpu.memory_space<hbm>>
      tpu.enqueue_dma source(%dma_start3A_89 : memref<80xi32, #tpu.memory_space<hbm>>) target(%dma_start3A_86 : memref<80xi32, #tpu.memory_space<vmem>>) target_semaphore(%arg19 : memref<!tpu.dma_semaphore, #tpu.memory_space<semaphore_mem>>)
      %dma_start3A_90 = arith.constant 1 : i32
      %dma_start3A_91 = arith.constant 1 : i32
      %dma_start3A_92 = arith.constant 0 : i32
      %dma_start3A_93 = tpu.memref_slice %arg13[%dma_start3A_91, %dma_start3A_92] : memref<4x80xf32, #tpu.memory_space<vmem>> -> memref<1x80xf32, #tpu.memory_space<vmem>>
      %dma_start3A_94 = tpu.memref_squeeze %dma_start3A_93 : memref<1x80xf32, #tpu.memory_space<vmem>> -> memref<80xf32, #tpu.memory_space<vmem>>
      %dma_start3A_95 = arith.constant 0 : i32
      %dma_start3A_96 = tpu.memref_slice %arg4[%arg1, %dma_start3A_90, %dma_start3A_95] : memref<16x250x80xf32, #tpu.memory_space<hbm>> -> memref<1x1x80xf32, #tpu.memory_space<hbm>>
      %dma_start3A_97 = tpu.memref_squeeze %dma_start3A_96 : memref<1x1x80xf32, #tpu.memory_space<hbm>> -> memref<80xf32, #tpu.memory_space<hbm>>
      %dma_start3A_98 = arith.constant 0 : i32
      %dma_start3A_99 = tpu.memref_slice %arg13[%dma_start3A_91, %dma_start3A_98] : memref<4x80xf32, #tpu.memory_space<vmem>> -> memref<1x80xf32, #tpu.memory_space<vmem>>
      %dma_start3A_100 = tpu.memref_squeeze %dma_start3A_99 : memref<1x80xf32, #tpu.memory_space<vmem>> -> memref<80xf32, #tpu.memory_space<vmem>>
      %dma_start3A_101 = arith.constant 0 : i32
      %dma_start3A_102 = tpu.memref_slice %arg4[%arg1, %dma_start3A_90, %dma_start3A_101] : memref<16x250x80xf32, #tpu.memory_space<hbm>> -> memref<1x1x80xf32, #tpu.memory_space<hbm>>
      %dma_start3A_103 = tpu.memref_squeeze %dma_start3A_102 : memref<1x1x80xf32, #tpu.memory_space<hbm>> -> memref<80xf32, #tpu.memory_space<hbm>>
      tpu.enqueue_dma source(%dma_start3A_103 : memref<80xf32, #tpu.memory_space<hbm>>) target(%dma_start3A_100 : memref<80xf32, #tpu.memory_space<vmem>>) target_semaphore(%arg19 : memref<!tpu.dma_semaphore, #tpu.memory_space<semaphore_mem>>)
      %dma_wait3A = arith.constant 0 : i32
      %dma_wait3A_104 = arith.constant 0 : i32
      %dma_wait3A_105 = arith.constant 0 : i32
      %dma_wait3A_106 = tpu.memref_slice %arg11[%dma_wait3A_104, %dma_wait3A_105] : memref<4x80xi32, #tpu.memory_space<vmem>> -> memref<1x80xi32, #tpu.memory_space<vmem>>
      %dma_wait3A_107 = tpu.memref_squeeze %dma_wait3A_106 : memref<1x80xi32, #tpu.memory_space<vmem>> -> memref<80xi32, #tpu.memory_space<vmem>>
      %dma_wait3A_108 = arith.constant 0 : i32
      %dma_wait3A_109 = tpu.memref_slice %arg5[%arg1, %dma_wait3A, %dma_wait3A_108] : memref<16x250x80xi32, #tpu.memory_space<hbm>> -> memref<1x1x80xi32, #tpu.memory_space<hbm>>
      %dma_wait3A_110 = tpu.memref_squeeze %dma_wait3A_109 : memref<1x1x80xi32, #tpu.memory_space<hbm>> -> memref<80xi32, #tpu.memory_space<hbm>>
      %dma_wait3A_111 = arith.constant 0 : i32
      %dma_wait3A_112 = tpu.memref_slice %arg11[%dma_wait3A_104, %dma_wait3A_111] : memref<4x80xi32, #tpu.memory_space<vmem>> -> memref<1x80xi32, #tpu.memory_space<vmem>>
      %dma_wait3A_113 = tpu.memref_squeeze %dma_wait3A_112 : memref<1x80xi32, #tpu.memory_space<vmem>> -> memref<80xi32, #tpu.memory_space<vmem>>
      %dma_wait3A_114 = arith.constant 0 : i32
      %dma_wait3A_115 = tpu.memref_slice %arg5[%arg1, %dma_wait3A, %dma_wait3A_114] : memref<16x250x80xi32, #tpu.memory_space<hbm>> -> memref<1x1x80xi32, #tpu.memory_space<hbm>>
      %dma_wait3A_116 = tpu.memref_squeeze %dma_wait3A_115 : memref<1x1x80xi32, #tpu.memory_space<hbm>> -> memref<80xi32, #tpu.memory_space<hbm>>
      tpu.wait_dma2 semaphore(%arg19 : memref<!tpu.dma_semaphore, #tpu.memory_space<semaphore_mem>>) src(%dma_wait3A_116 : memref<80xi32, #tpu.memory_space<hbm>>) dst(%dma_wait3A_113 : memref<80xi32, #tpu.memory_space<vmem>>)
      %dma_wait3A_117 = arith.constant 0 : i32
      %dma_wait3A_118 = arith.constant 0 : i32
      %dma_wait3A_119 = arith.constant 0 : i32
      %dma_wait3A_120 = tpu.memref_slice %arg12[%dma_wait3A_118, %dma_wait3A_119] : memref<4x80xi32, #tpu.memory_space<vmem>> -> memref<1x80xi32, #tpu.memory_space<vmem>>
      %dma_wait3A_121 = tpu.memref_squeeze %dma_wait3A_120 : memref<1x80xi32, #tpu.memory_space<vmem>> -> memref<80xi32, #tpu.memory_space<vmem>>
      %dma_wait3A_122 = arith.constant 0 : i32
      %dma_wait3A_123 = tpu.memref_slice %arg6[%arg1, %dma_wait3A_117, %dma_wait3A_122] : memref<16x250x80xi32, #tpu.memory_space<hbm>> -> memref<1x1x80xi32, #tpu.memory_space<hbm>>
      %dma_wait3A_124 = tpu.memref_squeeze %dma_wait3A_123 : memref<1x1x80xi32, #tpu.memory_space<hbm>> -> memref<80xi32, #tpu.memory_space<hbm>>
      %dma_wait3A_125 = arith.constant 0 : i32
      %dma_wait3A_126 = tpu.memref_slice %arg12[%dma_wait3A_118, %dma_wait3A_125] : memref<4x80xi32, #tpu.memory_space<vmem>> -> memref<1x80xi32, #tpu.memory_space<vmem>>
      %dma_wait3A_127 = tpu.memref_squeeze %dma_wait3A_126 : memref<1x80xi32, #tpu.memory_space<vmem>> -> memref<80xi32, #tpu.memory_space<vmem>>
      %dma_wait3A_128 = arith.constant 0 : i32
      %dma_wait3A_129 = tpu.memref_slice %arg6[%arg1, %dma_wait3A_117, %dma_wait3A_128] : memref<16x250x80xi32, #tpu.memory_space<hbm>> -> memref<1x1x80xi32, #tpu.memory_space<hbm>>
      %dma_wait3A_130 = tpu.memref_squeeze %dma_wait3A_129 : memref<1x1x80xi32, #tpu.memory_space<hbm>> -> memref<80xi32, #tpu.memory_space<hbm>>
      tpu.wait_dma2 semaphore(%arg19 : memref<!tpu.dma_semaphore, #tpu.memory_space<semaphore_mem>>) src(%dma_wait3A_130 : memref<80xi32, #tpu.memory_space<hbm>>) dst(%dma_wait3A_127 : memref<80xi32, #tpu.memory_space<vmem>>)
      %dma_wait3A_131 = arith.constant 0 : i32
      %dma_wait3A_132 = arith.constant 0 : i32
      %dma_wait3A_133 = arith.constant 0 : i32
      %dma_wait3A_134 = tpu.memref_slice %arg13[%dma_wait3A_132, %dma_wait3A_133] : memref<4x80xf32, #tpu.memory_space<vmem>> -> memref<1x80xf32, #tpu.memory_space<vmem>>
      %dma_wait3A_135 = tpu.memref_squeeze %dma_wait3A_134 : memref<1x80xf32, #tpu.memory_space<vmem>> -> memref<80xf32, #tpu.memory_space<vmem>>
      %dma_wait3A_136 = arith.constant 0 : i32
      %dma_wait3A_137 = tpu.memref_slice %arg4[%arg1, %dma_wait3A_131, %dma_wait3A_136] : memref<16x250x80xf32, #tpu.memory_space<hbm>> -> memref<1x1x80xf32, #tpu.memory_space<hbm>>
      %dma_wait3A_138 = tpu.memref_squeeze %dma_wait3A_137 : memref<1x1x80xf32, #tpu.memory_space<hbm>> -> memref<80xf32, #tpu.memory_space<hbm>>
      %dma_wait3A_139 = arith.constant 0 : i32
      %dma_wait3A_140 = tpu.memref_slice %arg13[%dma_wait3A_132, %dma_wait3A_139] : memref<4x80xf32, #tpu.memory_space<vmem>> -> memref<1x80xf32, #tpu.memory_space<vmem>>
      %dma_wait3A_141 = tpu.memref_squeeze %dma_wait3A_140 : memref<1x80xf32, #tpu.memory_space<vmem>> -> memref<80xf32, #tpu.memory_space<vmem>>
      %dma_wait3A_142 = arith.constant 0 : i32
      %dma_wait3A_143 = tpu.memref_slice %arg4[%arg1, %dma_wait3A_131, %dma_wait3A_142] : memref<16x250x80xf32, #tpu.memory_space<hbm>> -> memref<1x1x80xf32, #tpu.memory_space<hbm>>
      %dma_wait3A_144 = tpu.memref_squeeze %dma_wait3A_143 : memref<1x1x80xf32, #tpu.memory_space<hbm>> -> memref<80xf32, #tpu.memory_space<hbm>>
      tpu.wait_dma2 semaphore(%arg19 : memref<!tpu.dma_semaphore, #tpu.memory_space<semaphore_mem>>) src(%dma_wait3A_144 : memref<80xf32, #tpu.memory_space<hbm>>) dst(%dma_wait3A_141 : memref<80xf32, #tpu.memory_space<vmem>>)
      %dma_start3A_145 = arith.constant 0 : i32
      %dma_start3A_146 = arith.constant 0 : i32
      %dma_start3A_147 = arith.constant 0 : i32
      %dma_start3A_148 = arith.constant 0 : i32
      %dma_start3A_149 = tpu.memref_slice %arg15[%dma_start3A_146, %dma_start3A_147, %dma_start3A_148] : memref<2x80x32xi32, #tpu.memory_space<vmem>> -> memref<1x80x32xi32, #tpu.memory_space<vmem>>
      %dma_start3A_150 = tpu.memref_squeeze %dma_start3A_149 : memref<1x80x32xi32, #tpu.memory_space<vmem>> -> memref<80x32xi32, #tpu.memory_space<vmem>>
      %dma_start3A_151 = arith.constant 0 : i32
      %dma_start3A_152 = tpu.memref_slice %arg11[%dma_start3A_145, %dma_start3A_151] : memref<4x80xi32, #tpu.memory_space<vmem>> -> memref<1x80xi32, #tpu.memory_space<vmem>>
      %dma_start3A_153 = tpu.memref_squeeze %dma_start3A_152 : memref<1x80xi32, #tpu.memory_space<vmem>> -> memref<80xi32, #tpu.memory_space<vmem>>
      %dma_start3A_154 = arith.constant 0 : i32
      %dma_start3A_155 = arith.constant 0 : i32
      %dma_start3A_156 = tpu.memref_slice %arg2[%dma_start3A_154, %dma_start3A_155] : memref<10000x32xi32, #tpu.memory_space<hbm>> -> memref<10000x32xi32, #tpu.memory_space<hbm>>
      tpu.enqueue_indirect_dma source(%dma_start3A_156 : memref<10000x32xi32, #tpu.memory_space<hbm>>) target(%dma_start3A_150 : memref<80x32xi32, #tpu.memory_space<vmem>>) offsets(%dma_start3A_153 : memref<80xi32, #tpu.memory_space<vmem>>) semaphore(%arg20 : memref<!tpu.dma_semaphore, #tpu.memory_space<semaphore_mem>>)
      %scan3A = arith.constant 0 : i32
      %scan3A_157 = arith.constant 0 : i32
      %scan3A_158 = arith.constant 250 : i32
      %scan3A_159 = arith.addi %scan3A_157, %scan3A_158 : i32
      %scan3A_160 = arith.constant 1 : i32
      scf.for %scan3A_204 = %scan3A_157 to %scan3A_159 step %scan3A_160  : i32 {
        %jit3A = arith.constant 2 : i32
        %eq3A_205 = arith.constant 0 : i32
        %eq3A_206 = arith.cmpi eq, %jit3A, %eq3A_205 : i32
        %jit3A_207 = arith.constant 1 : i32
        %select_n3A = arith.select %eq3A_206, %jit3A_207, %jit3A : i32
        %rem3A = arith.remsi %scan3A_204, %select_n3A : i32
        %ne3A = arith.constant 0 : i32
        %ne3A_208 = arith.cmpi ne, %rem3A, %ne3A : i32
        %lt3A = arith.constant 0 : i32
        %lt3A_209 = arith.cmpi slt, %rem3A, %lt3A : i32
        %lt3A_210 = arith.constant 0 : i32
        %lt3A_211 = arith.cmpi slt, %select_n3A, %lt3A_210 : i32
        %ne3A_212 = arith.xori %lt3A_209, %lt3A_211 : i1
        %and3A = arith.andi %ne3A_212, %ne3A_208 : i1
        %add3A = arith.addi %rem3A, %select_n3A : i32
        %select_n3A_213 = arith.select %and3A, %add3A, %rem3A : i32
        %jit3A_214 = arith.constant 4 : i32
        %eq3A_215 = arith.constant 0 : i32
        %eq3A_216 = arith.cmpi eq, %jit3A_214, %eq3A_215 : i32
        %jit3A_217 = arith.constant 1 : i32
        %select_n3A_218 = arith.select %eq3A_216, %jit3A_217, %jit3A_214 : i32
        %rem3A_219 = arith.remsi %scan3A_204, %select_n3A_218 : i32
        %ne3A_220 = arith.constant 0 : i32
        %ne3A_221 = arith.cmpi ne, %rem3A_219, %ne3A_220 : i32
        %lt3A_222 = arith.constant 0 : i32
        %lt3A_223 = arith.cmpi slt, %rem3A_219, %lt3A_222 : i32
        %lt3A_224 = arith.constant 0 : i32
        %lt3A_225 = arith.cmpi slt, %select_n3A_218, %lt3A_224 : i32
        %ne3A_226 = arith.xori %lt3A_223, %lt3A_225 : i1
        %and3A_227 = arith.andi %ne3A_226, %ne3A_221 : i1
        %add3A_228 = arith.addi %rem3A_219, %select_n3A_218 : i32
        %select_n3A_229 = arith.select %and3A_227, %add3A_228, %rem3A_219 : i32
        %jit3A_230 = arith.constant 2 : i32
        %eq3A_231 = arith.constant 0 : i32
        %eq3A_232 = arith.cmpi eq, %jit3A_230, %eq3A_231 : i32
        %jit3A_233 = arith.constant 1 : i32
        %select_n3A_234 = arith.select %eq3A_232, %jit3A_233, %jit3A_230 : i32
        %rem3A_235 = arith.remsi %scan3A_204, %select_n3A_234 : i32
        %ne3A_236 = arith.constant 0 : i32
        %ne3A_237 = arith.cmpi ne, %rem3A_235, %ne3A_236 : i32
        %lt3A_238 = arith.constant 0 : i32
        %lt3A_239 = arith.cmpi slt, %rem3A_235, %lt3A_238 : i32
        %lt3A_240 = arith.constant 0 : i32
        %lt3A_241 = arith.cmpi slt, %select_n3A_234, %lt3A_240 : i32
        %ne3A_242 = arith.xori %lt3A_239, %lt3A_241 : i1
        %and3A_243 = arith.andi %ne3A_242, %ne3A_237 : i1
        %add3A_244 = arith.addi %rem3A_235, %select_n3A_234 : i32
        %select_n3A_245 = arith.select %and3A_243, %add3A_244, %rem3A_235 : i32
        %dma_wait3A_246 = arith.constant 0 : i32
        %dma_wait3A_247 = arith.constant 0 : i32
        %dma_wait3A_248 = tpu.memref_slice %arg15[%select_n3A_213, %dma_wait3A_246, %dma_wait3A_247] : memref<2x80x32xi32, #tpu.memory_space<vmem>> -> memref<1x80x32xi32, #tpu.memory_space<vmem>>
        %dma_wait3A_249 = tpu.memref_squeeze %dma_wait3A_248 : memref<1x80x32xi32, #tpu.memory_space<vmem>> -> memref<80x32xi32, #tpu.memory_space<vmem>>
        %dma_wait3A_250 = arith.constant 0 : i32
        %dma_wait3A_251 = tpu.memref_slice %arg11[%select_n3A_229, %dma_wait3A_250] : memref<4x80xi32, #tpu.memory_space<vmem>> -> memref<1x80xi32, #tpu.memory_space<vmem>>
        %dma_wait3A_252 = tpu.memref_squeeze %dma_wait3A_251 : memref<1x80xi32, #tpu.memory_space<vmem>> -> memref<80xi32, #tpu.memory_space<vmem>>
        %dma_wait3A_253 = arith.constant 0 : i32
        %dma_wait3A_254 = arith.constant 0 : i32
        %dma_wait3A_255 = tpu.memref_slice %arg2[%dma_wait3A_253, %dma_wait3A_254] : memref<10000x32xi32, #tpu.memory_space<hbm>> -> memref<10000x32xi32, #tpu.memory_space<hbm>>
        tpu.wait_indirect_dma semaphore(%arg20 : memref<!tpu.dma_semaphore, #tpu.memory_space<semaphore_mem>>) src(%dma_wait3A_255 : memref<10000x32xi32, #tpu.memory_space<hbm>>) dst(%dma_wait3A_249 : memref<80x32xi32, #tpu.memory_space<vmem>>)
        %ge3A = arith.constant 2 : i32
        %ge3A_256 = arith.cmpi sge, %scan3A_204, %ge3A : i32
        %convert_element_type3A_257 = arith.extui %ge3A_256 : i1 to i32
        %cond3A_258 = arith.constant 0 : i32
        %cond3A_259 = arith.cmpi ne, %convert_element_type3A_257, %cond3A_258 : i32
        scf.if %cond3A_259 {
          %sub3A = arith.constant 2 : i32
          %sub3A_298 = arith.subi %scan3A_204, %sub3A : i32
          %jit3A_299 = arith.constant 2 : i32
          %eq3A_300 = arith.constant 0 : i32
          %eq3A_301 = arith.cmpi eq, %jit3A_299, %eq3A_300 : i32
          %jit3A_302 = arith.constant 1 : i32
          %select_n3A_303 = arith.select %eq3A_301, %jit3A_302, %jit3A_299 : i32
          %rem3A_304 = arith.remsi %sub3A_298, %select_n3A_303 : i32
          %ne3A_305 = arith.constant 0 : i32
          %ne3A_306 = arith.cmpi ne, %rem3A_304, %ne3A_305 : i32
          %lt3A_307 = arith.constant 0 : i32
          %lt3A_308 = arith.cmpi slt, %rem3A_304, %lt3A_307 : i32
          %lt3A_309 = arith.constant 0 : i32
          %lt3A_310 = arith.cmpi slt, %select_n3A_303, %lt3A_309 : i32
          %ne3A_311 = arith.xori %lt3A_308, %lt3A_310 : i1
          %and3A_312 = arith.andi %ne3A_311, %ne3A_306 : i1
          %add3A_313 = arith.addi %rem3A_304, %select_n3A_303 : i32
          %select_n3A_314 = arith.select %and3A_312, %add3A_313, %rem3A_304 : i32
          %jit3A_315 = arith.constant 4 : i32
          %eq3A_316 = arith.constant 0 : i32
          %eq3A_317 = arith.cmpi eq, %jit3A_315, %eq3A_316 : i32
          %jit3A_318 = arith.constant 1 : i32
          %select_n3A_319 = arith.select %eq3A_317, %jit3A_318, %jit3A_315 : i32
          %rem3A_320 = arith.remsi %sub3A_298, %select_n3A_319 : i32
          %ne3A_321 = arith.constant 0 : i32
          %ne3A_322 = arith.cmpi ne, %rem3A_320, %ne3A_321 : i32
          %lt3A_323 = arith.constant 0 : i32
          %lt3A_324 = arith.cmpi slt, %rem3A_320, %lt3A_323 : i32
          %lt3A_325 = arith.constant 0 : i32
          %lt3A_326 = arith.cmpi slt, %select_n3A_319, %lt3A_325 : i32
          %ne3A_327 = arith.xori %lt3A_324, %lt3A_326 : i1
          %and3A_328 = arith.andi %ne3A_327, %ne3A_322 : i1
          %add3A_329 = arith.addi %rem3A_320, %select_n3A_319 : i32
          %select_n3A_330 = arith.select %and3A_328, %add3A_329, %rem3A_320 : i32
          %dma_wait3A_331 = arith.constant 0 : i32
          %dma_wait3A_332 = arith.constant 0 : i32
          %dma_wait3A_333 = tpu.memref_slice %arg16[%select_n3A_314, %dma_wait3A_331, %dma_wait3A_332] : memref<2x80x64xf32, #tpu.memory_space<vmem>> -> memref<1x80x64xf32, #tpu.memory_space<vmem>>
          %dma_wait3A_334 = tpu.memref_squeeze %dma_wait3A_333 : memref<1x80x64xf32, #tpu.memory_space<vmem>> -> memref<80x64xf32, #tpu.memory_space<vmem>>
          %dma_wait3A_335 = arith.constant 0 : i32
          %dma_wait3A_336 = tpu.memref_slice %arg12[%select_n3A_330, %dma_wait3A_335] : memref<4x80xi32, #tpu.memory_space<vmem>> -> memref<1x80xi32, #tpu.memory_space<vmem>>
          %dma_wait3A_337 = tpu.memref_squeeze %dma_wait3A_336 : memref<1x80xi32, #tpu.memory_space<vmem>> -> memref<80xi32, #tpu.memory_space<vmem>>
          %dma_wait3A_338 = arith.constant 0 : i32
          %dma_wait3A_339 = arith.constant 0 : i32
          %dma_wait3A_340 = tpu.memref_slice %arg17[%dma_wait3A_338, %dma_wait3A_339] : memref<10000x64xf32, #tpu.memory_space<vmem_shared>> -> memref<10000x64xf32, #tpu.memory_space<vmem_shared>>
          tpu.wait_indirect_dma semaphore(%arg21 : memref<!tpu.dma_semaphore, #tpu.memory_space<semaphore_mem>>) src(%dma_wait3A_334 : memref<80x64xf32, #tpu.memory_space<vmem>>) dst(%dma_wait3A_340 : memref<10000x64xf32, #tpu.memory_space<vmem_shared>>)
          %eq3A_341 = arith.constant 0 : i32
          %eq3A_342 = arith.cmpi eq, %arg0, %eq3A_341 : i32
          %lt3A_343 = arith.constant 125 : i32
          %lt3A_344 = arith.cmpi slt, %sub3A_298, %lt3A_343 : i32
          %eq3A_345 = arith.xori %eq3A_342, %lt3A_344 : i1
          %eq3A_346 = arith.constant true
          %eq3A_347 = arith.xori %eq3A_345, %eq3A_346 : i1
          %convert_element_type3A_348 = arith.extui %eq3A_347 : i1 to i32
          %cond3A_349 = arith.constant 0 : i32
          %cond3A_350 = arith.cmpi ne, %convert_element_type3A_348, %cond3A_349 : i32
          scf.if %cond3A_350 {
            %jit3A_351 = arith.constant 2 : i32
            %eq3A_352 = arith.constant 0 : i32
            %eq3A_353 = arith.cmpi eq, %jit3A_351, %eq3A_352 : i32
            %jit3A_354 = arith.constant 1 : i32
            %select_n3A_355 = arith.select %eq3A_353, %jit3A_354, %jit3A_351 : i32
            %rem3A_356 = arith.remsi %sub3A_298, %select_n3A_355 : i32
            %ne3A_357 = arith.constant 0 : i32
            %ne3A_358 = arith.cmpi ne, %rem3A_356, %ne3A_357 : i32
            %lt3A_359 = arith.constant 0 : i32
            %lt3A_360 = arith.cmpi slt, %rem3A_356, %lt3A_359 : i32
            %lt3A_361 = arith.constant 0 : i32
            %lt3A_362 = arith.cmpi slt, %select_n3A_355, %lt3A_361 : i32
            %ne3A_363 = arith.xori %lt3A_360, %lt3A_362 : i1
            %and3A_364 = arith.andi %ne3A_363, %ne3A_358 : i1
            %add3A_365 = arith.addi %rem3A_356, %select_n3A_355 : i32
            %select_n3A_366 = arith.select %and3A_364, %add3A_365, %rem3A_356 : i32
            %jit3A_367 = arith.constant 4 : i32
            %eq3A_368 = arith.constant 0 : i32
            %eq3A_369 = arith.cmpi eq, %jit3A_367, %eq3A_368 : i32
            %jit3A_370 = arith.constant 1 : i32
            %select_n3A_371 = arith.select %eq3A_369, %jit3A_370, %jit3A_367 : i32
            %rem3A_372 = arith.remsi %sub3A_298, %select_n3A_371 : i32
            %ne3A_373 = arith.constant 0 : i32
            %ne3A_374 = arith.cmpi ne, %rem3A_372, %ne3A_373 : i32
            %lt3A_375 = arith.constant 0 : i32
            %lt3A_376 = arith.cmpi slt, %rem3A_372, %lt3A_375 : i32
            %lt3A_377 = arith.constant 0 : i32
            %lt3A_378 = arith.cmpi slt, %select_n3A_371, %lt3A_377 : i32
            %ne3A_379 = arith.xori %lt3A_376, %lt3A_378 : i1
            %and3A_380 = arith.andi %ne3A_379, %ne3A_374 : i1
            %add3A_381 = arith.addi %rem3A_372, %select_n3A_371 : i32
            %select_n3A_382 = arith.select %and3A_380, %add3A_381, %rem3A_372 : i32
            %dma_wait3A_383 = arith.constant 0 : i32
            %dma_wait3A_384 = arith.constant 0 : i32
            %dma_wait3A_385 = tpu.memref_slice %arg14[%select_n3A_366, %dma_wait3A_383, %dma_wait3A_384] : memref<2x80x16xf32, #tpu.memory_space<vmem>> -> memref<1x80x16xf32, #tpu.memory_space<vmem>>
            %dma_wait3A_386 = tpu.memref_squeeze %dma_wait3A_385 : memref<1x80x16xf32, #tpu.memory_space<vmem>> -> memref<80x16xf32, #tpu.memory_space<vmem>>
            %dma_wait3A_387 = arith.constant 0 : i32
            %dma_wait3A_388 = tpu.memref_slice %arg12[%select_n3A_382, %dma_wait3A_387] : memref<4x80xi32, #tpu.memory_space<vmem>> -> memref<1x80xi32, #tpu.memory_space<vmem>>
            %dma_wait3A_389 = tpu.memref_squeeze %dma_wait3A_388 : memref<1x80xi32, #tpu.memory_space<vmem>> -> memref<80xi32, #tpu.memory_space<vmem>>
            %dma_wait3A_390 = arith.constant 0 : i32
            %dma_wait3A_391 = arith.constant 0 : i32
            %dma_wait3A_392 = tpu.memref_slice %arg18[%dma_wait3A_390, %dma_wait3A_391] : memref<10000x16xf32, #tpu.memory_space<vmem_shared>> -> memref<10000x16xf32, #tpu.memory_space<vmem_shared>>
            tpu.wait_indirect_dma semaphore(%arg21 : memref<!tpu.dma_semaphore, #tpu.memory_space<semaphore_mem>>) src(%dma_wait3A_386 : memref<80x16xf32, #tpu.memory_space<vmem>>) dst(%dma_wait3A_392 : memref<10000x16xf32, #tpu.memory_space<vmem_shared>>)
          } else {
          }
        } else {
        }
        %add3A_260 = arith.constant 2 : i32
        %add3A_261 = arith.addi %scan3A_204, %add3A_260 : i32
        %lt3A_262 = arith.constant 250 : i32
        %lt3A_263 = arith.cmpi slt, %add3A_261, %lt3A_262 : i32
        %convert_element_type3A_264 = arith.extui %lt3A_263 : i1 to i32
        %cond3A_265 = arith.constant 0 : i32
        %cond3A_266 = arith.cmpi ne, %convert_element_type3A_264, %cond3A_265 : i32
        scf.if %cond3A_266 {
          %add3A_298 = arith.constant 2 : i32
          %add3A_299 = arith.addi %scan3A_204, %add3A_298 : i32
          %jit3A_300 = arith.constant 4 : i32
          %eq3A_301 = arith.constant 0 : i32
          %eq3A_302 = arith.cmpi eq, %jit3A_300, %eq3A_301 : i32
          %jit3A_303 = arith.constant 1 : i32
          %select_n3A_304 = arith.select %eq3A_302, %jit3A_303, %jit3A_300 : i32
          %rem3A_305 = arith.remsi %add3A_299, %select_n3A_304 : i32
          %ne3A_306 = arith.constant 0 : i32
          %ne3A_307 = arith.cmpi ne, %rem3A_305, %ne3A_306 : i32
          %lt3A_308 = arith.constant 0 : i32
          %lt3A_309 = arith.cmpi slt, %rem3A_305, %lt3A_308 : i32
          %lt3A_310 = arith.constant 0 : i32
          %lt3A_311 = arith.cmpi slt, %select_n3A_304, %lt3A_310 : i32
          %ne3A_312 = arith.xori %lt3A_309, %lt3A_311 : i1
          %and3A_313 = arith.andi %ne3A_312, %ne3A_307 : i1
          %add3A_314 = arith.addi %rem3A_305, %select_n3A_304 : i32
          %select_n3A_315 = arith.select %and3A_313, %add3A_314, %rem3A_305 : i32
          %dma_start3A_316 = arith.constant 0 : i32
          %dma_start3A_317 = tpu.memref_slice %arg11[%select_n3A_315, %dma_start3A_316] : memref<4x80xi32, #tpu.memory_space<vmem>> -> memref<1x80xi32, #tpu.memory_space<vmem>>
          %dma_start3A_318 = tpu.memref_squeeze %dma_start3A_317 : memref<1x80xi32, #tpu.memory_space<vmem>> -> memref<80xi32, #tpu.memory_space<vmem>>
          %dma_start3A_319 = arith.constant 0 : i32
          %dma_start3A_320 = tpu.memref_slice %arg5[%arg1, %add3A_299, %dma_start3A_319] : memref<16x250x80xi32, #tpu.memory_space<hbm>> -> memref<1x1x80xi32, #tpu.memory_space<hbm>>
          %dma_start3A_321 = tpu.memref_squeeze %dma_start3A_320 : memref<1x1x80xi32, #tpu.memory_space<hbm>> -> memref<80xi32, #tpu.memory_space<hbm>>
          %dma_start3A_322 = arith.constant 0 : i32
          %dma_start3A_323 = tpu.memref_slice %arg11[%select_n3A_315, %dma_start3A_322] : memref<4x80xi32, #tpu.memory_space<vmem>> -> memref<1x80xi32, #tpu.memory_space<vmem>>
          %dma_start3A_324 = tpu.memref_squeeze %dma_start3A_323 : memref<1x80xi32, #tpu.memory_space<vmem>> -> memref<80xi32, #tpu.memory_space<vmem>>
          %dma_start3A_325 = arith.constant 0 : i32
          %dma_start3A_326 = tpu.memref_slice %arg5[%arg1, %add3A_299, %dma_start3A_325] : memref<16x250x80xi32, #tpu.memory_space<hbm>> -> memref<1x1x80xi32, #tpu.memory_space<hbm>>
          %dma_start3A_327 = tpu.memref_squeeze %dma_start3A_326 : memref<1x1x80xi32, #tpu.memory_space<hbm>> -> memref<80xi32, #tpu.memory_space<hbm>>
          tpu.enqueue_dma source(%dma_start3A_327 : memref<80xi32, #tpu.memory_space<hbm>>) target(%dma_start3A_324 : memref<80xi32, #tpu.memory_space<vmem>>) target_semaphore(%arg19 : memref<!tpu.dma_semaphore, #tpu.memory_space<semaphore_mem>>)
          %dma_start3A_328 = arith.constant 0 : i32
          %dma_start3A_329 = tpu.memref_slice %arg12[%select_n3A_315, %dma_start3A_328] : memref<4x80xi32, #tpu.memory_space<vmem>> -> memref<1x80xi32, #tpu.memory_space<vmem>>
          %dma_start3A_330 = tpu.memref_squeeze %dma_start3A_329 : memref<1x80xi32, #tpu.memory_space<vmem>> -> memref<80xi32, #tpu.memory_space<vmem>>
          %dma_start3A_331 = arith.constant 0 : i32
          %dma_start3A_332 = tpu.memref_slice %arg6[%arg1, %add3A_299, %dma_start3A_331] : memref<16x250x80xi32, #tpu.memory_space<hbm>> -> memref<1x1x80xi32, #tpu.memory_space<hbm>>
          %dma_start3A_333 = tpu.memref_squeeze %dma_start3A_332 : memref<1x1x80xi32, #tpu.memory_space<hbm>> -> memref<80xi32, #tpu.memory_space<hbm>>
          %dma_start3A_334 = arith.constant 0 : i32
          %dma_start3A_335 = tpu.memref_slice %arg12[%select_n3A_315, %dma_start3A_334] : memref<4x80xi32, #tpu.memory_space<vmem>> -> memref<1x80xi32, #tpu.memory_space<vmem>>
          %dma_start3A_336 = tpu.memref_squeeze %dma_start3A_335 : memref<1x80xi32, #tpu.memory_space<vmem>> -> memref<80xi32, #tpu.memory_space<vmem>>
          %dma_start3A_337 = arith.constant 0 : i32
          %dma_start3A_338 = tpu.memref_slice %arg6[%arg1, %add3A_299, %dma_start3A_337] : memref<16x250x80xi32, #tpu.memory_space<hbm>> -> memref<1x1x80xi32, #tpu.memory_space<hbm>>
          %dma_start3A_339 = tpu.memref_squeeze %dma_start3A_338 : memref<1x1x80xi32, #tpu.memory_space<hbm>> -> memref<80xi32, #tpu.memory_space<hbm>>
          tpu.enqueue_dma source(%dma_start3A_339 : memref<80xi32, #tpu.memory_space<hbm>>) target(%dma_start3A_336 : memref<80xi32, #tpu.memory_space<vmem>>) target_semaphore(%arg19 : memref<!tpu.dma_semaphore, #tpu.memory_space<semaphore_mem>>)
          %dma_start3A_340 = arith.constant 0 : i32
          %dma_start3A_341 = tpu.memref_slice %arg13[%select_n3A_315, %dma_start3A_340] : memref<4x80xf32, #tpu.memory_space<vmem>> -> memref<1x80xf32, #tpu.memory_space<vmem>>
          %dma_start3A_342 = tpu.memref_squeeze %dma_start3A_341 : memref<1x80xf32, #tpu.memory_space<vmem>> -> memref<80xf32, #tpu.memory_space<vmem>>
          %dma_start3A_343 = arith.constant 0 : i32
          %dma_start3A_344 = tpu.memref_slice %arg4[%arg1, %add3A_299, %dma_start3A_343] : memref<16x250x80xf32, #tpu.memory_space<hbm>> -> memref<1x1x80xf32, #tpu.memory_space<hbm>>
          %dma_start3A_345 = tpu.memref_squeeze %dma_start3A_344 : memref<1x1x80xf32, #tpu.memory_space<hbm>> -> memref<80xf32, #tpu.memory_space<hbm>>
          %dma_start3A_346 = arith.constant 0 : i32
          %dma_start3A_347 = tpu.memref_slice %arg13[%select_n3A_315, %dma_start3A_346] : memref<4x80xf32, #tpu.memory_space<vmem>> -> memref<1x80xf32, #tpu.memory_space<vmem>>
          %dma_start3A_348 = tpu.memref_squeeze %dma_start3A_347 : memref<1x80xf32, #tpu.memory_space<vmem>> -> memref<80xf32, #tpu.memory_space<vmem>>
          %dma_start3A_349 = arith.constant 0 : i32
          %dma_start3A_350 = tpu.memref_slice %arg4[%arg1, %add3A_299, %dma_start3A_349] : memref<16x250x80xf32, #tpu.memory_space<hbm>> -> memref<1x1x80xf32, #tpu.memory_space<hbm>>
          %dma_start3A_351 = tpu.memref_squeeze %dma_start3A_350 : memref<1x1x80xf32, #tpu.memory_space<hbm>> -> memref<80xf32, #tpu.memory_space<hbm>>
          tpu.enqueue_dma source(%dma_start3A_351 : memref<80xf32, #tpu.memory_space<hbm>>) target(%dma_start3A_348 : memref<80xf32, #tpu.memory_space<vmem>>) target_semaphore(%arg19 : memref<!tpu.dma_semaphore, #tpu.memory_space<semaphore_mem>>)
        } else {
        }
        %eq3A_267 = arith.constant 0 : i32
        %eq3A_268 = arith.cmpi eq, %arg0, %eq3A_267 : i32
        %lt3A_269 = arith.constant 125 : i32
        %lt3A_270 = arith.cmpi slt, %scan3A_204, %lt3A_269 : i32
        %eq3A_271 = arith.xori %eq3A_268, %lt3A_270 : i1
        %eq3A_272 = arith.constant true
        %eq3A_273 = arith.xori %eq3A_271, %eq3A_272 : i1
        %convert_element_type3A_274 = arith.extui %eq3A_273 : i1 to i32
        %cond3A_275 = arith.constant 0 : i32
        %cond3A_276 = arith.cmpi ne, %convert_element_type3A_274, %cond3A_275 : i32
        scf.if %cond3A_276 {
          %jit3A_298 = arith.constant 4 : i32
          %eq3A_299 = arith.constant 0 : i32
          %eq3A_300 = arith.cmpi eq, %jit3A_298, %eq3A_299 : i32
          %jit3A_301 = arith.constant 1 : i32
          %select_n3A_302 = arith.select %eq3A_300, %jit3A_301, %jit3A_298 : i32
          %rem3A_303 = arith.remsi %scan3A_204, %select_n3A_302 : i32
          %ne3A_304 = arith.constant 0 : i32
          %ne3A_305 = arith.cmpi ne, %rem3A_303, %ne3A_304 : i32
          %lt3A_306 = arith.constant 0 : i32
          %lt3A_307 = arith.cmpi slt, %rem3A_303, %lt3A_306 : i32
          %lt3A_308 = arith.constant 0 : i32
          %lt3A_309 = arith.cmpi slt, %select_n3A_302, %lt3A_308 : i32
          %ne3A_310 = arith.xori %lt3A_307, %lt3A_309 : i1
          %and3A_311 = arith.andi %ne3A_310, %ne3A_305 : i1
          %add3A_312 = arith.addi %rem3A_303, %select_n3A_302 : i32
          %select_n3A_313 = arith.select %and3A_311, %add3A_312, %rem3A_303 : i32
          %jit3A_314 = arith.constant 2 : i32
          %eq3A_315 = arith.constant 0 : i32
          %eq3A_316 = arith.cmpi eq, %jit3A_314, %eq3A_315 : i32
          %jit3A_317 = arith.constant 1 : i32
          %select_n3A_318 = arith.select %eq3A_316, %jit3A_317, %jit3A_314 : i32
          %rem3A_319 = arith.remsi %scan3A_204, %select_n3A_318 : i32
          %ne3A_320 = arith.constant 0 : i32
          %ne3A_321 = arith.cmpi ne, %rem3A_319, %ne3A_320 : i32
          %lt3A_322 = arith.constant 0 : i32
          %lt3A_323 = arith.cmpi slt, %rem3A_319, %lt3A_322 : i32
          %lt3A_324 = arith.constant 0 : i32
          %lt3A_325 = arith.cmpi slt, %select_n3A_318, %lt3A_324 : i32
          %ne3A_326 = arith.xori %lt3A_323, %lt3A_325 : i1
          %and3A_327 = arith.andi %ne3A_326, %ne3A_321 : i1
          %add3A_328 = arith.addi %rem3A_319, %select_n3A_318 : i32
          %select_n3A_329 = arith.select %and3A_327, %add3A_328, %rem3A_319 : i32
          %parallel_loop3A_330 = arith.constant 0 : i32
          %parallel_loop3A_331 = arith.constant 5 : i32
          %parallel_loop3A_332 = arith.constant 1 : i32
          scf.for %parallel_loop3A_343 = %parallel_loop3A_330 to %parallel_loop3A_331 step %parallel_loop3A_332  : i32 {
            %parallel_loop3A_344 = arith.constant 16 : i32
            %parallel_loop3A_345 = arith.muli %parallel_loop3A_343, %parallel_loop3A_344 : i32
            %parallel_loop3A_346 = arith.index_cast %select_n3A_313 : i32 to index
            %parallel_loop3A_347 = arith.index_cast %parallel_loop3A_345 : i32 to index
            %parallel_loop3A_348 = tpu.vector_load %arg13[%parallel_loop3A_346, %parallel_loop3A_347] {strides = array<i32>} : memref<4x80xf32, #tpu.memory_space<vmem>>, vector<16xf32>,
            %parallel_loop3A_349 = vector.broadcast %select_n3A_329 : i32 to vector<16xi32>
            %parallel_loop3A_350 = arith.constant 16 : i32
            %parallel_loop3A_351 = arith.muli %parallel_loop3A_343, %parallel_loop3A_350 : i32
            %parallel_loop3A_352 = tpu.iota {dimensions = array<i32: 0>} : vector<16xi32>
            %parallel_loop3A_353 = vector.broadcast %parallel_loop3A_351 : i32 to vector<16xi32>
            %parallel_loop3A_354 = arith.addi %parallel_loop3A_353, %parallel_loop3A_352 : vector<16xi32>
            tpu.vector_store_idx %arg14[%parallel_loop3A_349, %parallel_loop3A_354, %broadcast_in_dim3A_4], %parallel_loop3A_348 : memref<2x80x16xf32, #tpu.memory_space<vmem>>[vector<16xi32>, vector<16xi32>, vector<16xi32>], vector<16xf32>,
          } {sc.loop_unroll_factor = 5 : i64, sc.parallel_access}
          %dma_start3A_333 = arith.constant 0 : i32
          %dma_start3A_334 = arith.constant 0 : i32
          %dma_start3A_335 = tpu.memref_slice %arg14[%select_n3A_245, %dma_start3A_333, %dma_start3A_334] : memref<2x80x16xf32, #tpu.memory_space<vmem>> -> memref<1x80x16xf32, #tpu.memory_space<vmem>>
          %dma_start3A_336 = tpu.memref_squeeze %dma_start3A_335 : memref<1x80x16xf32, #tpu.memory_space<vmem>> -> memref<80x16xf32, #tpu.memory_space<vmem>>
          %dma_start3A_337 = arith.constant 0 : i32
          %dma_start3A_338 = tpu.memref_slice %arg12[%select_n3A_229, %dma_start3A_337] : memref<4x80xi32, #tpu.memory_space<vmem>> -> memref<1x80xi32, #tpu.memory_space<vmem>>
          %dma_start3A_339 = tpu.memref_squeeze %dma_start3A_338 : memref<1x80xi32, #tpu.memory_space<vmem>> -> memref<80xi32, #tpu.memory_space<vmem>>
          %dma_start3A_340 = arith.constant 0 : i32
          %dma_start3A_341 = arith.constant 0 : i32
          %dma_start3A_342 = tpu.memref_slice %arg18[%dma_start3A_340, %dma_start3A_341] : memref<10000x16xf32, #tpu.memory_space<vmem_shared>> -> memref<10000x16xf32, #tpu.memory_space<vmem_shared>>
          tpu.enqueue_indirect_dma source(%dma_start3A_336 : memref<80x16xf32, #tpu.memory_space<vmem>>) target(%dma_start3A_342 : memref<10000x16xf32, #tpu.memory_space<vmem_shared>>) offsets(%dma_start3A_339 : memref<80xi32, #tpu.memory_space<vmem>>) semaphore(%arg21 : memref<!tpu.dma_semaphore, #tpu.memory_space<semaphore_mem>>) {add = true}
        } else {
        }
        %add3A_277 = arith.constant 1 : i32
        %add3A_278 = arith.addi %scan3A_204, %add3A_277 : i32
        %lt3A_279 = arith.constant 250 : i32
        %lt3A_280 = arith.cmpi slt, %add3A_278, %lt3A_279 : i32
        %convert_element_type3A_281 = arith.extui %lt3A_280 : i1 to i32
        %cond3A_282 = arith.constant 0 : i32
        %cond3A_283 = arith.cmpi ne, %convert_element_type3A_281, %cond3A_282 : i32
        scf.if %cond3A_283 {
          %add3A_298 = arith.constant 1 : i32
          %add3A_299 = arith.addi %scan3A_204, %add3A_298 : i32
          %jit3A_300 = arith.constant 4 : i32
          %eq3A_301 = arith.constant 0 : i32
          %eq3A_302 = arith.cmpi eq, %jit3A_300, %eq3A_301 : i32
          %jit3A_303 = arith.constant 1 : i32
          %select_n3A_304 = arith.select %eq3A_302, %jit3A_303, %jit3A_300 : i32
          %rem3A_305 = arith.remsi %add3A_299, %select_n3A_304 : i32
          %ne3A_306 = arith.constant 0 : i32
          %ne3A_307 = arith.cmpi ne, %rem3A_305, %ne3A_306 : i32
          %lt3A_308 = arith.constant 0 : i32
          %lt3A_309 = arith.cmpi slt, %rem3A_305, %lt3A_308 : i32
          %lt3A_310 = arith.constant 0 : i32
          %lt3A_311 = arith.cmpi slt, %select_n3A_304, %lt3A_310 : i32
          %ne3A_312 = arith.xori %lt3A_309, %lt3A_311 : i1
          %and3A_313 = arith.andi %ne3A_312, %ne3A_307 : i1
          %add3A_314 = arith.addi %rem3A_305, %select_n3A_304 : i32
          %select_n3A_315 = arith.select %and3A_313, %add3A_314, %rem3A_305 : i32
          %dma_wait3A_316 = arith.constant 0 : i32
          %dma_wait3A_317 = tpu.memref_slice %arg11[%select_n3A_315, %dma_wait3A_316] : memref<4x80xi32, #tpu.memory_space<vmem>> -> memref<1x80xi32, #tpu.memory_space<vmem>>
          %dma_wait3A_318 = tpu.memref_squeeze %dma_wait3A_317 : memref<1x80xi32, #tpu.memory_space<vmem>> -> memref<80xi32, #tpu.memory_space<vmem>>
          %dma_wait3A_319 = arith.constant 0 : i32
          %dma_wait3A_320 = tpu.memref_slice %arg5[%arg1, %add3A_299, %dma_wait3A_319] : memref<16x250x80xi32, #tpu.memory_space<hbm>> -> memref<1x1x80xi32, #tpu.memory_space<hbm>>
          %dma_wait3A_321 = tpu.memref_squeeze %dma_wait3A_320 : memref<1x1x80xi32, #tpu.memory_space<hbm>> -> memref<80xi32, #tpu.memory_space<hbm>>
          %dma_wait3A_322 = arith.constant 0 : i32
          %dma_wait3A_323 = tpu.memref_slice %arg11[%select_n3A_315, %dma_wait3A_322] : memref<4x80xi32, #tpu.memory_space<vmem>> -> memref<1x80xi32, #tpu.memory_space<vmem>>
          %dma_wait3A_324 = tpu.memref_squeeze %dma_wait3A_323 : memref<1x80xi32, #tpu.memory_space<vmem>> -> memref<80xi32, #tpu.memory_space<vmem>>
          %dma_wait3A_325 = arith.constant 0 : i32
          %dma_wait3A_326 = tpu.memref_slice %arg5[%arg1, %add3A_299, %dma_wait3A_325] : memref<16x250x80xi32, #tpu.memory_space<hbm>> -> memref<1x1x80xi32, #tpu.memory_space<hbm>>
          %dma_wait3A_327 = tpu.memref_squeeze %dma_wait3A_326 : memref<1x1x80xi32, #tpu.memory_space<hbm>> -> memref<80xi32, #tpu.memory_space<hbm>>
          tpu.wait_dma2 semaphore(%arg19 : memref<!tpu.dma_semaphore, #tpu.memory_space<semaphore_mem>>) src(%dma_wait3A_327 : memref<80xi32, #tpu.memory_space<hbm>>) dst(%dma_wait3A_324 : memref<80xi32, #tpu.memory_space<vmem>>)
          %dma_wait3A_328 = arith.constant 0 : i32
          %dma_wait3A_329 = tpu.memref_slice %arg12[%select_n3A_315, %dma_wait3A_328] : memref<4x80xi32, #tpu.memory_space<vmem>> -> memref<1x80xi32, #tpu.memory_space<vmem>>
          %dma_wait3A_330 = tpu.memref_squeeze %dma_wait3A_329 : memref<1x80xi32, #tpu.memory_space<vmem>> -> memref<80xi32, #tpu.memory_space<vmem>>
          %dma_wait3A_331 = arith.constant 0 : i32
          %dma_wait3A_332 = tpu.memref_slice %arg6[%arg1, %add3A_299, %dma_wait3A_331] : memref<16x250x80xi32, #tpu.memory_space<hbm>> -> memref<1x1x80xi32, #tpu.memory_space<hbm>>
          %dma_wait3A_333 = tpu.memref_squeeze %dma_wait3A_332 : memref<1x1x80xi32, #tpu.memory_space<hbm>> -> memref<80xi32, #tpu.memory_space<hbm>>
          %dma_wait3A_334 = arith.constant 0 : i32
          %dma_wait3A_335 = tpu.memref_slice %arg12[%select_n3A_315, %dma_wait3A_334] : memref<4x80xi32, #tpu.memory_space<vmem>> -> memref<1x80xi32, #tpu.memory_space<vmem>>
          %dma_wait3A_336 = tpu.memref_squeeze %dma_wait3A_335 : memref<1x80xi32, #tpu.memory_space<vmem>> -> memref<80xi32, #tpu.memory_space<vmem>>
          %dma_wait3A_337 = arith.constant 0 : i32
          %dma_wait3A_338 = tpu.memref_slice %arg6[%arg1, %add3A_299, %dma_wait3A_337] : memref<16x250x80xi32, #tpu.memory_space<hbm>> -> memref<1x1x80xi32, #tpu.memory_space<hbm>>
          %dma_wait3A_339 = tpu.memref_squeeze %dma_wait3A_338 : memref<1x1x80xi32, #tpu.memory_space<hbm>> -> memref<80xi32, #tpu.memory_space<hbm>>
          tpu.wait_dma2 semaphore(%arg19 : memref<!tpu.dma_semaphore, #tpu.memory_space<semaphore_mem>>) src(%dma_wait3A_339 : memref<80xi32, #tpu.memory_space<hbm>>) dst(%dma_wait3A_336 : memref<80xi32, #tpu.memory_space<vmem>>)
          %dma_wait3A_340 = arith.constant 0 : i32
          %dma_wait3A_341 = tpu.memref_slice %arg13[%select_n3A_315, %dma_wait3A_340] : memref<4x80xf32, #tpu.memory_space<vmem>> -> memref<1x80xf32, #tpu.memory_space<vmem>>
          %dma_wait3A_342 = tpu.memref_squeeze %dma_wait3A_341 : memref<1x80xf32, #tpu.memory_space<vmem>> -> memref<80xf32, #tpu.memory_space<vmem>>
          %dma_wait3A_343 = arith.constant 0 : i32
          %dma_wait3A_344 = tpu.memref_slice %arg4[%arg1, %add3A_299, %dma_wait3A_343] : memref<16x250x80xf32, #tpu.memory_space<hbm>> -> memref<1x1x80xf32, #tpu.memory_space<hbm>>
          %dma_wait3A_345 = tpu.memref_squeeze %dma_wait3A_344 : memref<1x1x80xf32, #tpu.memory_space<hbm>> -> memref<80xf32, #tpu.memory_space<hbm>>
          %dma_wait3A_346 = arith.constant 0 : i32
          %dma_wait3A_347 = tpu.memref_slice %arg13[%select_n3A_315, %dma_wait3A_346] : memref<4x80xf32, #tpu.memory_space<vmem>> -> memref<1x80xf32, #tpu.memory_space<vmem>>
          %dma_wait3A_348 = tpu.memref_squeeze %dma_wait3A_347 : memref<1x80xf32, #tpu.memory_space<vmem>> -> memref<80xf32, #tpu.memory_space<vmem>>
          %dma_wait3A_349 = arith.constant 0 : i32
          %dma_wait3A_350 = tpu.memref_slice %arg4[%arg1, %add3A_299, %dma_wait3A_349] : memref<16x250x80xf32, #tpu.memory_space<hbm>> -> memref<1x1x80xf32, #tpu.memory_space<hbm>>
          %dma_wait3A_351 = tpu.memref_squeeze %dma_wait3A_350 : memref<1x1x80xf32, #tpu.memory_space<hbm>> -> memref<80xf32, #tpu.memory_space<hbm>>
          tpu.wait_dma2 semaphore(%arg19 : memref<!tpu.dma_semaphore, #tpu.memory_space<semaphore_mem>>) src(%dma_wait3A_351 : memref<80xf32, #tpu.memory_space<hbm>>) dst(%dma_wait3A_348 : memref<80xf32, #tpu.memory_space<vmem>>)
          %add3A_352 = arith.constant 1 : i32
          %add3A_353 = arith.addi %scan3A_204, %add3A_352 : i32
          %jit3A_354 = arith.constant 4 : i32
          %eq3A_355 = arith.constant 0 : i32
          %eq3A_356 = arith.cmpi eq, %jit3A_354, %eq3A_355 : i32
          %jit3A_357 = arith.constant 1 : i32
          %select_n3A_358 = arith.select %eq3A_356, %jit3A_357, %jit3A_354 : i32
          %rem3A_359 = arith.remsi %add3A_353, %select_n3A_358 : i32
          %ne3A_360 = arith.constant 0 : i32
          %ne3A_361 = arith.cmpi ne, %rem3A_359, %ne3A_360 : i32
          %lt3A_362 = arith.constant 0 : i32
          %lt3A_363 = arith.cmpi slt, %rem3A_359, %lt3A_362 : i32
          %lt3A_364 = arith.constant 0 : i32
          %lt3A_365 = arith.cmpi slt, %select_n3A_358, %lt3A_364 : i32
          %ne3A_366 = arith.xori %lt3A_363, %lt3A_365 : i1
          %and3A_367 = arith.andi %ne3A_366, %ne3A_361 : i1
          %add3A_368 = arith.addi %rem3A_359, %select_n3A_358 : i32
          %select_n3A_369 = arith.select %and3A_367, %add3A_368, %rem3A_359 : i32
          %add3A_370 = arith.constant 1 : i32
          %add3A_371 = arith.addi %scan3A_204, %add3A_370 : i32
          %jit3A_372 = arith.constant 2 : i32
          %eq3A_373 = arith.constant 0 : i32
          %eq3A_374 = arith.cmpi eq, %jit3A_372, %eq3A_373 : i32
          %jit3A_375 = arith.constant 1 : i32
          %select_n3A_376 = arith.select %eq3A_374, %jit3A_375, %jit3A_372 : i32
          %rem3A_377 = arith.remsi %add3A_371, %select_n3A_376 : i32
          %ne3A_378 = arith.constant 0 : i32
          %ne3A_379 = arith.cmpi ne, %rem3A_377, %ne3A_378 : i32
          %lt3A_380 = arith.constant 0 : i32
          %lt3A_381 = arith.cmpi slt, %rem3A_377, %lt3A_380 : i32
          %lt3A_382 = arith.constant 0 : i32
          %lt3A_383 = arith.cmpi slt, %select_n3A_376, %lt3A_382 : i32
          %ne3A_384 = arith.xori %lt3A_381, %lt3A_383 : i1
          %and3A_385 = arith.andi %ne3A_384, %ne3A_379 : i1
          %add3A_386 = arith.addi %rem3A_377, %select_n3A_376 : i32
          %select_n3A_387 = arith.select %and3A_385, %add3A_386, %rem3A_377 : i32
          %dma_start3A_388 = arith.constant 0 : i32
          %dma_start3A_389 = arith.constant 0 : i32
          %dma_start3A_390 = tpu.memref_slice %arg15[%select_n3A_387, %dma_start3A_388, %dma_start3A_389] : memref<2x80x32xi32, #tpu.memory_space<vmem>> -> memref<1x80x32xi32, #tpu.memory_space<vmem>>
          %dma_start3A_391 = tpu.memref_squeeze %dma_start3A_390 : memref<1x80x32xi32, #tpu.memory_space<vmem>> -> memref<80x32xi32, #tpu.memory_space<vmem>>
          %dma_start3A_392 = arith.constant 0 : i32
          %dma_start3A_393 = tpu.memref_slice %arg11[%select_n3A_369, %dma_start3A_392] : memref<4x80xi32, #tpu.memory_space<vmem>> -> memref<1x80xi32, #tpu.memory_space<vmem>>
          %dma_start3A_394 = tpu.memref_squeeze %dma_start3A_393 : memref<1x80xi32, #tpu.memory_space<vmem>> -> memref<80xi32, #tpu.memory_space<vmem>>
          %dma_start3A_395 = arith.constant 0 : i32
          %dma_start3A_396 = arith.constant 0 : i32
          %dma_start3A_397 = tpu.memref_slice %arg2[%dma_start3A_395, %dma_start3A_396] : memref<10000x32xi32, #tpu.memory_space<hbm>> -> memref<10000x32xi32, #tpu.memory_space<hbm>>
          tpu.enqueue_indirect_dma source(%dma_start3A_397 : memref<10000x32xi32, #tpu.memory_space<hbm>>) target(%dma_start3A_391 : memref<80x32xi32, #tpu.memory_space<vmem>>) offsets(%dma_start3A_394 : memref<80xi32, #tpu.memory_space<vmem>>) semaphore(%arg20 : memref<!tpu.dma_semaphore, #tpu.memory_space<semaphore_mem>>)
        } else {
        }
        %broadcast_in_dim3A_284 = arith.constant -65536 : i32
        %broadcast_in_dim3A_285 = vector.broadcast %broadcast_in_dim3A_284 : i32 to vector<16xi32>
        %parallel_loop3A = arith.constant 0 : i32
        %parallel_loop3A_286 = arith.constant 80 : i32
        %parallel_loop3A_287 = arith.constant 1 : i32
        scf.for %parallel_loop3A_298 = %parallel_loop3A to %parallel_loop3A_286 step %parallel_loop3A_287  : i32 {
          %parallel_loop3A_299 = vector.broadcast %select_n3A_229 : i32 to vector<16xi32>
          %parallel_loop3A_300 = vector.broadcast %parallel_loop3A_298 : i32 to vector<16xi32>
          %parallel_loop3A_301 = tpu.vector_load_idx %arg13[%parallel_loop3A_299, %parallel_loop3A_300] : memref<4x80xf32, #tpu.memory_space<vmem>>[vector<16xi32>, vector<16xi32>], vector<16xf32>,
          %parallel_loop3A_302 = arith.index_cast %select_n3A_213 : i32 to index
          %parallel_loop3A_303 = arith.index_cast %parallel_loop3A_298 : i32 to index
          %parallel_loop3A_304 = arith.constant 0 : index
          %parallel_loop3A_305 = tpu.vector_load %arg15[%parallel_loop3A_302, %parallel_loop3A_303, %parallel_loop3A_304] {strides = array<i32>} : memref<2x80x32xi32, #tpu.memory_space<vmem>>, vector<16xi32>,
          %parallel_loop3A_306 = arith.constant 16 : i32
          %parallel_loop3A_307 = vector.broadcast %parallel_loop3A_306 : i32 to vector<16xi32>
          %parallel_loop3A_308 = arith.shli %parallel_loop3A_305, %parallel_loop3A_307 : vector<16xi32>
          %parallel_loop3A_309 = vector.bitcast %parallel_loop3A_308 : vector<16xi32> to vector<16xf32>
          %parallel_loop3A_310 = arith.andi %parallel_loop3A_305, %broadcast_in_dim3A_285 : vector<16xi32>
          %parallel_loop3A_311 = vector.bitcast %parallel_loop3A_310 : vector<16xi32> to vector<16xf32>
          %parallel_loop3A_312 = arith.mulf %parallel_loop3A_309, %parallel_loop3A_301 : vector<16xf32>
          %parallel_loop3A_313 = arith.index_cast %select_n3A_213 : i32 to index
          %parallel_loop3A_314 = arith.index_cast %parallel_loop3A_298 : i32 to index
          %parallel_loop3A_315 = arith.constant 0 : index
          %parallel_loop3A_316 = tpu.vector_load %arg16[%parallel_loop3A_313, %parallel_loop3A_314, %parallel_loop3A_315] {strides = array<i32>} : memref<2x80x64xf32, #tpu.memory_space<vmem>>, vector<16xf32>,
          tpu.vector_store %arg16[%parallel_loop3A_313, %parallel_loop3A_314, %parallel_loop3A_315], %parallel_loop3A_312 {strides = array<i32>} : memref<2x80x64xf32, #tpu.memory_space<vmem>>, vector<16xf32>,
          %parallel_loop3A_317 = arith.mulf %parallel_loop3A_311, %parallel_loop3A_301 : vector<16xf32>
          %parallel_loop3A_318 = arith.index_cast %select_n3A_213 : i32 to index
          %parallel_loop3A_319 = arith.index_cast %parallel_loop3A_298 : i32 to index
          %parallel_loop3A_320 = arith.constant 16 : index
          %parallel_loop3A_321 = tpu.vector_load %arg16[%parallel_loop3A_318, %parallel_loop3A_319, %parallel_loop3A_320] {strides = array<i32>} : memref<2x80x64xf32, #tpu.memory_space<vmem>>, vector<16xf32>,
          tpu.vector_store %arg16[%parallel_loop3A_318, %parallel_loop3A_319, %parallel_loop3A_320], %parallel_loop3A_317 {strides = array<i32>} : memref<2x80x64xf32, #tpu.memory_space<vmem>>, vector<16xf32>,
          %parallel_loop3A_322 = arith.index_cast %select_n3A_213 : i32 to index
          %parallel_loop3A_323 = arith.index_cast %parallel_loop3A_298 : i32 to index
          %parallel_loop3A_324 = arith.constant 16 : index
          %parallel_loop3A_325 = tpu.vector_load %arg15[%parallel_loop3A_322, %parallel_loop3A_323, %parallel_loop3A_324] {strides = array<i32>} : memref<2x80x32xi32, #tpu.memory_space<vmem>>, vector<16xi32>,
          %parallel_loop3A_326 = arith.constant 16 : i32
          %parallel_loop3A_327 = vector.broadcast %parallel_loop3A_326 : i32 to vector<16xi32>
          %parallel_loop3A_328 = arith.shli %parallel_loop3A_325, %parallel_loop3A_327 : vector<16xi32>
          %parallel_loop3A_329 = vector.bitcast %parallel_loop3A_328 : vector<16xi32> to vector<16xf32>
          %parallel_loop3A_330 = arith.andi %parallel_loop3A_325, %broadcast_in_dim3A_285 : vector<16xi32>
          %parallel_loop3A_331 = vector.bitcast %parallel_loop3A_330 : vector<16xi32> to vector<16xf32>
          %parallel_loop3A_332 = arith.mulf %parallel_loop3A_329, %parallel_loop3A_301 : vector<16xf32>
          %parallel_loop3A_333 = arith.index_cast %select_n3A_213 : i32 to index
          %parallel_loop3A_334 = arith.index_cast %parallel_loop3A_298 : i32 to index
          %parallel_loop3A_335 = arith.constant 32 : index
          %parallel_loop3A_336 = tpu.vector_load %arg16[%parallel_loop3A_333, %parallel_loop3A_334, %parallel_loop3A_335] {strides = array<i32>} : memref<2x80x64xf32, #tpu.memory_space<vmem>>, vector<16xf32>,
          tpu.vector_store %arg16[%parallel_loop3A_333, %parallel_loop3A_334, %parallel_loop3A_335], %parallel_loop3A_332 {strides = array<i32>} : memref<2x80x64xf32, #tpu.memory_space<vmem>>, vector<16xf32>,
          %parallel_loop3A_337 = arith.mulf %parallel_loop3A_331, %parallel_loop3A_301 : vector<16xf32>
          %parallel_loop3A_338 = arith.index_cast %select_n3A_213 : i32 to index
          %parallel_loop3A_339 = arith.index_cast %parallel_loop3A_298 : i32 to index
          %parallel_loop3A_340 = arith.constant 48 : index
          %parallel_loop3A_341 = tpu.vector_load %arg16[%parallel_loop3A_338, %parallel_loop3A_339, %parallel_loop3A_340] {strides = array<i32>} : memref<2x80x64xf32, #tpu.memory_space<vmem>>, vector<16xf32>,
          tpu.vector_store %arg16[%parallel_loop3A_338, %parallel_loop3A_339, %parallel_loop3A_340], %parallel_loop3A_337 {strides = array<i32>} : memref<2x80x64xf32, #tpu.memory_space<vmem>>, vector<16xf32>,
        } {sc.loop_unroll_factor = 8 : i64, sc.parallel_access}
        %dma_start3A_288 = arith.constant 0 : i32
        %dma_start3A_289 = arith.constant 0 : i32
        %dma_start3A_290 = tpu.memref_slice %arg16[%select_n3A_213, %dma_start3A_288, %dma_start3A_289] : memref<2x80x64xf32, #tpu.memory_space<vmem>> -> memref<1x80x64xf32, #tpu.memory_space<vmem>>
        %dma_start3A_291 = tpu.memref_squeeze %dma_start3A_290 : memref<1x80x64xf32, #tpu.memory_space<vmem>> -> memref<80x64xf32, #tpu.memory_space<vmem>>
        %dma_start3A_292 = arith.constant 0 : i32
        %dma_start3A_293 = tpu.memref_slice %arg12[%select_n3A_229, %dma_start3A_292] : memref<4x80xi32, #tpu.memory_space<vmem>> -> memref<1x80xi32, #tpu.memory_space<vmem>>
        %dma_start3A_294 = tpu.memref_squeeze %dma_start3A_293 : memref<1x80xi32, #tpu.memory_space<vmem>> -> memref<80xi32, #tpu.memory_space<vmem>>
        %dma_start3A_295 = arith.constant 0 : i32
        %dma_start3A_296 = arith.constant 0 : i32
        %dma_start3A_297 = tpu.memref_slice %arg17[%dma_start3A_295, %dma_start3A_296] : memref<10000x64xf32, #tpu.memory_space<vmem_shared>> -> memref<10000x64xf32, #tpu.memory_space<vmem_shared>>
        tpu.enqueue_indirect_dma source(%dma_start3A_291 : memref<80x64xf32, #tpu.memory_space<vmem>>) target(%dma_start3A_297 : memref<10000x64xf32, #tpu.memory_space<vmem_shared>>) offsets(%dma_start3A_294 : memref<80xi32, #tpu.memory_space<vmem>>) semaphore(%arg21 : memref<!tpu.dma_semaphore, #tpu.memory_space<semaphore_mem>>) {add = true}
      }
      %scan3A_161 = arith.constant 250 : i32
      %dma_wait3A_162 = arith.constant 0 : i32
      %dma_wait3A_163 = arith.constant 0 : i32
      %dma_wait3A_164 = arith.constant 0 : i32
      %dma_wait3A_165 = arith.constant 0 : i32
      %dma_wait3A_166 = tpu.memref_slice %arg16[%dma_wait3A_162, %dma_wait3A_164, %dma_wait3A_165] : memref<2x80x64xf32, #tpu.memory_space<vmem>> -> memref<1x80x64xf32, #tpu.memory_space<vmem>>
      %dma_wait3A_167 = tpu.memref_squeeze %dma_wait3A_166 : memref<1x80x64xf32, #tpu.memory_space<vmem>> -> memref<80x64xf32, #tpu.memory_space<vmem>>
      %dma_wait3A_168 = arith.constant 0 : i32
      %dma_wait3A_169 = tpu.memref_slice %arg12[%dma_wait3A_163, %dma_wait3A_168] : memref<4x80xi32, #tpu.memory_space<vmem>> -> memref<1x80xi32, #tpu.memory_space<vmem>>
      %dma_wait3A_170 = tpu.memref_squeeze %dma_wait3A_169 : memref<1x80xi32, #tpu.memory_space<vmem>> -> memref<80xi32, #tpu.memory_space<vmem>>
      %dma_wait3A_171 = arith.constant 0 : i32
      %dma_wait3A_172 = arith.constant 0 : i32
      %dma_wait3A_173 = tpu.memref_slice %arg17[%dma_wait3A_171, %dma_wait3A_172] : memref<10000x64xf32, #tpu.memory_space<vmem_shared>> -> memref<10000x64xf32, #tpu.memory_space<vmem_shared>>
      tpu.wait_indirect_dma semaphore(%arg21 : memref<!tpu.dma_semaphore, #tpu.memory_space<semaphore_mem>>) src(%dma_wait3A_167 : memref<80x64xf32, #tpu.memory_space<vmem>>) dst(%dma_wait3A_173 : memref<10000x64xf32, #tpu.memory_space<vmem_shared>>)
      %eq3A_174 = arith.constant 0 : i32
      %eq3A_175 = arith.cmpi eq, %arg0, %eq3A_174 : i32
      %eq3A_176 = arith.constant false
      %eq3A_177 = arith.xori %eq3A_175, %eq3A_176 : i1
      %eq3A_178 = arith.constant true
      %eq3A_179 = arith.xori %eq3A_177, %eq3A_178 : i1
      %convert_element_type3A_180 = arith.extui %eq3A_179 : i1 to i32
      %cond3A_181 = arith.constant 0 : i32
      %cond3A_182 = arith.cmpi ne, %convert_element_type3A_180, %cond3A_181 : i32
      scf.if %cond3A_182 {
        %dma_wait3A_204 = arith.constant 0 : i32
        %dma_wait3A_205 = arith.constant 0 : i32
        %dma_wait3A_206 = arith.constant 0 : i32
        %dma_wait3A_207 = arith.constant 0 : i32
        %dma_wait3A_208 = tpu.memref_slice %arg14[%dma_wait3A_204, %dma_wait3A_206, %dma_wait3A_207] : memref<2x80x16xf32, #tpu.memory_space<vmem>> -> memref<1x80x16xf32, #tpu.memory_space<vmem>>
        %dma_wait3A_209 = tpu.memref_squeeze %dma_wait3A_208 : memref<1x80x16xf32, #tpu.memory_space<vmem>> -> memref<80x16xf32, #tpu.memory_space<vmem>>
        %dma_wait3A_210 = arith.constant 0 : i32
        %dma_wait3A_211 = tpu.memref_slice %arg12[%dma_wait3A_205, %dma_wait3A_210] : memref<4x80xi32, #tpu.memory_space<vmem>> -> memref<1x80xi32, #tpu.memory_space<vmem>>
        %dma_wait3A_212 = tpu.memref_squeeze %dma_wait3A_211 : memref<1x80xi32, #tpu.memory_space<vmem>> -> memref<80xi32, #tpu.memory_space<vmem>>
        %dma_wait3A_213 = arith.constant 0 : i32
        %dma_wait3A_214 = arith.constant 0 : i32
        %dma_wait3A_215 = tpu.memref_slice %arg18[%dma_wait3A_213, %dma_wait3A_214] : memref<10000x16xf32, #tpu.memory_space<vmem_shared>> -> memref<10000x16xf32, #tpu.memory_space<vmem_shared>>
        tpu.wait_indirect_dma semaphore(%arg21 : memref<!tpu.dma_semaphore, #tpu.memory_space<semaphore_mem>>) src(%dma_wait3A_209 : memref<80x16xf32, #tpu.memory_space<vmem>>) dst(%dma_wait3A_215 : memref<10000x16xf32, #tpu.memory_space<vmem_shared>>)
      } else {
      }
      %dma_wait3A_183 = arith.constant 1 : i32
      %dma_wait3A_184 = arith.constant 1 : i32
      %dma_wait3A_185 = arith.constant 0 : i32
      %dma_wait3A_186 = arith.constant 0 : i32
      %dma_wait3A_187 = tpu.memref_slice %arg16[%dma_wait3A_183, %dma_wait3A_185, %dma_wait3A_186] : memref<2x80x64xf32, #tpu.memory_space<vmem>> -> memref<1x80x64xf32, #tpu.memory_space<vmem>>
      %dma_wait3A_188 = tpu.memref_squeeze %dma_wait3A_187 : memref<1x80x64xf32, #tpu.memory_space<vmem>> -> memref<80x64xf32, #tpu.memory_space<vmem>>
      %dma_wait3A_189 = arith.constant 0 : i32
      %dma_wait3A_190 = tpu.memref_slice %arg12[%dma_wait3A_184, %dma_wait3A_189] : memref<4x80xi32, #tpu.memory_space<vmem>> -> memref<1x80xi32, #tpu.memory_space<vmem>>
      %dma_wait3A_191 = tpu.memref_squeeze %dma_wait3A_190 : memref<1x80xi32, #tpu.memory_space<vmem>> -> memref<80xi32, #tpu.memory_space<vmem>>
      %dma_wait3A_192 = arith.constant 0 : i32
      %dma_wait3A_193 = arith.constant 0 : i32
      %dma_wait3A_194 = tpu.memref_slice %arg17[%dma_wait3A_192, %dma_wait3A_193] : memref<10000x64xf32, #tpu.memory_space<vmem_shared>> -> memref<10000x64xf32, #tpu.memory_space<vmem_shared>>
      tpu.wait_indirect_dma semaphore(%arg21 : memref<!tpu.dma_semaphore, #tpu.memory_space<semaphore_mem>>) src(%dma_wait3A_188 : memref<80x64xf32, #tpu.memory_space<vmem>>) dst(%dma_wait3A_194 : memref<10000x64xf32, #tpu.memory_space<vmem_shared>>)
      %eq3A_195 = arith.constant 0 : i32
      %eq3A_196 = arith.cmpi eq, %arg0, %eq3A_195 : i32
      %eq3A_197 = arith.constant false
      %eq3A_198 = arith.xori %eq3A_196, %eq3A_197 : i1
      %eq3A_199 = arith.constant true
      %eq3A_200 = arith.xori %eq3A_198, %eq3A_199 : i1
      %convert_element_type3A_201 = arith.extui %eq3A_200 : i1 to i32
      %cond3A_202 = arith.constant 0 : i32
      %cond3A_203 = arith.cmpi ne, %convert_element_type3A_201, %cond3A_202 : i32
      scf.if %cond3A_203 {
        %dma_wait3A_204 = arith.constant 1 : i32
        %dma_wait3A_205 = arith.constant 1 : i32
        %dma_wait3A_206 = arith.constant 0 : i32
        %dma_wait3A_207 = arith.constant 0 : i32
        %dma_wait3A_208 = tpu.memref_slice %arg14[%dma_wait3A_204, %dma_wait3A_206, %dma_wait3A_207] : memref<2x80x16xf32, #tpu.memory_space<vmem>> -> memref<1x80x16xf32, #tpu.memory_space<vmem>>
        %dma_wait3A_209 = tpu.memref_squeeze %dma_wait3A_208 : memref<1x80x16xf32, #tpu.memory_space<vmem>> -> memref<80x16xf32, #tpu.memory_space<vmem>>
        %dma_wait3A_210 = arith.constant 0 : i32
        %dma_wait3A_211 = tpu.memref_slice %arg12[%dma_wait3A_205, %dma_wait3A_210] : memref<4x80xi32, #tpu.memory_space<vmem>> -> memref<1x80xi32, #tpu.memory_space<vmem>>
        %dma_wait3A_212 = tpu.memref_squeeze %dma_wait3A_211 : memref<1x80xi32, #tpu.memory_space<vmem>> -> memref<80xi32, #tpu.memory_space<vmem>>
        %dma_wait3A_213 = arith.constant 0 : i32
        %dma_wait3A_214 = arith.constant 0 : i32
        %dma_wait3A_215 = tpu.memref_slice %arg18[%dma_wait3A_213, %dma_wait3A_214] : memref<10000x16xf32, #tpu.memory_space<vmem_shared>> -> memref<10000x16xf32, #tpu.memory_space<vmem_shared>>
        tpu.wait_indirect_dma semaphore(%arg21 : memref<!tpu.dma_semaphore, #tpu.memory_space<semaphore_mem>>) src(%dma_wait3A_209 : memref<80x16xf32, #tpu.memory_space<vmem>>) dst(%dma_wait3A_215 : memref<10000x16xf32, #tpu.memory_space<vmem_shared>>)
      } else {
      }
    } else {
    }
    %eq3A_10 = arith.constant 1 : i32
    %eq3A_11 = arith.cmpi eq, %arg0, %eq3A_10 : i32
    %convert_element_type3A_12 = arith.extui %eq3A_11 : i1 to i32
    %cond3A_13 = arith.constant 0 : i32
    %cond3A_14 = arith.cmpi ne, %convert_element_type3A_12, %cond3A_13 : i32
    scf.if %cond3A_14 {
      %dma_start3A = arith.constant 0 : i32
      %dma_start3A_21 = arith.constant 0 : i32
      %dma_start3A_22 = arith.constant 0 : i32
      %dma_start3A_23 = tpu.memref_slice %arg11[%dma_start3A_21, %dma_start3A_22] : memref<4x80xi32, #tpu.memory_space<vmem>> -> memref<1x80xi32, #tpu.memory_space<vmem>>
      %dma_start3A_24 = tpu.memref_squeeze %dma_start3A_23 : memref<1x80xi32, #tpu.memory_space<vmem>> -> memref<80xi32, #tpu.memory_space<vmem>>
      %dma_start3A_25 = arith.constant 0 : i32
      %dma_start3A_26 = tpu.memref_slice %arg5[%arg1, %dma_start3A, %dma_start3A_25] : memref<16x250x80xi32, #tpu.memory_space<hbm>> -> memref<1x1x80xi32, #tpu.memory_space<hbm>>
      %dma_start3A_27 = tpu.memref_squeeze %dma_start3A_26 : memref<1x1x80xi32, #tpu.memory_space<hbm>> -> memref<80xi32, #tpu.memory_space<hbm>>
      %dma_start3A_28 = arith.constant 0 : i32
      %dma_start3A_29 = tpu.memref_slice %arg11[%dma_start3A_21, %dma_start3A_28] : memref<4x80xi32, #tpu.memory_space<vmem>> -> memref<1x80xi32, #tpu.memory_space<vmem>>
      %dma_start3A_30 = tpu.memref_squeeze %dma_start3A_29 : memref<1x80xi32, #tpu.memory_space<vmem>> -> memref<80xi32, #tpu.memory_space<vmem>>
      %dma_start3A_31 = arith.constant 0 : i32
      %dma_start3A_32 = tpu.memref_slice %arg5[%arg1, %dma_start3A, %dma_start3A_31] : memref<16x250x80xi32, #tpu.memory_space<hbm>> -> memref<1x1x80xi32, #tpu.memory_space<hbm>>
      %dma_start3A_33 = tpu.memref_squeeze %dma_start3A_32 : memref<1x1x80xi32, #tpu.memory_space<hbm>> -> memref<80xi32, #tpu.memory_space<hbm>>
      tpu.enqueue_dma source(%dma_start3A_33 : memref<80xi32, #tpu.memory_space<hbm>>) target(%dma_start3A_30 : memref<80xi32, #tpu.memory_space<vmem>>) target_semaphore(%arg19 : memref<!tpu.dma_semaphore, #tpu.memory_space<semaphore_mem>>)
      %dma_start3A_34 = arith.constant 0 : i32
      %dma_start3A_35 = arith.constant 0 : i32
      %dma_start3A_36 = arith.constant 0 : i32
      %dma_start3A_37 = tpu.memref_slice %arg12[%dma_start3A_35, %dma_start3A_36] : memref<4x80xi32, #tpu.memory_space<vmem>> -> memref<1x80xi32, #tpu.memory_space<vmem>>
      %dma_start3A_38 = tpu.memref_squeeze %dma_start3A_37 : memref<1x80xi32, #tpu.memory_space<vmem>> -> memref<80xi32, #tpu.memory_space<vmem>>
      %dma_start3A_39 = arith.constant 0 : i32
      %dma_start3A_40 = tpu.memref_slice %arg6[%arg1, %dma_start3A_34, %dma_start3A_39] : memref<16x250x80xi32, #tpu.memory_space<hbm>> -> memref<1x1x80xi32, #tpu.memory_space<hbm>>
      %dma_start3A_41 = tpu.memref_squeeze %dma_start3A_40 : memref<1x1x80xi32, #tpu.memory_space<hbm>> -> memref<80xi32, #tpu.memory_space<hbm>>
      %dma_start3A_42 = arith.constant 0 : i32
      %dma_start3A_43 = tpu.memref_slice %arg12[%dma_start3A_35, %dma_start3A_42] : memref<4x80xi32, #tpu.memory_space<vmem>> -> memref<1x80xi32, #tpu.memory_space<vmem>>
      %dma_start3A_44 = tpu.memref_squeeze %dma_start3A_43 : memref<1x80xi32, #tpu.memory_space<vmem>> -> memref<80xi32, #tpu.memory_space<vmem>>
      %dma_start3A_45 = arith.constant 0 : i32
      %dma_start3A_46 = tpu.memref_slice %arg6[%arg1, %dma_start3A_34, %dma_start3A_45] : memref<16x250x80xi32, #tpu.memory_space<hbm>> -> memref<1x1x80xi32, #tpu.memory_space<hbm>>
      %dma_start3A_47 = tpu.memref_squeeze %dma_start3A_46 : memref<1x1x80xi32, #tpu.memory_space<hbm>> -> memref<80xi32, #tpu.memory_space<hbm>>
      tpu.enqueue_dma source(%dma_start3A_47 : memref<80xi32, #tpu.memory_space<hbm>>) target(%dma_start3A_44 : memref<80xi32, #tpu.memory_space<vmem>>) target_semaphore(%arg19 : memref<!tpu.dma_semaphore, #tpu.memory_space<semaphore_mem>>)
      %dma_start3A_48 = arith.constant 0 : i32
      %dma_start3A_49 = arith.constant 0 : i32
      %dma_start3A_50 = arith.constant 0 : i32
      %dma_start3A_51 = tpu.memref_slice %arg13[%dma_start3A_49, %dma_start3A_50] : memref<4x80xf32, #tpu.memory_space<vmem>> -> memref<1x80xf32, #tpu.memory_space<vmem>>
      %dma_start3A_52 = tpu.memref_squeeze %dma_start3A_51 : memref<1x80xf32, #tpu.memory_space<vmem>> -> memref<80xf32, #tpu.memory_space<vmem>>
      %dma_start3A_53 = arith.constant 0 : i32
      %dma_start3A_54 = tpu.memref_slice %arg4[%arg1, %dma_start3A_48, %dma_start3A_53] : memref<16x250x80xf32, #tpu.memory_space<hbm>> -> memref<1x1x80xf32, #tpu.memory_space<hbm>>
      %dma_start3A_55 = tpu.memref_squeeze %dma_start3A_54 : memref<1x1x80xf32, #tpu.memory_space<hbm>> -> memref<80xf32, #tpu.memory_space<hbm>>
      %dma_start3A_56 = arith.constant 0 : i32
      %dma_start3A_57 = tpu.memref_slice %arg13[%dma_start3A_49, %dma_start3A_56] : memref<4x80xf32, #tpu.memory_space<vmem>> -> memref<1x80xf32, #tpu.memory_space<vmem>>
      %dma_start3A_58 = tpu.memref_squeeze %dma_start3A_57 : memref<1x80xf32, #tpu.memory_space<vmem>> -> memref<80xf32, #tpu.memory_space<vmem>>
      %dma_start3A_59 = arith.constant 0 : i32
      %dma_start3A_60 = tpu.memref_slice %arg4[%arg1, %dma_start3A_48, %dma_start3A_59] : memref<16x250x80xf32, #tpu.memory_space<hbm>> -> memref<1x1x80xf32, #tpu.memory_space<hbm>>
      %dma_start3A_61 = tpu.memref_squeeze %dma_start3A_60 : memref<1x1x80xf32, #tpu.memory_space<hbm>> -> memref<80xf32, #tpu.memory_space<hbm>>
      tpu.enqueue_dma source(%dma_start3A_61 : memref<80xf32, #tpu.memory_space<hbm>>) target(%dma_start3A_58 : memref<80xf32, #tpu.memory_space<vmem>>) target_semaphore(%arg19 : memref<!tpu.dma_semaphore, #tpu.memory_space<semaphore_mem>>)
      %dma_start3A_62 = arith.constant 1 : i32
      %dma_start3A_63 = arith.constant 1 : i32
      %dma_start3A_64 = arith.constant 0 : i32
      %dma_start3A_65 = tpu.memref_slice %arg11[%dma_start3A_63, %dma_start3A_64] : memref<4x80xi32, #tpu.memory_space<vmem>> -> memref<1x80xi32, #tpu.memory_space<vmem>>
      %dma_start3A_66 = tpu.memref_squeeze %dma_start3A_65 : memref<1x80xi32, #tpu.memory_space<vmem>> -> memref<80xi32, #tpu.memory_space<vmem>>
      %dma_start3A_67 = arith.constant 0 : i32
      %dma_start3A_68 = tpu.memref_slice %arg5[%arg1, %dma_start3A_62, %dma_start3A_67] : memref<16x250x80xi32, #tpu.memory_space<hbm>> -> memref<1x1x80xi32, #tpu.memory_space<hbm>>
      %dma_start3A_69 = tpu.memref_squeeze %dma_start3A_68 : memref<1x1x80xi32, #tpu.memory_space<hbm>> -> memref<80xi32, #tpu.memory_space<hbm>>
      %dma_start3A_70 = arith.constant 0 : i32
      %dma_start3A_71 = tpu.memref_slice %arg11[%dma_start3A_63, %dma_start3A_70] : memref<4x80xi32, #tpu.memory_space<vmem>> -> memref<1x80xi32, #tpu.memory_space<vmem>>
      %dma_start3A_72 = tpu.memref_squeeze %dma_start3A_71 : memref<1x80xi32, #tpu.memory_space<vmem>> -> memref<80xi32, #tpu.memory_space<vmem>>
      %dma_start3A_73 = arith.constant 0 : i32
      %dma_start3A_74 = tpu.memref_slice %arg5[%arg1, %dma_start3A_62, %dma_start3A_73] : memref<16x250x80xi32, #tpu.memory_space<hbm>> -> memref<1x1x80xi32, #tpu.memory_space<hbm>>
      %dma_start3A_75 = tpu.memref_squeeze %dma_start3A_74 : memref<1x1x80xi32, #tpu.memory_space<hbm>> -> memref<80xi32, #tpu.memory_space<hbm>>
      tpu.enqueue_dma source(%dma_start3A_75 : memref<80xi32, #tpu.memory_space<hbm>>) target(%dma_start3A_72 : memref<80xi32, #tpu.memory_space<vmem>>) target_semaphore(%arg19 : memref<!tpu.dma_semaphore, #tpu.memory_space<semaphore_mem>>)
      %dma_start3A_76 = arith.constant 1 : i32
      %dma_start3A_77 = arith.constant 1 : i32
      %dma_start3A_78 = arith.constant 0 : i32
      %dma_start3A_79 = tpu.memref_slice %arg12[%dma_start3A_77, %dma_start3A_78] : memref<4x80xi32, #tpu.memory_space<vmem>> -> memref<1x80xi32, #tpu.memory_space<vmem>>
      %dma_start3A_80 = tpu.memref_squeeze %dma_start3A_79 : memref<1x80xi32, #tpu.memory_space<vmem>> -> memref<80xi32, #tpu.memory_space<vmem>>
      %dma_start3A_81 = arith.constant 0 : i32
      %dma_start3A_82 = tpu.memref_slice %arg6[%arg1, %dma_start3A_76, %dma_start3A_81] : memref<16x250x80xi32, #tpu.memory_space<hbm>> -> memref<1x1x80xi32, #tpu.memory_space<hbm>>
      %dma_start3A_83 = tpu.memref_squeeze %dma_start3A_82 : memref<1x1x80xi32, #tpu.memory_space<hbm>> -> memref<80xi32, #tpu.memory_space<hbm>>
      %dma_start3A_84 = arith.constant 0 : i32
      %dma_start3A_85 = tpu.memref_slice %arg12[%dma_start3A_77, %dma_start3A_84] : memref<4x80xi32, #tpu.memory_space<vmem>> -> memref<1x80xi32, #tpu.memory_space<vmem>>
      %dma_start3A_86 = tpu.memref_squeeze %dma_start3A_85 : memref<1x80xi32, #tpu.memory_space<vmem>> -> memref<80xi32, #tpu.memory_space<vmem>>
      %dma_start3A_87 = arith.constant 0 : i32
      %dma_start3A_88 = tpu.memref_slice %arg6[%arg1, %dma_start3A_76, %dma_start3A_87] : memref<16x250x80xi32, #tpu.memory_space<hbm>> -> memref<1x1x80xi32, #tpu.memory_space<hbm>>
      %dma_start3A_89 = tpu.memref_squeeze %dma_start3A_88 : memref<1x1x80xi32, #tpu.memory_space<hbm>> -> memref<80xi32, #tpu.memory_space<hbm>>
      tpu.enqueue_dma source(%dma_start3A_89 : memref<80xi32, #tpu.memory_space<hbm>>) target(%dma_start3A_86 : memref<80xi32, #tpu.memory_space<vmem>>) target_semaphore(%arg19 : memref<!tpu.dma_semaphore, #tpu.memory_space<semaphore_mem>>)
      %dma_start3A_90 = arith.constant 1 : i32
      %dma_start3A_91 = arith.constant 1 : i32
      %dma_start3A_92 = arith.constant 0 : i32
      %dma_start3A_93 = tpu.memref_slice %arg13[%dma_start3A_91, %dma_start3A_92] : memref<4x80xf32, #tpu.memory_space<vmem>> -> memref<1x80xf32, #tpu.memory_space<vmem>>
      %dma_start3A_94 = tpu.memref_squeeze %dma_start3A_93 : memref<1x80xf32, #tpu.memory_space<vmem>> -> memref<80xf32, #tpu.memory_space<vmem>>
      %dma_start3A_95 = arith.constant 0 : i32
      %dma_start3A_96 = tpu.memref_slice %arg4[%arg1, %dma_start3A_90, %dma_start3A_95] : memref<16x250x80xf32, #tpu.memory_space<hbm>> -> memref<1x1x80xf32, #tpu.memory_space<hbm>>
      %dma_start3A_97 = tpu.memref_squeeze %dma_start3A_96 : memref<1x1x80xf32, #tpu.memory_space<hbm>> -> memref<80xf32, #tpu.memory_space<hbm>>
      %dma_start3A_98 = arith.constant 0 : i32
      %dma_start3A_99 = tpu.memref_slice %arg13[%dma_start3A_91, %dma_start3A_98] : memref<4x80xf32, #tpu.memory_space<vmem>> -> memref<1x80xf32, #tpu.memory_space<vmem>>
      %dma_start3A_100 = tpu.memref_squeeze %dma_start3A_99 : memref<1x80xf32, #tpu.memory_space<vmem>> -> memref<80xf32, #tpu.memory_space<vmem>>
      %dma_start3A_101 = arith.constant 0 : i32
      %dma_start3A_102 = tpu.memref_slice %arg4[%arg1, %dma_start3A_90, %dma_start3A_101] : memref<16x250x80xf32, #tpu.memory_space<hbm>> -> memref<1x1x80xf32, #tpu.memory_space<hbm>>
      %dma_start3A_103 = tpu.memref_squeeze %dma_start3A_102 : memref<1x1x80xf32, #tpu.memory_space<hbm>> -> memref<80xf32, #tpu.memory_space<hbm>>
      tpu.enqueue_dma source(%dma_start3A_103 : memref<80xf32, #tpu.memory_space<hbm>>) target(%dma_start3A_100 : memref<80xf32, #tpu.memory_space<vmem>>) target_semaphore(%arg19 : memref<!tpu.dma_semaphore, #tpu.memory_space<semaphore_mem>>)
      %dma_wait3A = arith.constant 0 : i32
      %dma_wait3A_104 = arith.constant 0 : i32
      %dma_wait3A_105 = arith.constant 0 : i32
      %dma_wait3A_106 = tpu.memref_slice %arg11[%dma_wait3A_104, %dma_wait3A_105] : memref<4x80xi32, #tpu.memory_space<vmem>> -> memref<1x80xi32, #tpu.memory_space<vmem>>
      %dma_wait3A_107 = tpu.memref_squeeze %dma_wait3A_106 : memref<1x80xi32, #tpu.memory_space<vmem>> -> memref<80xi32, #tpu.memory_space<vmem>>
      %dma_wait3A_108 = arith.constant 0 : i32
      %dma_wait3A_109 = tpu.memref_slice %arg5[%arg1, %dma_wait3A, %dma_wait3A_108] : memref<16x250x80xi32, #tpu.memory_space<hbm>> -> memref<1x1x80xi32, #tpu.memory_space<hbm>>
      %dma_wait3A_110 = tpu.memref_squeeze %dma_wait3A_109 : memref<1x1x80xi32, #tpu.memory_space<hbm>> -> memref<80xi32, #tpu.memory_space<hbm>>
      %dma_wait3A_111 = arith.constant 0 : i32
      %dma_wait3A_112 = tpu.memref_slice %arg11[%dma_wait3A_104, %dma_wait3A_111] : memref<4x80xi32, #tpu.memory_space<vmem>> -> memref<1x80xi32, #tpu.memory_space<vmem>>
      %dma_wait3A_113 = tpu.memref_squeeze %dma_wait3A_112 : memref<1x80xi32, #tpu.memory_space<vmem>> -> memref<80xi32, #tpu.memory_space<vmem>>
      %dma_wait3A_114 = arith.constant 0 : i32
      %dma_wait3A_115 = tpu.memref_slice %arg5[%arg1, %dma_wait3A, %dma_wait3A_114] : memref<16x250x80xi32, #tpu.memory_space<hbm>> -> memref<1x1x80xi32, #tpu.memory_space<hbm>>
      %dma_wait3A_116 = tpu.memref_squeeze %dma_wait3A_115 : memref<1x1x80xi32, #tpu.memory_space<hbm>> -> memref<80xi32, #tpu.memory_space<hbm>>
      tpu.wait_dma2 semaphore(%arg19 : memref<!tpu.dma_semaphore, #tpu.memory_space<semaphore_mem>>) src(%dma_wait3A_116 : memref<80xi32, #tpu.memory_space<hbm>>) dst(%dma_wait3A_113 : memref<80xi32, #tpu.memory_space<vmem>>)
      %dma_wait3A_117 = arith.constant 0 : i32
      %dma_wait3A_118 = arith.constant 0 : i32
      %dma_wait3A_119 = arith.constant 0 : i32
      %dma_wait3A_120 = tpu.memref_slice %arg12[%dma_wait3A_118, %dma_wait3A_119] : memref<4x80xi32, #tpu.memory_space<vmem>> -> memref<1x80xi32, #tpu.memory_space<vmem>>
      %dma_wait3A_121 = tpu.memref_squeeze %dma_wait3A_120 : memref<1x80xi32, #tpu.memory_space<vmem>> -> memref<80xi32, #tpu.memory_space<vmem>>
      %dma_wait3A_122 = arith.constant 0 : i32
      %dma_wait3A_123 = tpu.memref_slice %arg6[%arg1, %dma_wait3A_117, %dma_wait3A_122] : memref<16x250x80xi32, #tpu.memory_space<hbm>> -> memref<1x1x80xi32, #tpu.memory_space<hbm>>
      %dma_wait3A_124 = tpu.memref_squeeze %dma_wait3A_123 : memref<1x1x80xi32, #tpu.memory_space<hbm>> -> memref<80xi32, #tpu.memory_space<hbm>>
      %dma_wait3A_125 = arith.constant 0 : i32
      %dma_wait3A_126 = tpu.memref_slice %arg12[%dma_wait3A_118, %dma_wait3A_125] : memref<4x80xi32, #tpu.memory_space<vmem>> -> memref<1x80xi32, #tpu.memory_space<vmem>>
      %dma_wait3A_127 = tpu.memref_squeeze %dma_wait3A_126 : memref<1x80xi32, #tpu.memory_space<vmem>> -> memref<80xi32, #tpu.memory_space<vmem>>
      %dma_wait3A_128 = arith.constant 0 : i32
      %dma_wait3A_129 = tpu.memref_slice %arg6[%arg1, %dma_wait3A_117, %dma_wait3A_128] : memref<16x250x80xi32, #tpu.memory_space<hbm>> -> memref<1x1x80xi32, #tpu.memory_space<hbm>>
      %dma_wait3A_130 = tpu.memref_squeeze %dma_wait3A_129 : memref<1x1x80xi32, #tpu.memory_space<hbm>> -> memref<80xi32, #tpu.memory_space<hbm>>
      tpu.wait_dma2 semaphore(%arg19 : memref<!tpu.dma_semaphore, #tpu.memory_space<semaphore_mem>>) src(%dma_wait3A_130 : memref<80xi32, #tpu.memory_space<hbm>>) dst(%dma_wait3A_127 : memref<80xi32, #tpu.memory_space<vmem>>)
      %dma_wait3A_131 = arith.constant 0 : i32
      %dma_wait3A_132 = arith.constant 0 : i32
      %dma_wait3A_133 = arith.constant 0 : i32
      %dma_wait3A_134 = tpu.memref_slice %arg13[%dma_wait3A_132, %dma_wait3A_133] : memref<4x80xf32, #tpu.memory_space<vmem>> -> memref<1x80xf32, #tpu.memory_space<vmem>>
      %dma_wait3A_135 = tpu.memref_squeeze %dma_wait3A_134 : memref<1x80xf32, #tpu.memory_space<vmem>> -> memref<80xf32, #tpu.memory_space<vmem>>
      %dma_wait3A_136 = arith.constant 0 : i32
      %dma_wait3A_137 = tpu.memref_slice %arg4[%arg1, %dma_wait3A_131, %dma_wait3A_136] : memref<16x250x80xf32, #tpu.memory_space<hbm>> -> memref<1x1x80xf32, #tpu.memory_space<hbm>>
      %dma_wait3A_138 = tpu.memref_squeeze %dma_wait3A_137 : memref<1x1x80xf32, #tpu.memory_space<hbm>> -> memref<80xf32, #tpu.memory_space<hbm>>
      %dma_wait3A_139 = arith.constant 0 : i32
      %dma_wait3A_140 = tpu.memref_slice %arg13[%dma_wait3A_132, %dma_wait3A_139] : memref<4x80xf32, #tpu.memory_space<vmem>> -> memref<1x80xf32, #tpu.memory_space<vmem>>
      %dma_wait3A_141 = tpu.memref_squeeze %dma_wait3A_140 : memref<1x80xf32, #tpu.memory_space<vmem>> -> memref<80xf32, #tpu.memory_space<vmem>>
      %dma_wait3A_142 = arith.constant 0 : i32
      %dma_wait3A_143 = tpu.memref_slice %arg4[%arg1, %dma_wait3A_131, %dma_wait3A_142] : memref<16x250x80xf32, #tpu.memory_space<hbm>> -> memref<1x1x80xf32, #tpu.memory_space<hbm>>
      %dma_wait3A_144 = tpu.memref_squeeze %dma_wait3A_143 : memref<1x1x80xf32, #tpu.memory_space<hbm>> -> memref<80xf32, #tpu.memory_space<hbm>>
      tpu.wait_dma2 semaphore(%arg19 : memref<!tpu.dma_semaphore, #tpu.memory_space<semaphore_mem>>) src(%dma_wait3A_144 : memref<80xf32, #tpu.memory_space<hbm>>) dst(%dma_wait3A_141 : memref<80xf32, #tpu.memory_space<vmem>>)
      %dma_start3A_145 = arith.constant 0 : i32
      %dma_start3A_146 = arith.constant 0 : i32
      %dma_start3A_147 = arith.constant 0 : i32
      %dma_start3A_148 = arith.constant 0 : i32
      %dma_start3A_149 = tpu.memref_slice %arg15[%dma_start3A_146, %dma_start3A_147, %dma_start3A_148] : memref<2x80x32xi32, #tpu.memory_space<vmem>> -> memref<1x80x32xi32, #tpu.memory_space<vmem>>
      %dma_start3A_150 = tpu.memref_squeeze %dma_start3A_149 : memref<1x80x32xi32, #tpu.memory_space<vmem>> -> memref<80x32xi32, #tpu.memory_space<vmem>>
      %dma_start3A_151 = arith.constant 0 : i32
      %dma_start3A_152 = tpu.memref_slice %arg11[%dma_start3A_145, %dma_start3A_151] : memref<4x80xi32, #tpu.memory_space<vmem>> -> memref<1x80xi32, #tpu.memory_space<vmem>>
      %dma_start3A_153 = tpu.memref_squeeze %dma_start3A_152 : memref<1x80xi32, #tpu.memory_space<vmem>> -> memref<80xi32, #tpu.memory_space<vmem>>
      %dma_start3A_154 = arith.constant 0 : i32
      %dma_start3A_155 = arith.constant 0 : i32
      %dma_start3A_156 = tpu.memref_slice %arg3[%dma_start3A_154, %dma_start3A_155] : memref<10000x32xi32, #tpu.memory_space<hbm>> -> memref<10000x32xi32, #tpu.memory_space<hbm>>
      tpu.enqueue_indirect_dma source(%dma_start3A_156 : memref<10000x32xi32, #tpu.memory_space<hbm>>) target(%dma_start3A_150 : memref<80x32xi32, #tpu.memory_space<vmem>>) offsets(%dma_start3A_153 : memref<80xi32, #tpu.memory_space<vmem>>) semaphore(%arg20 : memref<!tpu.dma_semaphore, #tpu.memory_space<semaphore_mem>>)
      %scan3A = arith.constant 0 : i32
      %scan3A_157 = arith.constant 0 : i32
      %scan3A_158 = arith.constant 250 : i32
      %scan3A_159 = arith.addi %scan3A_157, %scan3A_158 : i32
      %scan3A_160 = arith.constant 1 : i32
      scf.for %scan3A_204 = %scan3A_157 to %scan3A_159 step %scan3A_160  : i32 {
        %jit3A = arith.constant 2 : i32
        %eq3A_205 = arith.constant 0 : i32
        %eq3A_206 = arith.cmpi eq, %jit3A, %eq3A_205 : i32
        %jit3A_207 = arith.constant 1 : i32
        %select_n3A = arith.select %eq3A_206, %jit3A_207, %jit3A : i32
        %rem3A = arith.remsi %scan3A_204, %select_n3A : i32
        %ne3A = arith.constant 0 : i32
        %ne3A_208 = arith.cmpi ne, %rem3A, %ne3A : i32
        %lt3A = arith.constant 0 : i32
        %lt3A_209 = arith.cmpi slt, %rem3A, %lt3A : i32
        %lt3A_210 = arith.constant 0 : i32
        %lt3A_211 = arith.cmpi slt, %select_n3A, %lt3A_210 : i32
        %ne3A_212 = arith.xori %lt3A_209, %lt3A_211 : i1
        %and3A = arith.andi %ne3A_212, %ne3A_208 : i1
        %add3A = arith.addi %rem3A, %select_n3A : i32
        %select_n3A_213 = arith.select %and3A, %add3A, %rem3A : i32
        %jit3A_214 = arith.constant 4 : i32
        %eq3A_215 = arith.constant 0 : i32
        %eq3A_216 = arith.cmpi eq, %jit3A_214, %eq3A_215 : i32
        %jit3A_217 = arith.constant 1 : i32
        %select_n3A_218 = arith.select %eq3A_216, %jit3A_217, %jit3A_214 : i32
        %rem3A_219 = arith.remsi %scan3A_204, %select_n3A_218 : i32
        %ne3A_220 = arith.constant 0 : i32
        %ne3A_221 = arith.cmpi ne, %rem3A_219, %ne3A_220 : i32
        %lt3A_222 = arith.constant 0 : i32
        %lt3A_223 = arith.cmpi slt, %rem3A_219, %lt3A_222 : i32
        %lt3A_224 = arith.constant 0 : i32
        %lt3A_225 = arith.cmpi slt, %select_n3A_218, %lt3A_224 : i32
        %ne3A_226 = arith.xori %lt3A_223, %lt3A_225 : i1
        %and3A_227 = arith.andi %ne3A_226, %ne3A_221 : i1
        %add3A_228 = arith.addi %rem3A_219, %select_n3A_218 : i32
        %select_n3A_229 = arith.select %and3A_227, %add3A_228, %rem3A_219 : i32
        %jit3A_230 = arith.constant 2 : i32
        %eq3A_231 = arith.constant 0 : i32
        %eq3A_232 = arith.cmpi eq, %jit3A_230, %eq3A_231 : i32
        %jit3A_233 = arith.constant 1 : i32
        %select_n3A_234 = arith.select %eq3A_232, %jit3A_233, %jit3A_230 : i32
        %rem3A_235 = arith.remsi %scan3A_204, %select_n3A_234 : i32
        %ne3A_236 = arith.constant 0 : i32
        %ne3A_237 = arith.cmpi ne, %rem3A_235, %ne3A_236 : i32
        %lt3A_238 = arith.constant 0 : i32
        %lt3A_239 = arith.cmpi slt, %rem3A_235, %lt3A_238 : i32
        %lt3A_240 = arith.constant 0 : i32
        %lt3A_241 = arith.cmpi slt, %select_n3A_234, %lt3A_240 : i32
        %ne3A_242 = arith.xori %lt3A_239, %lt3A_241 : i1
        %and3A_243 = arith.andi %ne3A_242, %ne3A_237 : i1
        %add3A_244 = arith.addi %rem3A_235, %select_n3A_234 : i32
        %select_n3A_245 = arith.select %and3A_243, %add3A_244, %rem3A_235 : i32
        %dma_wait3A_246 = arith.constant 0 : i32
        %dma_wait3A_247 = arith.constant 0 : i32
        %dma_wait3A_248 = tpu.memref_slice %arg15[%select_n3A_213, %dma_wait3A_246, %dma_wait3A_247] : memref<2x80x32xi32, #tpu.memory_space<vmem>> -> memref<1x80x32xi32, #tpu.memory_space<vmem>>
        %dma_wait3A_249 = tpu.memref_squeeze %dma_wait3A_248 : memref<1x80x32xi32, #tpu.memory_space<vmem>> -> memref<80x32xi32, #tpu.memory_space<vmem>>
        %dma_wait3A_250 = arith.constant 0 : i32
        %dma_wait3A_251 = tpu.memref_slice %arg11[%select_n3A_229, %dma_wait3A_250] : memref<4x80xi32, #tpu.memory_space<vmem>> -> memref<1x80xi32, #tpu.memory_space<vmem>>
        %dma_wait3A_252 = tpu.memref_squeeze %dma_wait3A_251 : memref<1x80xi32, #tpu.memory_space<vmem>> -> memref<80xi32, #tpu.memory_space<vmem>>
        %dma_wait3A_253 = arith.constant 0 : i32
        %dma_wait3A_254 = arith.constant 0 : i32
        %dma_wait3A_255 = tpu.memref_slice %arg3[%dma_wait3A_253, %dma_wait3A_254] : memref<10000x32xi32, #tpu.memory_space<hbm>> -> memref<10000x32xi32, #tpu.memory_space<hbm>>
        tpu.wait_indirect_dma semaphore(%arg20 : memref<!tpu.dma_semaphore, #tpu.memory_space<semaphore_mem>>) src(%dma_wait3A_255 : memref<10000x32xi32, #tpu.memory_space<hbm>>) dst(%dma_wait3A_249 : memref<80x32xi32, #tpu.memory_space<vmem>>)
        %ge3A = arith.constant 2 : i32
        %ge3A_256 = arith.cmpi sge, %scan3A_204, %ge3A : i32
        %convert_element_type3A_257 = arith.extui %ge3A_256 : i1 to i32
        %cond3A_258 = arith.constant 0 : i32
        %cond3A_259 = arith.cmpi ne, %convert_element_type3A_257, %cond3A_258 : i32
        scf.if %cond3A_259 {
          %sub3A = arith.constant 2 : i32
          %sub3A_298 = arith.subi %scan3A_204, %sub3A : i32
          %jit3A_299 = arith.constant 2 : i32
          %eq3A_300 = arith.constant 0 : i32
          %eq3A_301 = arith.cmpi eq, %jit3A_299, %eq3A_300 : i32
          %jit3A_302 = arith.constant 1 : i32
          %select_n3A_303 = arith.select %eq3A_301, %jit3A_302, %jit3A_299 : i32
          %rem3A_304 = arith.remsi %sub3A_298, %select_n3A_303 : i32
          %ne3A_305 = arith.constant 0 : i32
          %ne3A_306 = arith.cmpi ne, %rem3A_304, %ne3A_305 : i32
          %lt3A_307 = arith.constant 0 : i32
          %lt3A_308 = arith.cmpi slt, %rem3A_304, %lt3A_307 : i32
          %lt3A_309 = arith.constant 0 : i32
          %lt3A_310 = arith.cmpi slt, %select_n3A_303, %lt3A_309 : i32
          %ne3A_311 = arith.xori %lt3A_308, %lt3A_310 : i1
          %and3A_312 = arith.andi %ne3A_311, %ne3A_306 : i1
          %add3A_313 = arith.addi %rem3A_304, %select_n3A_303 : i32
          %select_n3A_314 = arith.select %and3A_312, %add3A_313, %rem3A_304 : i32
          %jit3A_315 = arith.constant 4 : i32
          %eq3A_316 = arith.constant 0 : i32
          %eq3A_317 = arith.cmpi eq, %jit3A_315, %eq3A_316 : i32
          %jit3A_318 = arith.constant 1 : i32
          %select_n3A_319 = arith.select %eq3A_317, %jit3A_318, %jit3A_315 : i32
          %rem3A_320 = arith.remsi %sub3A_298, %select_n3A_319 : i32
          %ne3A_321 = arith.constant 0 : i32
          %ne3A_322 = arith.cmpi ne, %rem3A_320, %ne3A_321 : i32
          %lt3A_323 = arith.constant 0 : i32
          %lt3A_324 = arith.cmpi slt, %rem3A_320, %lt3A_323 : i32
          %lt3A_325 = arith.constant 0 : i32
          %lt3A_326 = arith.cmpi slt, %select_n3A_319, %lt3A_325 : i32
          %ne3A_327 = arith.xori %lt3A_324, %lt3A_326 : i1
          %and3A_328 = arith.andi %ne3A_327, %ne3A_322 : i1
          %add3A_329 = arith.addi %rem3A_320, %select_n3A_319 : i32
          %select_n3A_330 = arith.select %and3A_328, %add3A_329, %rem3A_320 : i32
          %dma_wait3A_331 = arith.constant 0 : i32
          %dma_wait3A_332 = arith.constant 0 : i32
          %dma_wait3A_333 = tpu.memref_slice %arg16[%select_n3A_314, %dma_wait3A_331, %dma_wait3A_332] : memref<2x80x64xf32, #tpu.memory_space<vmem>> -> memref<1x80x64xf32, #tpu.memory_space<vmem>>
          %dma_wait3A_334 = tpu.memref_squeeze %dma_wait3A_333 : memref<1x80x64xf32, #tpu.memory_space<vmem>> -> memref<80x64xf32, #tpu.memory_space<vmem>>
          %dma_wait3A_335 = arith.constant 0 : i32
          %dma_wait3A_336 = tpu.memref_slice %arg12[%select_n3A_330, %dma_wait3A_335] : memref<4x80xi32, #tpu.memory_space<vmem>> -> memref<1x80xi32, #tpu.memory_space<vmem>>
          %dma_wait3A_337 = tpu.memref_squeeze %dma_wait3A_336 : memref<1x80xi32, #tpu.memory_space<vmem>> -> memref<80xi32, #tpu.memory_space<vmem>>
          %dma_wait3A_338 = arith.constant 0 : i32
          %dma_wait3A_339 = arith.constant 0 : i32
          %dma_wait3A_340 = tpu.memref_slice %arg17[%dma_wait3A_338, %dma_wait3A_339] : memref<10000x64xf32, #tpu.memory_space<vmem_shared>> -> memref<10000x64xf32, #tpu.memory_space<vmem_shared>>
          tpu.wait_indirect_dma semaphore(%arg21 : memref<!tpu.dma_semaphore, #tpu.memory_space<semaphore_mem>>) src(%dma_wait3A_334 : memref<80x64xf32, #tpu.memory_space<vmem>>) dst(%dma_wait3A_340 : memref<10000x64xf32, #tpu.memory_space<vmem_shared>>)
          %eq3A_341 = arith.constant 0 : i32
          %eq3A_342 = arith.cmpi eq, %arg0, %eq3A_341 : i32
          %lt3A_343 = arith.constant 125 : i32
          %lt3A_344 = arith.cmpi slt, %sub3A_298, %lt3A_343 : i32
          %eq3A_345 = arith.xori %eq3A_342, %lt3A_344 : i1
          %eq3A_346 = arith.constant true
          %eq3A_347 = arith.xori %eq3A_345, %eq3A_346 : i1
          %convert_element_type3A_348 = arith.extui %eq3A_347 : i1 to i32
          %cond3A_349 = arith.constant 0 : i32
          %cond3A_350 = arith.cmpi ne, %convert_element_type3A_348, %cond3A_349 : i32
          scf.if %cond3A_350 {
            %jit3A_351 = arith.constant 2 : i32
            %eq3A_352 = arith.constant 0 : i32
            %eq3A_353 = arith.cmpi eq, %jit3A_351, %eq3A_352 : i32
            %jit3A_354 = arith.constant 1 : i32
            %select_n3A_355 = arith.select %eq3A_353, %jit3A_354, %jit3A_351 : i32
            %rem3A_356 = arith.remsi %sub3A_298, %select_n3A_355 : i32
            %ne3A_357 = arith.constant 0 : i32
            %ne3A_358 = arith.cmpi ne, %rem3A_356, %ne3A_357 : i32
            %lt3A_359 = arith.constant 0 : i32
            %lt3A_360 = arith.cmpi slt, %rem3A_356, %lt3A_359 : i32
            %lt3A_361 = arith.constant 0 : i32
            %lt3A_362 = arith.cmpi slt, %select_n3A_355, %lt3A_361 : i32
            %ne3A_363 = arith.xori %lt3A_360, %lt3A_362 : i1
            %and3A_364 = arith.andi %ne3A_363, %ne3A_358 : i1
            %add3A_365 = arith.addi %rem3A_356, %select_n3A_355 : i32
            %select_n3A_366 = arith.select %and3A_364, %add3A_365, %rem3A_356 : i32
            %jit3A_367 = arith.constant 4 : i32
            %eq3A_368 = arith.constant 0 : i32
            %eq3A_369 = arith.cmpi eq, %jit3A_367, %eq3A_368 : i32
            %jit3A_370 = arith.constant 1 : i32
            %select_n3A_371 = arith.select %eq3A_369, %jit3A_370, %jit3A_367 : i32
            %rem3A_372 = arith.remsi %sub3A_298, %select_n3A_371 : i32
            %ne3A_373 = arith.constant 0 : i32
            %ne3A_374 = arith.cmpi ne, %rem3A_372, %ne3A_373 : i32
            %lt3A_375 = arith.constant 0 : i32
            %lt3A_376 = arith.cmpi slt, %rem3A_372, %lt3A_375 : i32
            %lt3A_377 = arith.constant 0 : i32
            %lt3A_378 = arith.cmpi slt, %select_n3A_371, %lt3A_377 : i32
            %ne3A_379 = arith.xori %lt3A_376, %lt3A_378 : i1
            %and3A_380 = arith.andi %ne3A_379, %ne3A_374 : i1
            %add3A_381 = arith.addi %rem3A_372, %select_n3A_371 : i32
            %select_n3A_382 = arith.select %and3A_380, %add3A_381, %rem3A_372 : i32
            %dma_wait3A_383 = arith.constant 0 : i32
            %dma_wait3A_384 = arith.constant 0 : i32
            %dma_wait3A_385 = tpu.memref_slice %arg14[%select_n3A_366, %dma_wait3A_383, %dma_wait3A_384] : memref<2x80x16xf32, #tpu.memory_space<vmem>> -> memref<1x80x16xf32, #tpu.memory_space<vmem>>
            %dma_wait3A_386 = tpu.memref_squeeze %dma_wait3A_385 : memref<1x80x16xf32, #tpu.memory_space<vmem>> -> memref<80x16xf32, #tpu.memory_space<vmem>>
            %dma_wait3A_387 = arith.constant 0 : i32
            %dma_wait3A_388 = tpu.memref_slice %arg12[%select_n3A_382, %dma_wait3A_387] : memref<4x80xi32, #tpu.memory_space<vmem>> -> memref<1x80xi32, #tpu.memory_space<vmem>>
            %dma_wait3A_389 = tpu.memref_squeeze %dma_wait3A_388 : memref<1x80xi32, #tpu.memory_space<vmem>> -> memref<80xi32, #tpu.memory_space<vmem>>
            %dma_wait3A_390 = arith.constant 0 : i32
            %dma_wait3A_391 = arith.constant 0 : i32
            %dma_wait3A_392 = tpu.memref_slice %arg18[%dma_wait3A_390, %dma_wait3A_391] : memref<10000x16xf32, #tpu.memory_space<vmem_shared>> -> memref<10000x16xf32, #tpu.memory_space<vmem_shared>>
            tpu.wait_indirect_dma semaphore(%arg21 : memref<!tpu.dma_semaphore, #tpu.memory_space<semaphore_mem>>) src(%dma_wait3A_386 : memref<80x16xf32, #tpu.memory_space<vmem>>) dst(%dma_wait3A_392 : memref<10000x16xf32, #tpu.memory_space<vmem_shared>>)
          } else {
          }
        } else {
        }
        %add3A_260 = arith.constant 2 : i32
        %add3A_261 = arith.addi %scan3A_204, %add3A_260 : i32
        %lt3A_262 = arith.constant 250 : i32
        %lt3A_263 = arith.cmpi slt, %add3A_261, %lt3A_262 : i32
        %convert_element_type3A_264 = arith.extui %lt3A_263 : i1 to i32
        %cond3A_265 = arith.constant 0 : i32
        %cond3A_266 = arith.cmpi ne, %convert_element_type3A_264, %cond3A_265 : i32
        scf.if %cond3A_266 {
          %add3A_298 = arith.constant 2 : i32
          %add3A_299 = arith.addi %scan3A_204, %add3A_298 : i32
          %jit3A_300 = arith.constant 4 : i32
          %eq3A_301 = arith.constant 0 : i32
          %eq3A_302 = arith.cmpi eq, %jit3A_300, %eq3A_301 : i32
          %jit3A_303 = arith.constant 1 : i32
          %select_n3A_304 = arith.select %eq3A_302, %jit3A_303, %jit3A_300 : i32
          %rem3A_305 = arith.remsi %add3A_299, %select_n3A_304 : i32
          %ne3A_306 = arith.constant 0 : i32
          %ne3A_307 = arith.cmpi ne, %rem3A_305, %ne3A_306 : i32
          %lt3A_308 = arith.constant 0 : i32
          %lt3A_309 = arith.cmpi slt, %rem3A_305, %lt3A_308 : i32
          %lt3A_310 = arith.constant 0 : i32
          %lt3A_311 = arith.cmpi slt, %select_n3A_304, %lt3A_310 : i32
          %ne3A_312 = arith.xori %lt3A_309, %lt3A_311 : i1
          %and3A_313 = arith.andi %ne3A_312, %ne3A_307 : i1
          %add3A_314 = arith.addi %rem3A_305, %select_n3A_304 : i32
          %select_n3A_315 = arith.select %and3A_313, %add3A_314, %rem3A_305 : i32
          %dma_start3A_316 = arith.constant 0 : i32
          %dma_start3A_317 = tpu.memref_slice %arg11[%select_n3A_315, %dma_start3A_316] : memref<4x80xi32, #tpu.memory_space<vmem>> -> memref<1x80xi32, #tpu.memory_space<vmem>>
          %dma_start3A_318 = tpu.memref_squeeze %dma_start3A_317 : memref<1x80xi32, #tpu.memory_space<vmem>> -> memref<80xi32, #tpu.memory_space<vmem>>
          %dma_start3A_319 = arith.constant 0 : i32
          %dma_start3A_320 = tpu.memref_slice %arg5[%arg1, %add3A_299, %dma_start3A_319] : memref<16x250x80xi32, #tpu.memory_space<hbm>> -> memref<1x1x80xi32, #tpu.memory_space<hbm>>
          %dma_start3A_321 = tpu.memref_squeeze %dma_start3A_320 : memref<1x1x80xi32, #tpu.memory_space<hbm>> -> memref<80xi32, #tpu.memory_space<hbm>>
          %dma_start3A_322 = arith.constant 0 : i32
          %dma_start3A_323 = tpu.memref_slice %arg11[%select_n3A_315, %dma_start3A_322] : memref<4x80xi32, #tpu.memory_space<vmem>> -> memref<1x80xi32, #tpu.memory_space<vmem>>
          %dma_start3A_324 = tpu.memref_squeeze %dma_start3A_323 : memref<1x80xi32, #tpu.memory_space<vmem>> -> memref<80xi32, #tpu.memory_space<vmem>>
          %dma_start3A_325 = arith.constant 0 : i32
          %dma_start3A_326 = tpu.memref_slice %arg5[%arg1, %add3A_299, %dma_start3A_325] : memref<16x250x80xi32, #tpu.memory_space<hbm>> -> memref<1x1x80xi32, #tpu.memory_space<hbm>>
          %dma_start3A_327 = tpu.memref_squeeze %dma_start3A_326 : memref<1x1x80xi32, #tpu.memory_space<hbm>> -> memref<80xi32, #tpu.memory_space<hbm>>
          tpu.enqueue_dma source(%dma_start3A_327 : memref<80xi32, #tpu.memory_space<hbm>>) target(%dma_start3A_324 : memref<80xi32, #tpu.memory_space<vmem>>) target_semaphore(%arg19 : memref<!tpu.dma_semaphore, #tpu.memory_space<semaphore_mem>>)
          %dma_start3A_328 = arith.constant 0 : i32
          %dma_start3A_329 = tpu.memref_slice %arg12[%select_n3A_315, %dma_start3A_328] : memref<4x80xi32, #tpu.memory_space<vmem>> -> memref<1x80xi32, #tpu.memory_space<vmem>>
          %dma_start3A_330 = tpu.memref_squeeze %dma_start3A_329 : memref<1x80xi32, #tpu.memory_space<vmem>> -> memref<80xi32, #tpu.memory_space<vmem>>
          %dma_start3A_331 = arith.constant 0 : i32
          %dma_start3A_332 = tpu.memref_slice %arg6[%arg1, %add3A_299, %dma_start3A_331] : memref<16x250x80xi32, #tpu.memory_space<hbm>> -> memref<1x1x80xi32, #tpu.memory_space<hbm>>
          %dma_start3A_333 = tpu.memref_squeeze %dma_start3A_332 : memref<1x1x80xi32, #tpu.memory_space<hbm>> -> memref<80xi32, #tpu.memory_space<hbm>>
          %dma_start3A_334 = arith.constant 0 : i32
          %dma_start3A_335 = tpu.memref_slice %arg12[%select_n3A_315, %dma_start3A_334] : memref<4x80xi32, #tpu.memory_space<vmem>> -> memref<1x80xi32, #tpu.memory_space<vmem>>
          %dma_start3A_336 = tpu.memref_squeeze %dma_start3A_335 : memref<1x80xi32, #tpu.memory_space<vmem>> -> memref<80xi32, #tpu.memory_space<vmem>>
          %dma_start3A_337 = arith.constant 0 : i32
          %dma_start3A_338 = tpu.memref_slice %arg6[%arg1, %add3A_299, %dma_start3A_337] : memref<16x250x80xi32, #tpu.memory_space<hbm>> -> memref<1x1x80xi32, #tpu.memory_space<hbm>>
          %dma_start3A_339 = tpu.memref_squeeze %dma_start3A_338 : memref<1x1x80xi32, #tpu.memory_space<hbm>> -> memref<80xi32, #tpu.memory_space<hbm>>
          tpu.enqueue_dma source(%dma_start3A_339 : memref<80xi32, #tpu.memory_space<hbm>>) target(%dma_start3A_336 : memref<80xi32, #tpu.memory_space<vmem>>) target_semaphore(%arg19 : memref<!tpu.dma_semaphore, #tpu.memory_space<semaphore_mem>>)
          %dma_start3A_340 = arith.constant 0 : i32
          %dma_start3A_341 = tpu.memref_slice %arg13[%select_n3A_315, %dma_start3A_340] : memref<4x80xf32, #tpu.memory_space<vmem>> -> memref<1x80xf32, #tpu.memory_space<vmem>>
          %dma_start3A_342 = tpu.memref_squeeze %dma_start3A_341 : memref<1x80xf32, #tpu.memory_space<vmem>> -> memref<80xf32, #tpu.memory_space<vmem>>
          %dma_start3A_343 = arith.constant 0 : i32
          %dma_start3A_344 = tpu.memref_slice %arg4[%arg1, %add3A_299, %dma_start3A_343] : memref<16x250x80xf32, #tpu.memory_space<hbm>> -> memref<1x1x80xf32, #tpu.memory_space<hbm>>
          %dma_start3A_345 = tpu.memref_squeeze %dma_start3A_344 : memref<1x1x80xf32, #tpu.memory_space<hbm>> -> memref<80xf32, #tpu.memory_space<hbm>>
          %dma_start3A_346 = arith.constant 0 : i32
          %dma_start3A_347 = tpu.memref_slice %arg13[%select_n3A_315, %dma_start3A_346] : memref<4x80xf32, #tpu.memory_space<vmem>> -> memref<1x80xf32, #tpu.memory_space<vmem>>
          %dma_start3A_348 = tpu.memref_squeeze %dma_start3A_347 : memref<1x80xf32, #tpu.memory_space<vmem>> -> memref<80xf32, #tpu.memory_space<vmem>>
          %dma_start3A_349 = arith.constant 0 : i32
          %dma_start3A_350 = tpu.memref_slice %arg4[%arg1, %add3A_299, %dma_start3A_349] : memref<16x250x80xf32, #tpu.memory_space<hbm>> -> memref<1x1x80xf32, #tpu.memory_space<hbm>>
          %dma_start3A_351 = tpu.memref_squeeze %dma_start3A_350 : memref<1x1x80xf32, #tpu.memory_space<hbm>> -> memref<80xf32, #tpu.memory_space<hbm>>
          tpu.enqueue_dma source(%dma_start3A_351 : memref<80xf32, #tpu.memory_space<hbm>>) target(%dma_start3A_348 : memref<80xf32, #tpu.memory_space<vmem>>) target_semaphore(%arg19 : memref<!tpu.dma_semaphore, #tpu.memory_space<semaphore_mem>>)
        } else {
        }
        %eq3A_267 = arith.constant 0 : i32
        %eq3A_268 = arith.cmpi eq, %arg0, %eq3A_267 : i32
        %lt3A_269 = arith.constant 125 : i32
        %lt3A_270 = arith.cmpi slt, %scan3A_204, %lt3A_269 : i32
        %eq3A_271 = arith.xori %eq3A_268, %lt3A_270 : i1
        %eq3A_272 = arith.constant true
        %eq3A_273 = arith.xori %eq3A_271, %eq3A_272 : i1
        %convert_element_type3A_274 = arith.extui %eq3A_273 : i1 to i32
        %cond3A_275 = arith.constant 0 : i32
        %cond3A_276 = arith.cmpi ne, %convert_element_type3A_274, %cond3A_275 : i32
        scf.if %cond3A_276 {
          %jit3A_298 = arith.constant 4 : i32
          %eq3A_299 = arith.constant 0 : i32
          %eq3A_300 = arith.cmpi eq, %jit3A_298, %eq3A_299 : i32
          %jit3A_301 = arith.constant 1 : i32
          %select_n3A_302 = arith.select %eq3A_300, %jit3A_301, %jit3A_298 : i32
          %rem3A_303 = arith.remsi %scan3A_204, %select_n3A_302 : i32
          %ne3A_304 = arith.constant 0 : i32
          %ne3A_305 = arith.cmpi ne, %rem3A_303, %ne3A_304 : i32
          %lt3A_306 = arith.constant 0 : i32
          %lt3A_307 = arith.cmpi slt, %rem3A_303, %lt3A_306 : i32
          %lt3A_308 = arith.constant 0 : i32
          %lt3A_309 = arith.cmpi slt, %select_n3A_302, %lt3A_308 : i32
          %ne3A_310 = arith.xori %lt3A_307, %lt3A_309 : i1
          %and3A_311 = arith.andi %ne3A_310, %ne3A_305 : i1
          %add3A_312 = arith.addi %rem3A_303, %select_n3A_302 : i32
          %select_n3A_313 = arith.select %and3A_311, %add3A_312, %rem3A_303 : i32
          %jit3A_314 = arith.constant 2 : i32
          %eq3A_315 = arith.constant 0 : i32
          %eq3A_316 = arith.cmpi eq, %jit3A_314, %eq3A_315 : i32
          %jit3A_317 = arith.constant 1 : i32
          %select_n3A_318 = arith.select %eq3A_316, %jit3A_317, %jit3A_314 : i32
          %rem3A_319 = arith.remsi %scan3A_204, %select_n3A_318 : i32
          %ne3A_320 = arith.constant 0 : i32
          %ne3A_321 = arith.cmpi ne, %rem3A_319, %ne3A_320 : i32
          %lt3A_322 = arith.constant 0 : i32
          %lt3A_323 = arith.cmpi slt, %rem3A_319, %lt3A_322 : i32
          %lt3A_324 = arith.constant 0 : i32
          %lt3A_325 = arith.cmpi slt, %select_n3A_318, %lt3A_324 : i32
          %ne3A_326 = arith.xori %lt3A_323, %lt3A_325 : i1
          %and3A_327 = arith.andi %ne3A_326, %ne3A_321 : i1
          %add3A_328 = arith.addi %rem3A_319, %select_n3A_318 : i32
          %select_n3A_329 = arith.select %and3A_327, %add3A_328, %rem3A_319 : i32
          %parallel_loop3A_330 = arith.constant 0 : i32
          %parallel_loop3A_331 = arith.constant 5 : i32
          %parallel_loop3A_332 = arith.constant 1 : i32
          scf.for %parallel_loop3A_343 = %parallel_loop3A_330 to %parallel_loop3A_331 step %parallel_loop3A_332  : i32 {
            %parallel_loop3A_344 = arith.constant 16 : i32
            %parallel_loop3A_345 = arith.muli %parallel_loop3A_343, %parallel_loop3A_344 : i32
            %parallel_loop3A_346 = arith.index_cast %select_n3A_313 : i32 to index
            %parallel_loop3A_347 = arith.index_cast %parallel_loop3A_345 : i32 to index
            %parallel_loop3A_348 = tpu.vector_load %arg13[%parallel_loop3A_346, %parallel_loop3A_347] {strides = array<i32>} : memref<4x80xf32, #tpu.memory_space<vmem>>, vector<16xf32>,
            %parallel_loop3A_349 = vector.broadcast %select_n3A_329 : i32 to vector<16xi32>
            %parallel_loop3A_350 = arith.constant 16 : i32
            %parallel_loop3A_351 = arith.muli %parallel_loop3A_343, %parallel_loop3A_350 : i32
            %parallel_loop3A_352 = tpu.iota {dimensions = array<i32: 0>} : vector<16xi32>
            %parallel_loop3A_353 = vector.broadcast %parallel_loop3A_351 : i32 to vector<16xi32>
            %parallel_loop3A_354 = arith.addi %parallel_loop3A_353, %parallel_loop3A_352 : vector<16xi32>
            tpu.vector_store_idx %arg14[%parallel_loop3A_349, %parallel_loop3A_354, %broadcast_in_dim3A_4], %parallel_loop3A_348 : memref<2x80x16xf32, #tpu.memory_space<vmem>>[vector<16xi32>, vector<16xi32>, vector<16xi32>], vector<16xf32>,
          } {sc.loop_unroll_factor = 5 : i64, sc.parallel_access}
          %dma_start3A_333 = arith.constant 0 : i32
          %dma_start3A_334 = arith.constant 0 : i32
          %dma_start3A_335 = tpu.memref_slice %arg14[%select_n3A_245, %dma_start3A_333, %dma_start3A_334] : memref<2x80x16xf32, #tpu.memory_space<vmem>> -> memref<1x80x16xf32, #tpu.memory_space<vmem>>
          %dma_start3A_336 = tpu.memref_squeeze %dma_start3A_335 : memref<1x80x16xf32, #tpu.memory_space<vmem>> -> memref<80x16xf32, #tpu.memory_space<vmem>>
          %dma_start3A_337 = arith.constant 0 : i32
          %dma_start3A_338 = tpu.memref_slice %arg12[%select_n3A_229, %dma_start3A_337] : memref<4x80xi32, #tpu.memory_space<vmem>> -> memref<1x80xi32, #tpu.memory_space<vmem>>
          %dma_start3A_339 = tpu.memref_squeeze %dma_start3A_338 : memref<1x80xi32, #tpu.memory_space<vmem>> -> memref<80xi32, #tpu.memory_space<vmem>>
          %dma_start3A_340 = arith.constant 0 : i32
          %dma_start3A_341 = arith.constant 0 : i32
          %dma_start3A_342 = tpu.memref_slice %arg18[%dma_start3A_340, %dma_start3A_341] : memref<10000x16xf32, #tpu.memory_space<vmem_shared>> -> memref<10000x16xf32, #tpu.memory_space<vmem_shared>>
          tpu.enqueue_indirect_dma source(%dma_start3A_336 : memref<80x16xf32, #tpu.memory_space<vmem>>) target(%dma_start3A_342 : memref<10000x16xf32, #tpu.memory_space<vmem_shared>>) offsets(%dma_start3A_339 : memref<80xi32, #tpu.memory_space<vmem>>) semaphore(%arg21 : memref<!tpu.dma_semaphore, #tpu.memory_space<semaphore_mem>>) {add = true}
        } else {
        }
        %add3A_277 = arith.constant 1 : i32
        %add3A_278 = arith.addi %scan3A_204, %add3A_277 : i32
        %lt3A_279 = arith.constant 250 : i32
        %lt3A_280 = arith.cmpi slt, %add3A_278, %lt3A_279 : i32
        %convert_element_type3A_281 = arith.extui %lt3A_280 : i1 to i32
        %cond3A_282 = arith.constant 0 : i32
        %cond3A_283 = arith.cmpi ne, %convert_element_type3A_281, %cond3A_282 : i32
        scf.if %cond3A_283 {
          %add3A_298 = arith.constant 1 : i32
          %add3A_299 = arith.addi %scan3A_204, %add3A_298 : i32
          %jit3A_300 = arith.constant 4 : i32
          %eq3A_301 = arith.constant 0 : i32
          %eq3A_302 = arith.cmpi eq, %jit3A_300, %eq3A_301 : i32
          %jit3A_303 = arith.constant 1 : i32
          %select_n3A_304 = arith.select %eq3A_302, %jit3A_303, %jit3A_300 : i32
          %rem3A_305 = arith.remsi %add3A_299, %select_n3A_304 : i32
          %ne3A_306 = arith.constant 0 : i32
          %ne3A_307 = arith.cmpi ne, %rem3A_305, %ne3A_306 : i32
          %lt3A_308 = arith.constant 0 : i32
          %lt3A_309 = arith.cmpi slt, %rem3A_305, %lt3A_308 : i32
          %lt3A_310 = arith.constant 0 : i32
          %lt3A_311 = arith.cmpi slt, %select_n3A_304, %lt3A_310 : i32
          %ne3A_312 = arith.xori %lt3A_309, %lt3A_311 : i1
          %and3A_313 = arith.andi %ne3A_312, %ne3A_307 : i1
          %add3A_314 = arith.addi %rem3A_305, %select_n3A_304 : i32
          %select_n3A_315 = arith.select %and3A_313, %add3A_314, %rem3A_305 : i32
          %dma_wait3A_316 = arith.constant 0 : i32
          %dma_wait3A_317 = tpu.memref_slice %arg11[%select_n3A_315, %dma_wait3A_316] : memref<4x80xi32, #tpu.memory_space<vmem>> -> memref<1x80xi32, #tpu.memory_space<vmem>>
          %dma_wait3A_318 = tpu.memref_squeeze %dma_wait3A_317 : memref<1x80xi32, #tpu.memory_space<vmem>> -> memref<80xi32, #tpu.memory_space<vmem>>
          %dma_wait3A_319 = arith.constant 0 : i32
          %dma_wait3A_320 = tpu.memref_slice %arg5[%arg1, %add3A_299, %dma_wait3A_319] : memref<16x250x80xi32, #tpu.memory_space<hbm>> -> memref<1x1x80xi32, #tpu.memory_space<hbm>>
          %dma_wait3A_321 = tpu.memref_squeeze %dma_wait3A_320 : memref<1x1x80xi32, #tpu.memory_space<hbm>> -> memref<80xi32, #tpu.memory_space<hbm>>
          %dma_wait3A_322 = arith.constant 0 : i32
          %dma_wait3A_323 = tpu.memref_slice %arg11[%select_n3A_315, %dma_wait3A_322] : memref<4x80xi32, #tpu.memory_space<vmem>> -> memref<1x80xi32, #tpu.memory_space<vmem>>
          %dma_wait3A_324 = tpu.memref_squeeze %dma_wait3A_323 : memref<1x80xi32, #tpu.memory_space<vmem>> -> memref<80xi32, #tpu.memory_space<vmem>>
          %dma_wait3A_325 = arith.constant 0 : i32
          %dma_wait3A_326 = tpu.memref_slice %arg5[%arg1, %add3A_299, %dma_wait3A_325] : memref<16x250x80xi32, #tpu.memory_space<hbm>> -> memref<1x1x80xi32, #tpu.memory_space<hbm>>
          %dma_wait3A_327 = tpu.memref_squeeze %dma_wait3A_326 : memref<1x1x80xi32, #tpu.memory_space<hbm>> -> memref<80xi32, #tpu.memory_space<hbm>>
          tpu.wait_dma2 semaphore(%arg19 : memref<!tpu.dma_semaphore, #tpu.memory_space<semaphore_mem>>) src(%dma_wait3A_327 : memref<80xi32, #tpu.memory_space<hbm>>) dst(%dma_wait3A_324 : memref<80xi32, #tpu.memory_space<vmem>>)
          %dma_wait3A_328 = arith.constant 0 : i32
          %dma_wait3A_329 = tpu.memref_slice %arg12[%select_n3A_315, %dma_wait3A_328] : memref<4x80xi32, #tpu.memory_space<vmem>> -> memref<1x80xi32, #tpu.memory_space<vmem>>
          %dma_wait3A_330 = tpu.memref_squeeze %dma_wait3A_329 : memref<1x80xi32, #tpu.memory_space<vmem>> -> memref<80xi32, #tpu.memory_space<vmem>>
          %dma_wait3A_331 = arith.constant 0 : i32
          %dma_wait3A_332 = tpu.memref_slice %arg6[%arg1, %add3A_299, %dma_wait3A_331] : memref<16x250x80xi32, #tpu.memory_space<hbm>> -> memref<1x1x80xi32, #tpu.memory_space<hbm>>
          %dma_wait3A_333 = tpu.memref_squeeze %dma_wait3A_332 : memref<1x1x80xi32, #tpu.memory_space<hbm>> -> memref<80xi32, #tpu.memory_space<hbm>>
          %dma_wait3A_334 = arith.constant 0 : i32
          %dma_wait3A_335 = tpu.memref_slice %arg12[%select_n3A_315, %dma_wait3A_334] : memref<4x80xi32, #tpu.memory_space<vmem>> -> memref<1x80xi32, #tpu.memory_space<vmem>>
          %dma_wait3A_336 = tpu.memref_squeeze %dma_wait3A_335 : memref<1x80xi32, #tpu.memory_space<vmem>> -> memref<80xi32, #tpu.memory_space<vmem>>
          %dma_wait3A_337 = arith.constant 0 : i32
          %dma_wait3A_338 = tpu.memref_slice %arg6[%arg1, %add3A_299, %dma_wait3A_337] : memref<16x250x80xi32, #tpu.memory_space<hbm>> -> memref<1x1x80xi32, #tpu.memory_space<hbm>>
          %dma_wait3A_339 = tpu.memref_squeeze %dma_wait3A_338 : memref<1x1x80xi32, #tpu.memory_space<hbm>> -> memref<80xi32, #tpu.memory_space<hbm>>
          tpu.wait_dma2 semaphore(%arg19 : memref<!tpu.dma_semaphore, #tpu.memory_space<semaphore_mem>>) src(%dma_wait3A_339 : memref<80xi32, #tpu.memory_space<hbm>>) dst(%dma_wait3A_336 : memref<80xi32, #tpu.memory_space<vmem>>)
          %dma_wait3A_340 = arith.constant 0 : i32
          %dma_wait3A_341 = tpu.memref_slice %arg13[%select_n3A_315, %dma_wait3A_340] : memref<4x80xf32, #tpu.memory_space<vmem>> -> memref<1x80xf32, #tpu.memory_space<vmem>>
          %dma_wait3A_342 = tpu.memref_squeeze %dma_wait3A_341 : memref<1x80xf32, #tpu.memory_space<vmem>> -> memref<80xf32, #tpu.memory_space<vmem>>
          %dma_wait3A_343 = arith.constant 0 : i32
          %dma_wait3A_344 = tpu.memref_slice %arg4[%arg1, %add3A_299, %dma_wait3A_343] : memref<16x250x80xf32, #tpu.memory_space<hbm>> -> memref<1x1x80xf32, #tpu.memory_space<hbm>>
          %dma_wait3A_345 = tpu.memref_squeeze %dma_wait3A_344 : memref<1x1x80xf32, #tpu.memory_space<hbm>> -> memref<80xf32, #tpu.memory_space<hbm>>
          %dma_wait3A_346 = arith.constant 0 : i32
          %dma_wait3A_347 = tpu.memref_slice %arg13[%select_n3A_315, %dma_wait3A_346] : memref<4x80xf32, #tpu.memory_space<vmem>> -> memref<1x80xf32, #tpu.memory_space<vmem>>
          %dma_wait3A_348 = tpu.memref_squeeze %dma_wait3A_347 : memref<1x80xf32, #tpu.memory_space<vmem>> -> memref<80xf32, #tpu.memory_space<vmem>>
          %dma_wait3A_349 = arith.constant 0 : i32
          %dma_wait3A_350 = tpu.memref_slice %arg4[%arg1, %add3A_299, %dma_wait3A_349] : memref<16x250x80xf32, #tpu.memory_space<hbm>> -> memref<1x1x80xf32, #tpu.memory_space<hbm>>
          %dma_wait3A_351 = tpu.memref_squeeze %dma_wait3A_350 : memref<1x1x80xf32, #tpu.memory_space<hbm>> -> memref<80xf32, #tpu.memory_space<hbm>>
          tpu.wait_dma2 semaphore(%arg19 : memref<!tpu.dma_semaphore, #tpu.memory_space<semaphore_mem>>) src(%dma_wait3A_351 : memref<80xf32, #tpu.memory_space<hbm>>) dst(%dma_wait3A_348 : memref<80xf32, #tpu.memory_space<vmem>>)
          %add3A_352 = arith.constant 1 : i32
          %add3A_353 = arith.addi %scan3A_204, %add3A_352 : i32
          %jit3A_354 = arith.constant 4 : i32
          %eq3A_355 = arith.constant 0 : i32
          %eq3A_356 = arith.cmpi eq, %jit3A_354, %eq3A_355 : i32
          %jit3A_357 = arith.constant 1 : i32
          %select_n3A_358 = arith.select %eq3A_356, %jit3A_357, %jit3A_354 : i32
          %rem3A_359 = arith.remsi %add3A_353, %select_n3A_358 : i32
          %ne3A_360 = arith.constant 0 : i32
          %ne3A_361 = arith.cmpi ne, %rem3A_359, %ne3A_360 : i32
          %lt3A_362 = arith.constant 0 : i32
          %lt3A_363 = arith.cmpi slt, %rem3A_359, %lt3A_362 : i32
          %lt3A_364 = arith.constant 0 : i32
          %lt3A_365 = arith.cmpi slt, %select_n3A_358, %lt3A_364 : i32
          %ne3A_366 = arith.xori %lt3A_363, %lt3A_365 : i1
          %and3A_367 = arith.andi %ne3A_366, %ne3A_361 : i1
          %add3A_368 = arith.addi %rem3A_359, %select_n3A_358 : i32
          %select_n3A_369 = arith.select %and3A_367, %add3A_368, %rem3A_359 : i32
          %add3A_370 = arith.constant 1 : i32
          %add3A_371 = arith.addi %scan3A_204, %add3A_370 : i32
          %jit3A_372 = arith.constant 2 : i32
          %eq3A_373 = arith.constant 0 : i32
          %eq3A_374 = arith.cmpi eq, %jit3A_372, %eq3A_373 : i32
          %jit3A_375 = arith.constant 1 : i32
          %select_n3A_376 = arith.select %eq3A_374, %jit3A_375, %jit3A_372 : i32
          %rem3A_377 = arith.remsi %add3A_371, %select_n3A_376 : i32
          %ne3A_378 = arith.constant 0 : i32
          %ne3A_379 = arith.cmpi ne, %rem3A_377, %ne3A_378 : i32
          %lt3A_380 = arith.constant 0 : i32
          %lt3A_381 = arith.cmpi slt, %rem3A_377, %lt3A_380 : i32
          %lt3A_382 = arith.constant 0 : i32
          %lt3A_383 = arith.cmpi slt, %select_n3A_376, %lt3A_382 : i32
          %ne3A_384 = arith.xori %lt3A_381, %lt3A_383 : i1
          %and3A_385 = arith.andi %ne3A_384, %ne3A_379 : i1
          %add3A_386 = arith.addi %rem3A_377, %select_n3A_376 : i32
          %select_n3A_387 = arith.select %and3A_385, %add3A_386, %rem3A_377 : i32
          %dma_start3A_388 = arith.constant 0 : i32
          %dma_start3A_389 = arith.constant 0 : i32
          %dma_start3A_390 = tpu.memref_slice %arg15[%select_n3A_387, %dma_start3A_388, %dma_start3A_389] : memref<2x80x32xi32, #tpu.memory_space<vmem>> -> memref<1x80x32xi32, #tpu.memory_space<vmem>>
          %dma_start3A_391 = tpu.memref_squeeze %dma_start3A_390 : memref<1x80x32xi32, #tpu.memory_space<vmem>> -> memref<80x32xi32, #tpu.memory_space<vmem>>
          %dma_start3A_392 = arith.constant 0 : i32
          %dma_start3A_393 = tpu.memref_slice %arg11[%select_n3A_369, %dma_start3A_392] : memref<4x80xi32, #tpu.memory_space<vmem>> -> memref<1x80xi32, #tpu.memory_space<vmem>>
          %dma_start3A_394 = tpu.memref_squeeze %dma_start3A_393 : memref<1x80xi32, #tpu.memory_space<vmem>> -> memref<80xi32, #tpu.memory_space<vmem>>
          %dma_start3A_395 = arith.constant 0 : i32
          %dma_start3A_396 = arith.constant 0 : i32
          %dma_start3A_397 = tpu.memref_slice %arg3[%dma_start3A_395, %dma_start3A_396] : memref<10000x32xi32, #tpu.memory_space<hbm>> -> memref<10000x32xi32, #tpu.memory_space<hbm>>
          tpu.enqueue_indirect_dma source(%dma_start3A_397 : memref<10000x32xi32, #tpu.memory_space<hbm>>) target(%dma_start3A_391 : memref<80x32xi32, #tpu.memory_space<vmem>>) offsets(%dma_start3A_394 : memref<80xi32, #tpu.memory_space<vmem>>) semaphore(%arg20 : memref<!tpu.dma_semaphore, #tpu.memory_space<semaphore_mem>>)
        } else {
        }
        %broadcast_in_dim3A_284 = arith.constant -65536 : i32
        %broadcast_in_dim3A_285 = vector.broadcast %broadcast_in_dim3A_284 : i32 to vector<16xi32>
        %parallel_loop3A = arith.constant 0 : i32
        %parallel_loop3A_286 = arith.constant 80 : i32
        %parallel_loop3A_287 = arith.constant 1 : i32
        scf.for %parallel_loop3A_298 = %parallel_loop3A to %parallel_loop3A_286 step %parallel_loop3A_287  : i32 {
          %parallel_loop3A_299 = vector.broadcast %select_n3A_229 : i32 to vector<16xi32>
          %parallel_loop3A_300 = vector.broadcast %parallel_loop3A_298 : i32 to vector<16xi32>
          %parallel_loop3A_301 = tpu.vector_load_idx %arg13[%parallel_loop3A_299, %parallel_loop3A_300] : memref<4x80xf32, #tpu.memory_space<vmem>>[vector<16xi32>, vector<16xi32>], vector<16xf32>,
          %parallel_loop3A_302 = arith.index_cast %select_n3A_213 : i32 to index
          %parallel_loop3A_303 = arith.index_cast %parallel_loop3A_298 : i32 to index
          %parallel_loop3A_304 = arith.constant 0 : index
          %parallel_loop3A_305 = tpu.vector_load %arg15[%parallel_loop3A_302, %parallel_loop3A_303, %parallel_loop3A_304] {strides = array<i32>} : memref<2x80x32xi32, #tpu.memory_space<vmem>>, vector<16xi32>,
          %parallel_loop3A_306 = arith.constant 16 : i32
          %parallel_loop3A_307 = vector.broadcast %parallel_loop3A_306 : i32 to vector<16xi32>
          %parallel_loop3A_308 = arith.shli %parallel_loop3A_305, %parallel_loop3A_307 : vector<16xi32>
          %parallel_loop3A_309 = vector.bitcast %parallel_loop3A_308 : vector<16xi32> to vector<16xf32>
          %parallel_loop3A_310 = arith.andi %parallel_loop3A_305, %broadcast_in_dim3A_285 : vector<16xi32>
          %parallel_loop3A_311 = vector.bitcast %parallel_loop3A_310 : vector<16xi32> to vector<16xf32>
          %parallel_loop3A_312 = arith.mulf %parallel_loop3A_309, %parallel_loop3A_301 : vector<16xf32>
          %parallel_loop3A_313 = arith.index_cast %select_n3A_213 : i32 to index
          %parallel_loop3A_314 = arith.index_cast %parallel_loop3A_298 : i32 to index
          %parallel_loop3A_315 = arith.constant 0 : index
          %parallel_loop3A_316 = tpu.vector_load %arg16[%parallel_loop3A_313, %parallel_loop3A_314, %parallel_loop3A_315] {strides = array<i32>} : memref<2x80x64xf32, #tpu.memory_space<vmem>>, vector<16xf32>,
          tpu.vector_store %arg16[%parallel_loop3A_313, %parallel_loop3A_314, %parallel_loop3A_315], %parallel_loop3A_312 {strides = array<i32>} : memref<2x80x64xf32, #tpu.memory_space<vmem>>, vector<16xf32>,
          %parallel_loop3A_317 = arith.mulf %parallel_loop3A_311, %parallel_loop3A_301 : vector<16xf32>
          %parallel_loop3A_318 = arith.index_cast %select_n3A_213 : i32 to index
          %parallel_loop3A_319 = arith.index_cast %parallel_loop3A_298 : i32 to index
          %parallel_loop3A_320 = arith.constant 16 : index
          %parallel_loop3A_321 = tpu.vector_load %arg16[%parallel_loop3A_318, %parallel_loop3A_319, %parallel_loop3A_320] {strides = array<i32>} : memref<2x80x64xf32, #tpu.memory_space<vmem>>, vector<16xf32>,
          tpu.vector_store %arg16[%parallel_loop3A_318, %parallel_loop3A_319, %parallel_loop3A_320], %parallel_loop3A_317 {strides = array<i32>} : memref<2x80x64xf32, #tpu.memory_space<vmem>>, vector<16xf32>,
          %parallel_loop3A_322 = arith.index_cast %select_n3A_213 : i32 to index
          %parallel_loop3A_323 = arith.index_cast %parallel_loop3A_298 : i32 to index
          %parallel_loop3A_324 = arith.constant 16 : index
          %parallel_loop3A_325 = tpu.vector_load %arg15[%parallel_loop3A_322, %parallel_loop3A_323, %parallel_loop3A_324] {strides = array<i32>} : memref<2x80x32xi32, #tpu.memory_space<vmem>>, vector<16xi32>,
          %parallel_loop3A_326 = arith.constant 16 : i32
          %parallel_loop3A_327 = vector.broadcast %parallel_loop3A_326 : i32 to vector<16xi32>
          %parallel_loop3A_328 = arith.shli %parallel_loop3A_325, %parallel_loop3A_327 : vector<16xi32>
          %parallel_loop3A_329 = vector.bitcast %parallel_loop3A_328 : vector<16xi32> to vector<16xf32>
          %parallel_loop3A_330 = arith.andi %parallel_loop3A_325, %broadcast_in_dim3A_285 : vector<16xi32>
          %parallel_loop3A_331 = vector.bitcast %parallel_loop3A_330 : vector<16xi32> to vector<16xf32>
          %parallel_loop3A_332 = arith.mulf %parallel_loop3A_329, %parallel_loop3A_301 : vector<16xf32>
          %parallel_loop3A_333 = arith.index_cast %select_n3A_213 : i32 to index
          %parallel_loop3A_334 = arith.index_cast %parallel_loop3A_298 : i32 to index
          %parallel_loop3A_335 = arith.constant 32 : index
          %parallel_loop3A_336 = tpu.vector_load %arg16[%parallel_loop3A_333, %parallel_loop3A_334, %parallel_loop3A_335] {strides = array<i32>} : memref<2x80x64xf32, #tpu.memory_space<vmem>>, vector<16xf32>,
          tpu.vector_store %arg16[%parallel_loop3A_333, %parallel_loop3A_334, %parallel_loop3A_335], %parallel_loop3A_332 {strides = array<i32>} : memref<2x80x64xf32, #tpu.memory_space<vmem>>, vector<16xf32>,
          %parallel_loop3A_337 = arith.mulf %parallel_loop3A_331, %parallel_loop3A_301 : vector<16xf32>
          %parallel_loop3A_338 = arith.index_cast %select_n3A_213 : i32 to index
          %parallel_loop3A_339 = arith.index_cast %parallel_loop3A_298 : i32 to index
          %parallel_loop3A_340 = arith.constant 48 : index
          %parallel_loop3A_341 = tpu.vector_load %arg16[%parallel_loop3A_338, %parallel_loop3A_339, %parallel_loop3A_340] {strides = array<i32>} : memref<2x80x64xf32, #tpu.memory_space<vmem>>, vector<16xf32>,
          tpu.vector_store %arg16[%parallel_loop3A_338, %parallel_loop3A_339, %parallel_loop3A_340], %parallel_loop3A_337 {strides = array<i32>} : memref<2x80x64xf32, #tpu.memory_space<vmem>>, vector<16xf32>,
        } {sc.loop_unroll_factor = 8 : i64, sc.parallel_access}
        %dma_start3A_288 = arith.constant 0 : i32
        %dma_start3A_289 = arith.constant 0 : i32
        %dma_start3A_290 = tpu.memref_slice %arg16[%select_n3A_213, %dma_start3A_288, %dma_start3A_289] : memref<2x80x64xf32, #tpu.memory_space<vmem>> -> memref<1x80x64xf32, #tpu.memory_space<vmem>>
        %dma_start3A_291 = tpu.memref_squeeze %dma_start3A_290 : memref<1x80x64xf32, #tpu.memory_space<vmem>> -> memref<80x64xf32, #tpu.memory_space<vmem>>
        %dma_start3A_292 = arith.constant 0 : i32
        %dma_start3A_293 = tpu.memref_slice %arg12[%select_n3A_229, %dma_start3A_292] : memref<4x80xi32, #tpu.memory_space<vmem>> -> memref<1x80xi32, #tpu.memory_space<vmem>>
        %dma_start3A_294 = tpu.memref_squeeze %dma_start3A_293 : memref<1x80xi32, #tpu.memory_space<vmem>> -> memref<80xi32, #tpu.memory_space<vmem>>
        %dma_start3A_295 = arith.constant 0 : i32
        %dma_start3A_296 = arith.constant 0 : i32
        %dma_start3A_297 = tpu.memref_slice %arg17[%dma_start3A_295, %dma_start3A_296] : memref<10000x64xf32, #tpu.memory_space<vmem_shared>> -> memref<10000x64xf32, #tpu.memory_space<vmem_shared>>
        tpu.enqueue_indirect_dma source(%dma_start3A_291 : memref<80x64xf32, #tpu.memory_space<vmem>>) target(%dma_start3A_297 : memref<10000x64xf32, #tpu.memory_space<vmem_shared>>) offsets(%dma_start3A_294 : memref<80xi32, #tpu.memory_space<vmem>>) semaphore(%arg21 : memref<!tpu.dma_semaphore, #tpu.memory_space<semaphore_mem>>) {add = true}
      }
      %scan3A_161 = arith.constant 250 : i32
      %dma_wait3A_162 = arith.constant 0 : i32
      %dma_wait3A_163 = arith.constant 0 : i32
      %dma_wait3A_164 = arith.constant 0 : i32
      %dma_wait3A_165 = arith.constant 0 : i32
      %dma_wait3A_166 = tpu.memref_slice %arg16[%dma_wait3A_162, %dma_wait3A_164, %dma_wait3A_165] : memref<2x80x64xf32, #tpu.memory_space<vmem>> -> memref<1x80x64xf32, #tpu.memory_space<vmem>>
      %dma_wait3A_167 = tpu.memref_squeeze %dma_wait3A_166 : memref<1x80x64xf32, #tpu.memory_space<vmem>> -> memref<80x64xf32, #tpu.memory_space<vmem>>
      %dma_wait3A_168 = arith.constant 0 : i32
      %dma_wait3A_169 = tpu.memref_slice %arg12[%dma_wait3A_163, %dma_wait3A_168] : memref<4x80xi32, #tpu.memory_space<vmem>> -> memref<1x80xi32, #tpu.memory_space<vmem>>
      %dma_wait3A_170 = tpu.memref_squeeze %dma_wait3A_169 : memref<1x80xi32, #tpu.memory_space<vmem>> -> memref<80xi32, #tpu.memory_space<vmem>>
      %dma_wait3A_171 = arith.constant 0 : i32
      %dma_wait3A_172 = arith.constant 0 : i32
      %dma_wait3A_173 = tpu.memref_slice %arg17[%dma_wait3A_171, %dma_wait3A_172] : memref<10000x64xf32, #tpu.memory_space<vmem_shared>> -> memref<10000x64xf32, #tpu.memory_space<vmem_shared>>
      tpu.wait_indirect_dma semaphore(%arg21 : memref<!tpu.dma_semaphore, #tpu.memory_space<semaphore_mem>>) src(%dma_wait3A_167 : memref<80x64xf32, #tpu.memory_space<vmem>>) dst(%dma_wait3A_173 : memref<10000x64xf32, #tpu.memory_space<vmem_shared>>)
      %eq3A_174 = arith.constant 0 : i32
      %eq3A_175 = arith.cmpi eq, %arg0, %eq3A_174 : i32
      %eq3A_176 = arith.constant false
      %eq3A_177 = arith.xori %eq3A_175, %eq3A_176 : i1
      %eq3A_178 = arith.constant true
      %eq3A_179 = arith.xori %eq3A_177, %eq3A_178 : i1
      %convert_element_type3A_180 = arith.extui %eq3A_179 : i1 to i32
      %cond3A_181 = arith.constant 0 : i32
      %cond3A_182 = arith.cmpi ne, %convert_element_type3A_180, %cond3A_181 : i32
      scf.if %cond3A_182 {
        %dma_wait3A_204 = arith.constant 0 : i32
        %dma_wait3A_205 = arith.constant 0 : i32
        %dma_wait3A_206 = arith.constant 0 : i32
        %dma_wait3A_207 = arith.constant 0 : i32
        %dma_wait3A_208 = tpu.memref_slice %arg14[%dma_wait3A_204, %dma_wait3A_206, %dma_wait3A_207] : memref<2x80x16xf32, #tpu.memory_space<vmem>> -> memref<1x80x16xf32, #tpu.memory_space<vmem>>
        %dma_wait3A_209 = tpu.memref_squeeze %dma_wait3A_208 : memref<1x80x16xf32, #tpu.memory_space<vmem>> -> memref<80x16xf32, #tpu.memory_space<vmem>>
        %dma_wait3A_210 = arith.constant 0 : i32
        %dma_wait3A_211 = tpu.memref_slice %arg12[%dma_wait3A_205, %dma_wait3A_210] : memref<4x80xi32, #tpu.memory_space<vmem>> -> memref<1x80xi32, #tpu.memory_space<vmem>>
        %dma_wait3A_212 = tpu.memref_squeeze %dma_wait3A_211 : memref<1x80xi32, #tpu.memory_space<vmem>> -> memref<80xi32, #tpu.memory_space<vmem>>
        %dma_wait3A_213 = arith.constant 0 : i32
        %dma_wait3A_214 = arith.constant 0 : i32
        %dma_wait3A_215 = tpu.memref_slice %arg18[%dma_wait3A_213, %dma_wait3A_214] : memref<10000x16xf32, #tpu.memory_space<vmem_shared>> -> memref<10000x16xf32, #tpu.memory_space<vmem_shared>>
        tpu.wait_indirect_dma semaphore(%arg21 : memref<!tpu.dma_semaphore, #tpu.memory_space<semaphore_mem>>) src(%dma_wait3A_209 : memref<80x16xf32, #tpu.memory_space<vmem>>) dst(%dma_wait3A_215 : memref<10000x16xf32, #tpu.memory_space<vmem_shared>>)
      } else {
      }
      %dma_wait3A_183 = arith.constant 1 : i32
      %dma_wait3A_184 = arith.constant 1 : i32
      %dma_wait3A_185 = arith.constant 0 : i32
      %dma_wait3A_186 = arith.constant 0 : i32
      %dma_wait3A_187 = tpu.memref_slice %arg16[%dma_wait3A_183, %dma_wait3A_185, %dma_wait3A_186] : memref<2x80x64xf32, #tpu.memory_space<vmem>> -> memref<1x80x64xf32, #tpu.memory_space<vmem>>
      %dma_wait3A_188 = tpu.memref_squeeze %dma_wait3A_187 : memref<1x80x64xf32, #tpu.memory_space<vmem>> -> memref<80x64xf32, #tpu.memory_space<vmem>>
      %dma_wait3A_189 = arith.constant 0 : i32
      %dma_wait3A_190 = tpu.memref_slice %arg12[%dma_wait3A_184, %dma_wait3A_189] : memref<4x80xi32, #tpu.memory_space<vmem>> -> memref<1x80xi32, #tpu.memory_space<vmem>>
      %dma_wait3A_191 = tpu.memref_squeeze %dma_wait3A_190 : memref<1x80xi32, #tpu.memory_space<vmem>> -> memref<80xi32, #tpu.memory_space<vmem>>
      %dma_wait3A_192 = arith.constant 0 : i32
      %dma_wait3A_193 = arith.constant 0 : i32
      %dma_wait3A_194 = tpu.memref_slice %arg17[%dma_wait3A_192, %dma_wait3A_193] : memref<10000x64xf32, #tpu.memory_space<vmem_shared>> -> memref<10000x64xf32, #tpu.memory_space<vmem_shared>>
      tpu.wait_indirect_dma semaphore(%arg21 : memref<!tpu.dma_semaphore, #tpu.memory_space<semaphore_mem>>) src(%dma_wait3A_188 : memref<80x64xf32, #tpu.memory_space<vmem>>) dst(%dma_wait3A_194 : memref<10000x64xf32, #tpu.memory_space<vmem_shared>>)
      %eq3A_195 = arith.constant 0 : i32
      %eq3A_196 = arith.cmpi eq, %arg0, %eq3A_195 : i32
      %eq3A_197 = arith.constant false
      %eq3A_198 = arith.xori %eq3A_196, %eq3A_197 : i1
      %eq3A_199 = arith.constant true
      %eq3A_200 = arith.xori %eq3A_198, %eq3A_199 : i1
      %convert_element_type3A_201 = arith.extui %eq3A_200 : i1 to i32
      %cond3A_202 = arith.constant 0 : i32
      %cond3A_203 = arith.cmpi ne, %convert_element_type3A_201, %cond3A_202 : i32
      scf.if %cond3A_203 {
        %dma_wait3A_204 = arith.constant 1 : i32
        %dma_wait3A_205 = arith.constant 1 : i32
        %dma_wait3A_206 = arith.constant 0 : i32
        %dma_wait3A_207 = arith.constant 0 : i32
        %dma_wait3A_208 = tpu.memref_slice %arg14[%dma_wait3A_204, %dma_wait3A_206, %dma_wait3A_207] : memref<2x80x16xf32, #tpu.memory_space<vmem>> -> memref<1x80x16xf32, #tpu.memory_space<vmem>>
        %dma_wait3A_209 = tpu.memref_squeeze %dma_wait3A_208 : memref<1x80x16xf32, #tpu.memory_space<vmem>> -> memref<80x16xf32, #tpu.memory_space<vmem>>
        %dma_wait3A_210 = arith.constant 0 : i32
        %dma_wait3A_211 = tpu.memref_slice %arg12[%dma_wait3A_205, %dma_wait3A_210] : memref<4x80xi32, #tpu.memory_space<vmem>> -> memref<1x80xi32, #tpu.memory_space<vmem>>
        %dma_wait3A_212 = tpu.memref_squeeze %dma_wait3A_211 : memref<1x80xi32, #tpu.memory_space<vmem>> -> memref<80xi32, #tpu.memory_space<vmem>>
        %dma_wait3A_213 = arith.constant 0 : i32
        %dma_wait3A_214 = arith.constant 0 : i32
        %dma_wait3A_215 = tpu.memref_slice %arg18[%dma_wait3A_213, %dma_wait3A_214] : memref<10000x16xf32, #tpu.memory_space<vmem_shared>> -> memref<10000x16xf32, #tpu.memory_space<vmem_shared>>
        tpu.wait_indirect_dma semaphore(%arg21 : memref<!tpu.dma_semaphore, #tpu.memory_space<semaphore_mem>>) src(%dma_wait3A_209 : memref<80x16xf32, #tpu.memory_space<vmem>>) dst(%dma_wait3A_215 : memref<10000x16xf32, #tpu.memory_space<vmem_shared>>)
      } else {
      }
    } else {
    }
    %barrier3A_15 = arith.constant 0 : index
    tpu.barrier barrier_id(%barrier3A_15)
    "tpu.region"() ({
      %run_scoped3A_21 = tpu.sem_alloc : memref<!tpu.dma_semaphore, #tpu.memory_space<semaphore_mem>>
      %dma_start3A = arith.constant 0 : i32
      %dma_start3A_22 = tpu.memref_slice %arg9[%arg0, %mul3A_1, %dma_start3A] : memref<2x10000x64xf32, #tpu.memory_space<hbm>> -> memref<1x624x64xf32, #tpu.memory_space<hbm>>
      %dma_start3A_23 = tpu.memref_squeeze %dma_start3A_22 : memref<1x624x64xf32, #tpu.memory_space<hbm>> -> memref<624x64xf32, #tpu.memory_space<hbm>>
      %dma_start3A_24 = arith.constant 0 : i32
      %dma_start3A_25 = tpu.memref_slice %arg17[%mul3A_1, %dma_start3A_24] : memref<10000x64xf32, #tpu.memory_space<vmem_shared>> -> memref<624x64xf32, #tpu.memory_space<vmem_shared>>
      tpu.enqueue_dma source(%dma_start3A_25 : memref<624x64xf32, #tpu.memory_space<vmem_shared>>) target(%dma_start3A_23 : memref<624x64xf32, #tpu.memory_space<hbm>>) target_semaphore(%run_scoped3A_21 : memref<!tpu.dma_semaphore, #tpu.memory_space<semaphore_mem>>)
      %dma_wait3A = arith.constant 0 : i32
      %dma_wait3A_26 = tpu.memref_slice %arg9[%arg0, %mul3A_1, %dma_wait3A] : memref<2x10000x64xf32, #tpu.memory_space<hbm>> -> memref<1x624x64xf32, #tpu.memory_space<hbm>>
      %dma_wait3A_27 = tpu.memref_squeeze %dma_wait3A_26 : memref<1x624x64xf32, #tpu.memory_space<hbm>> -> memref<624x64xf32, #tpu.memory_space<hbm>>
      %dma_wait3A_28 = arith.constant 0 : i32
      %dma_wait3A_29 = tpu.memref_slice %arg17[%mul3A_1, %dma_wait3A_28] : memref<10000x64xf32, #tpu.memory_space<vmem_shared>> -> memref<624x64xf32, #tpu.memory_space<vmem_shared>>
      tpu.wait_dma2 semaphore(%run_scoped3A_21 : memref<!tpu.dma_semaphore, #tpu.memory_space<semaphore_mem>>) src(%dma_wait3A_29 : memref<624x64xf32, #tpu.memory_space<vmem_shared>>) dst(%dma_wait3A_27 : memref<624x64xf32, #tpu.memory_space<hbm>>)
      tpu.yield
    }) : () -> ()
    "tpu.region"() ({
      %run_scoped3A_21 = tpu.sem_alloc : memref<!tpu.dma_semaphore, #tpu.memory_space<semaphore_mem>>
      %dma_start3A = arith.constant 0 : i32
      %dma_start3A_22 = tpu.memref_slice %arg10[%arg0, %mul3A_1, %dma_start3A] : memref<2x10000x16xf32, #tpu.memory_space<hbm>> -> memref<1x624x16xf32, #tpu.memory_space<hbm>>
      %dma_start3A_23 = tpu.memref_squeeze %dma_start3A_22 : memref<1x624x16xf32, #tpu.memory_space<hbm>> -> memref<624x16xf32, #tpu.memory_space<hbm>>
      %dma_start3A_24 = arith.constant 0 : i32
      %dma_start3A_25 = tpu.memref_slice %arg18[%mul3A_1, %dma_start3A_24] : memref<10000x16xf32, #tpu.memory_space<vmem_shared>> -> memref<624x16xf32, #tpu.memory_space<vmem_shared>>
      tpu.enqueue_dma source(%dma_start3A_25 : memref<624x16xf32, #tpu.memory_space<vmem_shared>>) target(%dma_start3A_23 : memref<624x16xf32, #tpu.memory_space<hbm>>) target_semaphore(%run_scoped3A_21 : memref<!tpu.dma_semaphore, #tpu.memory_space<semaphore_mem>>)
      %dma_wait3A = arith.constant 0 : i32
      %dma_wait3A_26 = tpu.memref_slice %arg10[%arg0, %mul3A_1, %dma_wait3A] : memref<2x10000x16xf32, #tpu.memory_space<hbm>> -> memref<1x624x16xf32, #tpu.memory_space<hbm>>
      %dma_wait3A_27 = tpu.memref_squeeze %dma_wait3A_26 : memref<1x624x16xf32, #tpu.memory_space<hbm>> -> memref<624x16xf32, #tpu.memory_space<hbm>>
      %dma_wait3A_28 = arith.constant 0 : i32
      %dma_wait3A_29 = tpu.memref_slice %arg18[%mul3A_1, %dma_wait3A_28] : memref<10000x16xf32, #tpu.memory_space<vmem_shared>> -> memref<624x16xf32, #tpu.memory_space<vmem_shared>>
      tpu.wait_dma2 semaphore(%run_scoped3A_21 : memref<!tpu.dma_semaphore, #tpu.memory_space<semaphore_mem>>) src(%dma_wait3A_29 : memref<624x16xf32, #tpu.memory_space<vmem_shared>>) dst(%dma_wait3A_27 : memref<624x16xf32, #tpu.memory_space<hbm>>)
      tpu.yield
    }) : () -> ()
    %eq3A_16 = arith.constant 15 : i32
    %eq3A_17 = arith.cmpi eq, %arg1, %eq3A_16 : i32
    %convert_element_type3A_18 = arith.extui %eq3A_17 : i1 to i32
    %cond3A_19 = arith.constant 0 : i32
    %cond3A_20 = arith.cmpi ne, %convert_element_type3A_18, %cond3A_19 : i32
    scf.if %cond3A_20 {
      "tpu.region"() ({
        %run_scoped3A_21 = tpu.sem_alloc : memref<!tpu.dma_semaphore, #tpu.memory_space<semaphore_mem>>
        %dma_start3A = arith.constant 9984 : i32
        %dma_start3A_22 = arith.constant 0 : i32
        %dma_start3A_23 = tpu.memref_slice %arg9[%arg0, %dma_start3A, %dma_start3A_22] : memref<2x10000x64xf32, #tpu.memory_space<hbm>> -> memref<1x16x64xf32, #tpu.memory_space<hbm>>
        %dma_start3A_24 = tpu.memref_squeeze %dma_start3A_23 : memref<1x16x64xf32, #tpu.memory_space<hbm>> -> memref<16x64xf32, #tpu.memory_space<hbm>>
        %dma_start3A_25 = arith.constant 9984 : i32
        %dma_start3A_26 = arith.constant 0 : i32
        %dma_start3A_27 = tpu.memref_slice %arg17[%dma_start3A_25, %dma_start3A_26] : memref<10000x64xf32, #tpu.memory_space<vmem_shared>> -> memref<16x64xf32, #tpu.memory_space<vmem_shared>>
        tpu.enqueue_dma source(%dma_start3A_27 : memref<16x64xf32, #tpu.memory_space<vmem_shared>>) target(%dma_start3A_24 : memref<16x64xf32, #tpu.memory_space<hbm>>) target_semaphore(%run_scoped3A_21 : memref<!tpu.dma_semaphore, #tpu.memory_space<semaphore_mem>>)
        %dma_wait3A = arith.constant 9984 : i32
        %dma_wait3A_28 = arith.constant 0 : i32
        %dma_wait3A_29 = tpu.memref_slice %arg9[%arg0, %dma_wait3A, %dma_wait3A_28] : memref<2x10000x64xf32, #tpu.memory_space<hbm>> -> memref<1x16x64xf32, #tpu.memory_space<hbm>>
        %dma_wait3A_30 = tpu.memref_squeeze %dma_wait3A_29 : memref<1x16x64xf32, #tpu.memory_space<hbm>> -> memref<16x64xf32, #tpu.memory_space<hbm>>
        %dma_wait3A_31 = arith.constant 9984 : i32
        %dma_wait3A_32 = arith.constant 0 : i32
        %dma_wait3A_33 = tpu.memref_slice %arg17[%dma_wait3A_31, %dma_wait3A_32] : memref<10000x64xf32, #tpu.memory_space<vmem_shared>> -> memref<16x64xf32, #tpu.memory_space<vmem_shared>>
        tpu.wait_dma2 semaphore(%run_scoped3A_21 : memref<!tpu.dma_semaphore, #tpu.memory_space<semaphore_mem>>) src(%dma_wait3A_33 : memref<16x64xf32, #tpu.memory_space<vmem_shared>>) dst(%dma_wait3A_30 : memref<16x64xf32, #tpu.memory_space<hbm>>)
        tpu.yield
      }) : () -> ()
      "tpu.region"() ({
        %run_scoped3A_21 = tpu.sem_alloc : memref<!tpu.dma_semaphore, #tpu.memory_space<semaphore_mem>>
        %dma_start3A = arith.constant 9984 : i32
        %dma_start3A_22 = arith.constant 0 : i32
        %dma_start3A_23 = tpu.memref_slice %arg10[%arg0, %dma_start3A, %dma_start3A_22] : memref<2x10000x16xf32, #tpu.memory_space<hbm>> -> memref<1x16x16xf32, #tpu.memory_space<hbm>>
        %dma_start3A_24 = tpu.memref_squeeze %dma_start3A_23 : memref<1x16x16xf32, #tpu.memory_space<hbm>> -> memref<16x16xf32, #tpu.memory_space<hbm>>
        %dma_start3A_25 = arith.constant 9984 : i32
        %dma_start3A_26 = arith.constant 0 : i32
        %dma_start3A_27 = tpu.memref_slice %arg18[%dma_start3A_25, %dma_start3A_26] : memref<10000x16xf32, #tpu.memory_space<vmem_shared>> -> memref<16x16xf32, #tpu.memory_space<vmem_shared>>
        tpu.enqueue_dma source(%dma_start3A_27 : memref<16x16xf32, #tpu.memory_space<vmem_shared>>) target(%dma_start3A_24 : memref<16x16xf32, #tpu.memory_space<hbm>>) target_semaphore(%run_scoped3A_21 : memref<!tpu.dma_semaphore, #tpu.memory_space<semaphore_mem>>)
        %dma_wait3A = arith.constant 9984 : i32
        %dma_wait3A_28 = arith.constant 0 : i32
        %dma_wait3A_29 = tpu.memref_slice %arg10[%arg0, %dma_wait3A, %dma_wait3A_28] : memref<2x10000x16xf32, #tpu.memory_space<hbm>> -> memref<1x16x16xf32, #tpu.memory_space<hbm>>
        %dma_wait3A_30 = tpu.memref_squeeze %dma_wait3A_29 : memref<1x16x16xf32, #tpu.memory_space<hbm>> -> memref<16x16xf32, #tpu.memory_space<hbm>>
        %dma_wait3A_31 = arith.constant 9984 : i32
        %dma_wait3A_32 = arith.constant 0 : i32
        %dma_wait3A_33 = tpu.memref_slice %arg18[%dma_wait3A_31, %dma_wait3A_32] : memref<10000x16xf32, #tpu.memory_space<vmem_shared>> -> memref<16x16xf32, #tpu.memory_space<vmem_shared>>
        tpu.wait_dma2 semaphore(%run_scoped3A_21 : memref<!tpu.dma_semaphore, #tpu.memory_space<semaphore_mem>>) src(%dma_wait3A_33 : memref<16x16xf32, #tpu.memory_space<vmem_shared>>) dst(%dma_wait3A_30 : memref<16x16xf32, #tpu.memory_space<hbm>>)
        tpu.yield
      }) : () -> ()
    } else {
    }
    return
  }
}

#map = affine_map<(d0, d1) -> (0, 0)>
#map1 = affine_map<(d0, d1) -> (0, 0, 0)>
module attributes {stable_mosaic.version = 14 : i64} {
  func.func @_sc_w(%arg0: i32, %arg1: i32, %arg2: memref<10000x2xf32, #tpu.memory_space<hbm>>, %arg3: memref<160x25x80xi32, #tpu.memory_space<hbm>>, %arg4: memref<160x25x80xi32, #tpu.memory_space<hbm>>, %arg5: memref<160x25x80xf32, #tpu.memory_space<hbm>>, %arg6: memref<10000x2xf32, #tpu.memory_space<vmem>>, %arg7: memref<25x80xi32, #tpu.memory_space<vmem>>, %arg8: memref<25x80xi32, #tpu.memory_space<vmem>>, %arg9: memref<25x80xf32, #tpu.memory_space<vmem>>) attributes {dimension_semantics = [#tpu.dimension_semantics<core_parallel>, #tpu.dimension_semantics<subcore_parallel>], iteration_bounds = array<i64: 2, 16>, scalar_prefetch = 0 : i64, scratch_operands = 4 : i64, tpu.core_type = #tpu.core_type<sc_vector_subcore>, window_params = [{transform_indices = #map}, {transform_indices = #map1}, {transform_indices = #map1}, {transform_indices = #map1}]} {
    %mul3A = arith.constant 16 : i32
    %mul3A_0 = arith.muli %arg0, %mul3A : i32
    %add3A = arith.addi %mul3A_0, %arg1 : i32
    "tpu.region"() ({
      %run_scoped3A = tpu.sem_alloc : memref<!tpu.dma_semaphore, #tpu.memory_space<semaphore_mem>>
      tpu.enqueue_dma source(%arg2 : memref<10000x2xf32, #tpu.memory_space<hbm>>) target(%arg6 : memref<10000x2xf32, #tpu.memory_space<vmem>>) target_semaphore(%run_scoped3A : memref<!tpu.dma_semaphore, #tpu.memory_space<semaphore_mem>>)
      tpu.wait_dma2 semaphore(%run_scoped3A : memref<!tpu.dma_semaphore, #tpu.memory_space<semaphore_mem>>) src(%arg2 : memref<10000x2xf32, #tpu.memory_space<hbm>>) dst(%arg6 : memref<10000x2xf32, #tpu.memory_space<vmem>>)
      tpu.yield
    }) : () -> ()
    %broadcast_in_dim3A = arith.constant 0 : i32
    %broadcast_in_dim3A_1 = vector.broadcast %broadcast_in_dim3A : i32 to vector<16xi32>
    %broadcast_in_dim3A_2 = arith.constant 1 : i32
    %broadcast_in_dim3A_3 = vector.broadcast %broadcast_in_dim3A_2 : i32 to vector<16xi32>
    %scan3A = arith.constant 0 : i32
    %scan3A_4 = arith.constant 0 : i32
    %scan3A_5 = arith.constant 5 : i32
    %scan3A_6 = arith.addi %scan3A_4, %scan3A_5 : i32
    %scan3A_7 = arith.constant 1 : i32
    scf.for %scan3A_9 = %scan3A_4 to %scan3A_6 step %scan3A_7  : i32 {
      %mul3A_10 = arith.constant 5 : i32
      %mul3A_11 = arith.muli %add3A, %mul3A_10 : i32
      %add3A_12 = arith.addi %mul3A_11, %scan3A_9 : i32
      "tpu.region"() ({
        %run_scoped3A = tpu.sem_alloc : memref<!tpu.dma_semaphore, #tpu.memory_space<semaphore_mem>>
        %dma_start3A = arith.constant 0 : i32
        %dma_start3A_15 = arith.constant 0 : i32
        %dma_start3A_16 = tpu.memref_slice %arg3[%add3A_12, %dma_start3A, %dma_start3A_15] : memref<160x25x80xi32, #tpu.memory_space<hbm>> -> memref<1x25x80xi32, #tpu.memory_space<hbm>>
        %dma_start3A_17 = tpu.memref_squeeze %dma_start3A_16 : memref<1x25x80xi32, #tpu.memory_space<hbm>> -> memref<25x80xi32, #tpu.memory_space<hbm>>
        %dma_start3A_18 = arith.constant 0 : i32
        %dma_start3A_19 = arith.constant 0 : i32
        %dma_start3A_20 = tpu.memref_slice %arg3[%add3A_12, %dma_start3A_18, %dma_start3A_19] : memref<160x25x80xi32, #tpu.memory_space<hbm>> -> memref<1x25x80xi32, #tpu.memory_space<hbm>>
        %dma_start3A_21 = tpu.memref_squeeze %dma_start3A_20 : memref<1x25x80xi32, #tpu.memory_space<hbm>> -> memref<25x80xi32, #tpu.memory_space<hbm>>
        tpu.enqueue_dma source(%dma_start3A_21 : memref<25x80xi32, #tpu.memory_space<hbm>>) target(%arg7 : memref<25x80xi32, #tpu.memory_space<vmem>>) target_semaphore(%run_scoped3A : memref<!tpu.dma_semaphore, #tpu.memory_space<semaphore_mem>>)
        %dma_wait3A = arith.constant 0 : i32
        %dma_wait3A_22 = arith.constant 0 : i32
        %dma_wait3A_23 = tpu.memref_slice %arg3[%add3A_12, %dma_wait3A, %dma_wait3A_22] : memref<160x25x80xi32, #tpu.memory_space<hbm>> -> memref<1x25x80xi32, #tpu.memory_space<hbm>>
        %dma_wait3A_24 = tpu.memref_squeeze %dma_wait3A_23 : memref<1x25x80xi32, #tpu.memory_space<hbm>> -> memref<25x80xi32, #tpu.memory_space<hbm>>
        %dma_wait3A_25 = arith.constant 0 : i32
        %dma_wait3A_26 = arith.constant 0 : i32
        %dma_wait3A_27 = tpu.memref_slice %arg3[%add3A_12, %dma_wait3A_25, %dma_wait3A_26] : memref<160x25x80xi32, #tpu.memory_space<hbm>> -> memref<1x25x80xi32, #tpu.memory_space<hbm>>
        %dma_wait3A_28 = tpu.memref_squeeze %dma_wait3A_27 : memref<1x25x80xi32, #tpu.memory_space<hbm>> -> memref<25x80xi32, #tpu.memory_space<hbm>>
        tpu.wait_dma2 semaphore(%run_scoped3A : memref<!tpu.dma_semaphore, #tpu.memory_space<semaphore_mem>>) src(%dma_wait3A_28 : memref<25x80xi32, #tpu.memory_space<hbm>>) dst(%arg7 : memref<25x80xi32, #tpu.memory_space<vmem>>)
        tpu.yield
      }) : () -> ()
      "tpu.region"() ({
        %run_scoped3A = tpu.sem_alloc : memref<!tpu.dma_semaphore, #tpu.memory_space<semaphore_mem>>
        %dma_start3A = arith.constant 0 : i32
        %dma_start3A_15 = arith.constant 0 : i32
        %dma_start3A_16 = tpu.memref_slice %arg4[%add3A_12, %dma_start3A, %dma_start3A_15] : memref<160x25x80xi32, #tpu.memory_space<hbm>> -> memref<1x25x80xi32, #tpu.memory_space<hbm>>
        %dma_start3A_17 = tpu.memref_squeeze %dma_start3A_16 : memref<1x25x80xi32, #tpu.memory_space<hbm>> -> memref<25x80xi32, #tpu.memory_space<hbm>>
        %dma_start3A_18 = arith.constant 0 : i32
        %dma_start3A_19 = arith.constant 0 : i32
        %dma_start3A_20 = tpu.memref_slice %arg4[%add3A_12, %dma_start3A_18, %dma_start3A_19] : memref<160x25x80xi32, #tpu.memory_space<hbm>> -> memref<1x25x80xi32, #tpu.memory_space<hbm>>
        %dma_start3A_21 = tpu.memref_squeeze %dma_start3A_20 : memref<1x25x80xi32, #tpu.memory_space<hbm>> -> memref<25x80xi32, #tpu.memory_space<hbm>>
        tpu.enqueue_dma source(%dma_start3A_21 : memref<25x80xi32, #tpu.memory_space<hbm>>) target(%arg8 : memref<25x80xi32, #tpu.memory_space<vmem>>) target_semaphore(%run_scoped3A : memref<!tpu.dma_semaphore, #tpu.memory_space<semaphore_mem>>)
        %dma_wait3A = arith.constant 0 : i32
        %dma_wait3A_22 = arith.constant 0 : i32
        %dma_wait3A_23 = tpu.memref_slice %arg4[%add3A_12, %dma_wait3A, %dma_wait3A_22] : memref<160x25x80xi32, #tpu.memory_space<hbm>> -> memref<1x25x80xi32, #tpu.memory_space<hbm>>
        %dma_wait3A_24 = tpu.memref_squeeze %dma_wait3A_23 : memref<1x25x80xi32, #tpu.memory_space<hbm>> -> memref<25x80xi32, #tpu.memory_space<hbm>>
        %dma_wait3A_25 = arith.constant 0 : i32
        %dma_wait3A_26 = arith.constant 0 : i32
        %dma_wait3A_27 = tpu.memref_slice %arg4[%add3A_12, %dma_wait3A_25, %dma_wait3A_26] : memref<160x25x80xi32, #tpu.memory_space<hbm>> -> memref<1x25x80xi32, #tpu.memory_space<hbm>>
        %dma_wait3A_28 = tpu.memref_squeeze %dma_wait3A_27 : memref<1x25x80xi32, #tpu.memory_space<hbm>> -> memref<25x80xi32, #tpu.memory_space<hbm>>
        tpu.wait_dma2 semaphore(%run_scoped3A : memref<!tpu.dma_semaphore, #tpu.memory_space<semaphore_mem>>) src(%dma_wait3A_28 : memref<25x80xi32, #tpu.memory_space<hbm>>) dst(%arg8 : memref<25x80xi32, #tpu.memory_space<vmem>>)
        tpu.yield
      }) : () -> ()
      %parallel_loop3A = arith.constant 0 : i32
      %parallel_loop3A_13 = arith.constant 125 : i32
      %parallel_loop3A_14 = arith.constant 1 : i32
      scf.for %parallel_loop3A_15 = %parallel_loop3A to %parallel_loop3A_13 step %parallel_loop3A_14  : i32 {
        %parallel_loop3A_16 = arith.constant 5 : i32
        %parallel_loop3A_17 = arith.divsi %parallel_loop3A_15, %parallel_loop3A_16 : i32
        %parallel_loop3A_18 = arith.constant 0 : i32
        %parallel_loop3A_19 = arith.cmpi sgt, %parallel_loop3A_15, %parallel_loop3A_18 : i32
        %parallel_loop3A_20 = arith.extui %parallel_loop3A_19 : i1 to i32
        %parallel_loop3A_21 = arith.constant 0 : i32
        %parallel_loop3A_22 = arith.cmpi slt, %parallel_loop3A_15, %parallel_loop3A_21 : i32
        %parallel_loop3A_23 = arith.extui %parallel_loop3A_22 : i1 to i32
        %parallel_loop3A_24 = arith.subi %parallel_loop3A_20, %parallel_loop3A_23 : i32
        %parallel_loop3A_25 = arith.constant 0 : i32
        %parallel_loop3A_26 = arith.cmpi sgt, %parallel_loop3A_16, %parallel_loop3A_25 : i32
        %parallel_loop3A_27 = arith.extui %parallel_loop3A_26 : i1 to i32
        %parallel_loop3A_28 = arith.constant 0 : i32
        %parallel_loop3A_29 = arith.cmpi slt, %parallel_loop3A_16, %parallel_loop3A_28 : i32
        %parallel_loop3A_30 = arith.extui %parallel_loop3A_29 : i1 to i32
        %parallel_loop3A_31 = arith.subi %parallel_loop3A_27, %parallel_loop3A_30 : i32
        %parallel_loop3A_32 = arith.cmpi ne, %parallel_loop3A_24, %parallel_loop3A_31 : i32
        %parallel_loop3A_33 = arith.remsi %parallel_loop3A_15, %parallel_loop3A_16 : i32
        %parallel_loop3A_34 = arith.constant 0 : i32
        %parallel_loop3A_35 = arith.cmpi ne, %parallel_loop3A_33, %parallel_loop3A_34 : i32
        %parallel_loop3A_36 = arith.andi %parallel_loop3A_32, %parallel_loop3A_35 : i1
        %parallel_loop3A_37 = arith.constant 1 : i32
        %parallel_loop3A_38 = arith.subi %parallel_loop3A_17, %parallel_loop3A_37 : i32
        %parallel_loop3A_39 = arith.select %parallel_loop3A_36, %parallel_loop3A_38, %parallel_loop3A_17 : i32
        %parallel_loop3A_40 = arith.constant 5 : i32
        %parallel_loop3A_41 = arith.constant 0 : i32
        %parallel_loop3A_42 = arith.cmpi eq, %parallel_loop3A_40, %parallel_loop3A_41 : i32
        %parallel_loop3A_43 = arith.constant 1 : i32
        %parallel_loop3A_44 = arith.select %parallel_loop3A_42, %parallel_loop3A_43, %parallel_loop3A_40 : i32
        %parallel_loop3A_45 = arith.remsi %parallel_loop3A_15, %parallel_loop3A_44 : i32
        %parallel_loop3A_46 = arith.constant 0 : i32
        %parallel_loop3A_47 = arith.cmpi ne, %parallel_loop3A_45, %parallel_loop3A_46 : i32
        %parallel_loop3A_48 = arith.constant 0 : i32
        %parallel_loop3A_49 = arith.cmpi slt, %parallel_loop3A_45, %parallel_loop3A_48 : i32
        %parallel_loop3A_50 = arith.constant 0 : i32
        %parallel_loop3A_51 = arith.cmpi slt, %parallel_loop3A_44, %parallel_loop3A_50 : i32
        %parallel_loop3A_52 = arith.xori %parallel_loop3A_49, %parallel_loop3A_51 : i1
        %parallel_loop3A_53 = arith.andi %parallel_loop3A_52, %parallel_loop3A_47 : i1
        %parallel_loop3A_54 = arith.addi %parallel_loop3A_45, %parallel_loop3A_44 : i32
        %parallel_loop3A_55 = arith.select %parallel_loop3A_53, %parallel_loop3A_54, %parallel_loop3A_45 : i32
        %parallel_loop3A_56 = arith.constant 16 : i32
        %parallel_loop3A_57 = arith.muli %parallel_loop3A_55, %parallel_loop3A_56 : i32
        %parallel_loop3A_58 = arith.index_cast %parallel_loop3A_39 : i32 to index
        %parallel_loop3A_59 = arith.index_cast %parallel_loop3A_57 : i32 to index
        %parallel_loop3A_60 = tpu.vector_load %arg7[%parallel_loop3A_58, %parallel_loop3A_59] {strides = array<i32>} : memref<25x80xi32, #tpu.memory_space<vmem>>, vector<16xi32>,
        %parallel_loop3A_61 = arith.constant 16 : i32
        %parallel_loop3A_62 = arith.muli %parallel_loop3A_55, %parallel_loop3A_61 : i32
        %parallel_loop3A_63 = arith.index_cast %parallel_loop3A_39 : i32 to index
        %parallel_loop3A_64 = arith.index_cast %parallel_loop3A_62 : i32 to index
        %parallel_loop3A_65 = tpu.vector_load %arg8[%parallel_loop3A_63, %parallel_loop3A_64] {strides = array<i32>} : memref<25x80xi32, #tpu.memory_space<vmem>>, vector<16xi32>,
        %parallel_loop3A_66 = tpu.vector_load_idx %arg6[%parallel_loop3A_60, %broadcast_in_dim3A_1] : memref<10000x2xf32, #tpu.memory_space<vmem>>[vector<16xi32>, vector<16xi32>], vector<16xf32>,
        %parallel_loop3A_67 = tpu.vector_load_idx %arg6[%parallel_loop3A_65, %broadcast_in_dim3A_3] : memref<10000x2xf32, #tpu.memory_space<vmem>>[vector<16xi32>, vector<16xi32>], vector<16xf32>,
        %parallel_loop3A_68 = arith.addf %parallel_loop3A_66, %parallel_loop3A_67 : vector<16xf32>
        %parallel_loop3A_69 = arith.constant 0.000000e+00 : f32
        %parallel_loop3A_70 = vector.broadcast %parallel_loop3A_69 : f32 to vector<16xf32>
        %parallel_loop3A_71 = arith.cmpf oge, %parallel_loop3A_68, %parallel_loop3A_70 : vector<16xf32>
        %parallel_loop3A_72 = arith.constant 2.000000e-01 : f32
        %parallel_loop3A_73 = vector.broadcast %parallel_loop3A_72 : f32 to vector<16xf32>
        %parallel_loop3A_74 = arith.mulf %parallel_loop3A_68, %parallel_loop3A_73 : vector<16xf32>
        %parallel_loop3A_75 = arith.select %parallel_loop3A_71, %parallel_loop3A_68, %parallel_loop3A_74 : vector<16xi1>, vector<16xf32>
        %parallel_loop3A_76 = math.exp %parallel_loop3A_75 : vector<16xf32>
        %parallel_loop3A_77 = arith.constant 16 : i32
        %parallel_loop3A_78 = arith.muli %parallel_loop3A_55, %parallel_loop3A_77 : i32
        %parallel_loop3A_79 = arith.index_cast %parallel_loop3A_39 : i32 to index
        %parallel_loop3A_80 = arith.index_cast %parallel_loop3A_78 : i32 to index
        %parallel_loop3A_81 = tpu.vector_load %arg9[%parallel_loop3A_79, %parallel_loop3A_80] {strides = array<i32>} : memref<25x80xf32, #tpu.memory_space<vmem>>, vector<16xf32>,
        tpu.vector_store %arg9[%parallel_loop3A_79, %parallel_loop3A_80], %parallel_loop3A_76 {strides = array<i32>} : memref<25x80xf32, #tpu.memory_space<vmem>>, vector<16xf32>,
      } {sc.loop_unroll_factor = 4 : i64, sc.parallel_access}
      "tpu.region"() ({
        %run_scoped3A = tpu.sem_alloc : memref<!tpu.dma_semaphore, #tpu.memory_space<semaphore_mem>>
        %dma_start3A = arith.constant 0 : i32
        %dma_start3A_15 = arith.constant 0 : i32
        %dma_start3A_16 = tpu.memref_slice %arg5[%add3A_12, %dma_start3A, %dma_start3A_15] : memref<160x25x80xf32, #tpu.memory_space<hbm>> -> memref<1x25x80xf32, #tpu.memory_space<hbm>>
        %dma_start3A_17 = tpu.memref_squeeze %dma_start3A_16 : memref<1x25x80xf32, #tpu.memory_space<hbm>> -> memref<25x80xf32, #tpu.memory_space<hbm>>
        %dma_start3A_18 = arith.constant 0 : i32
        %dma_start3A_19 = arith.constant 0 : i32
        %dma_start3A_20 = tpu.memref_slice %arg5[%add3A_12, %dma_start3A_18, %dma_start3A_19] : memref<160x25x80xf32, #tpu.memory_space<hbm>> -> memref<1x25x80xf32, #tpu.memory_space<hbm>>
        %dma_start3A_21 = tpu.memref_squeeze %dma_start3A_20 : memref<1x25x80xf32, #tpu.memory_space<hbm>> -> memref<25x80xf32, #tpu.memory_space<hbm>>
        tpu.enqueue_dma source(%arg9 : memref<25x80xf32, #tpu.memory_space<vmem>>) target(%dma_start3A_21 : memref<25x80xf32, #tpu.memory_space<hbm>>) target_semaphore(%run_scoped3A : memref<!tpu.dma_semaphore, #tpu.memory_space<semaphore_mem>>)
        %dma_wait3A = arith.constant 0 : i32
        %dma_wait3A_22 = arith.constant 0 : i32
        %dma_wait3A_23 = tpu.memref_slice %arg5[%add3A_12, %dma_wait3A, %dma_wait3A_22] : memref<160x25x80xf32, #tpu.memory_space<hbm>> -> memref<1x25x80xf32, #tpu.memory_space<hbm>>
        %dma_wait3A_24 = tpu.memref_squeeze %dma_wait3A_23 : memref<1x25x80xf32, #tpu.memory_space<hbm>> -> memref<25x80xf32, #tpu.memory_space<hbm>>
        %dma_wait3A_25 = arith.constant 0 : i32
        %dma_wait3A_26 = arith.constant 0 : i32
        %dma_wait3A_27 = tpu.memref_slice %arg5[%add3A_12, %dma_wait3A_25, %dma_wait3A_26] : memref<160x25x80xf32, #tpu.memory_space<hbm>> -> memref<1x25x80xf32, #tpu.memory_space<hbm>>
        %dma_wait3A_28 = tpu.memref_squeeze %dma_wait3A_27 : memref<1x25x80xf32, #tpu.memory_space<hbm>> -> memref<25x80xf32, #tpu.memory_space<hbm>>
        tpu.wait_dma2 semaphore(%run_scoped3A : memref<!tpu.dma_semaphore, #tpu.memory_space<semaphore_mem>>) src(%arg9 : memref<25x80xf32, #tpu.memory_space<vmem>>) dst(%dma_wait3A_28 : memref<25x80xf32, #tpu.memory_space<hbm>>)
        tpu.yield
      }) : () -> ()
    }
    %scan3A_8 = arith.constant 5 : i32
    return
  }
}

module attributes {stable_mosaic.version = 14 : i64} {
  func.func @_tc_head(%arg0: i32, %arg1: memref<1000x128xf32, #tpu.memory_space<vmem>>, %arg2: memref<128x128xf32, #tpu.memory_space<vmem>>, %arg3: memref<1x128xf32, #tpu.memory_space<vmem>>, %arg4: memref<1x128xf32, #tpu.memory_space<vmem>>, %arg5: memref<1000x64xf32, #tpu.memory_space<vmem>>, %arg6: memref<1000x64xf32, #tpu.memory_space<vmem>>, %arg7: memref<1000x2xf32, #tpu.memory_space<vmem>>) attributes {dimension_semantics = [#tpu.dimension_semantics<arbitrary>], iteration_bounds = array<i64: 10>, scalar_prefetch = 0 : i64, scratch_operands = 0 : i64, tpu.core_type = #tpu.core_type<tc>, window_params = [{transform_indices = @transform_0, window_bounds = array<i64: 1000, 128>}, {pipeline_mode = #tpu.pipeline_mode<synchronous>, transform_indices = @transform_1, window_bounds = array<i64: 128, 128>}, {pipeline_mode = #tpu.pipeline_mode<synchronous>, transform_indices = @transform_2, window_bounds = array<i64: 1, 128>}, {pipeline_mode = #tpu.pipeline_mode<synchronous>, transform_indices = @transform_3, window_bounds = array<i64: 1, 128>}, {transform_indices = @transform_4, window_bounds = array<i64: 1000, 64>}, {transform_indices = @transform_5, window_bounds = array<i64: 1000, 64>}, {transform_indices = @transform_6, window_bounds = array<i64: 1000, 2>}]} {
    %get3A = arith.constant 0 : index
    %get3A_0 = arith.constant 0 : index
    %get3A_1 = vector.load %arg1[%get3A, %get3A_0] : memref<1000x128xf32, #tpu.memory_space<vmem>>, vector<1000x128xf32>
    %get3A_2 = arith.constant 0 : index
    %get3A_3 = arith.constant 0 : index
    %get3A_4 = vector.load %arg2[%get3A_2, %get3A_3] : memref<128x128xf32, #tpu.memory_space<vmem>>, vector<128x128xf32>
    %dot_general3A = arith.constant dense<0.000000e+00> : vector<1000x128xf32>
    %dot_general3A_5 = tpu.matmul %get3A_1, %get3A_4, %dot_general3A {dimension_numbers = #tpu.dot_dimension_numbers<[1], [0], [0], [1], [0, 0, 1, 1], [], []>, transpose_lhs_hint = false} : vector<1000x128xf32>, vector<128x128xf32>, vector<1000x128xf32> -> vector<1000x128xf32>
    %slice3A = vector.extract_strided_slice %dot_general3A_5 {offsets = [0, 0], sizes = [1000, 64], strides = [1, 1]} : vector<1000x128xf32> to vector<1000x64xf32>
    %swap3A = arith.constant 0 : index
    %swap3A_6 = arith.constant 0 : index
    %swap3A_7 = vector.load %arg5[%swap3A, %swap3A_6] : memref<1000x64xf32, #tpu.memory_space<vmem>>, vector<1000x64xf32>
    tpu.vector_store %arg5[%swap3A, %swap3A_6], %slice3A {strides = array<i32>} : memref<1000x64xf32, #tpu.memory_space<vmem>>, vector<1000x64xf32>,
    %slice3A_8 = vector.extract_strided_slice %dot_general3A_5 {offsets = [0, 64], sizes = [1000, 64], strides = [1, 1]} : vector<1000x128xf32> to vector<1000x64xf32>
    %swap3A_9 = arith.constant 0 : index
    %swap3A_10 = arith.constant 0 : index
    %swap3A_11 = vector.load %arg6[%swap3A_9, %swap3A_10] : memref<1000x64xf32, #tpu.memory_space<vmem>>, vector<1000x64xf32>
    tpu.vector_store %arg6[%swap3A_9, %swap3A_10], %slice3A_8 {strides = array<i32>} : memref<1000x64xf32, #tpu.memory_space<vmem>>, vector<1000x64xf32>,
    %get3A_12 = arith.constant 0 : index
    %get3A_13 = arith.constant 0 : index
    %get3A_14 = vector.load %arg3[%get3A_12, %get3A_13] : memref<1x128xf32, #tpu.memory_space<vmem>>, vector<1x128xf32>
    %mul3A = vector.broadcast %get3A_14 : vector<1x128xf32> to vector<1000x128xf32>
    %mul3A_15 = arith.mulf %dot_general3A_5, %mul3A : vector<1000x128xf32>
    %reduce_sum3A = arith.constant dense<0.000000e+00> : vector<1000xf32>
    %reduce_sum3A_16 = vector.multi_reduction <add>, %mul3A_15, %reduce_sum3A [1] : vector<1000x128xf32> to vector<1000xf32>
    %broadcast_in_dim3A = vector.shape_cast %reduce_sum3A_16 : vector<1000xf32> to vector<1000x1xf32>
    %get3A_17 = arith.constant 0 : index
    %get3A_18 = arith.constant 0 : index
    %get3A_19 = vector.load %arg4[%get3A_17, %get3A_18] : memref<1x128xf32, #tpu.memory_space<vmem>>, vector<1x128xf32>
    %mul3A_20 = vector.broadcast %get3A_19 : vector<1x128xf32> to vector<1000x128xf32>
    %mul3A_21 = arith.mulf %dot_general3A_5, %mul3A_20 : vector<1000x128xf32>
    %reduce_sum3A_22 = arith.constant dense<0.000000e+00> : vector<1000xf32>
    %reduce_sum3A_23 = vector.multi_reduction <add>, %mul3A_21, %reduce_sum3A_22 [1] : vector<1000x128xf32> to vector<1000xf32>
    %broadcast_in_dim3A_24 = vector.shape_cast %reduce_sum3A_23 : vector<1000xf32> to vector<1000x1xf32>
    %concatenate3A = tpu.concatenate %broadcast_in_dim3A, %broadcast_in_dim3A_24 in 1 : vector<1000x1xf32>, vector<1000x1xf32> -> vector<1000x2xf32>
    %swap3A_25 = arith.constant 0 : index
    %swap3A_26 = arith.constant 0 : index
    %swap3A_27 = vector.load %arg7[%swap3A_25, %swap3A_26] : memref<1000x2xf32, #tpu.memory_space<vmem>>, vector<1000x2xf32>
    tpu.vector_store %arg7[%swap3A_25, %swap3A_26], %concatenate3A {strides = array<i32>} : memref<1000x2xf32, #tpu.memory_space<vmem>>, vector<1000x2xf32>,
    return
  }
  func.func @transform_0(%arg0: i32) -> (i32, i32) {
    %c0_i32 = arith.constant 0 : i32
    %c0_i32_0 = arith.constant 0 : i32
    return %arg0, %c0_i32 : i32, i32
  }
  func.func @transform_1(%arg0: i32) -> (i32, i32) {
    %c0_i32 = arith.constant 0 : i32
    %c0_i32_0 = arith.constant 0 : i32
    %c0_i32_1 = arith.constant 0 : i32
    return %c0_i32, %c0_i32_0 : i32, i32
  }
  func.func @transform_2(%arg0: i32) -> (i32, i32) {
    %c0_i32 = arith.constant 0 : i32
    %c0_i32_0 = arith.constant 0 : i32
    %c0_i32_1 = arith.constant 0 : i32
    return %c0_i32, %c0_i32_0 : i32, i32
  }
  func.func @transform_3(%arg0: i32) -> (i32, i32) {
    %c0_i32 = arith.constant 0 : i32
    %c0_i32_0 = arith.constant 0 : i32
    %c0_i32_1 = arith.constant 0 : i32
    return %c0_i32, %c0_i32_0 : i32, i32
  }
  func.func @transform_4(%arg0: i32) -> (i32, i32) {
    %c0_i32 = arith.constant 0 : i32
    %c0_i32_0 = arith.constant 0 : i32
    return %arg0, %c0_i32 : i32, i32
  }
  func.func @transform_5(%arg0: i32) -> (i32, i32) {
    %c0_i32 = arith.constant 0 : i32
    %c0_i32_0 = arith.constant 0 : i32
    return %arg0, %c0_i32 : i32, i32
  }
  func.func @transform_6(%arg0: i32) -> (i32, i32) {
    %c0_i32 = arith.constant 0 : i32
    %c0_i32_0 = arith.constant 0 : i32
    return %arg0, %c0_i32 : i32, i32
  }
}

module attributes {stable_mosaic.version = 14 : i64} {
  func.func @_tc_tail(%arg0: i32, %arg1: memref<2x1000x64xf32, #tpu.memory_space<vmem>>, %arg2: memref<2x1000x16xf32, #tpu.memory_space<vmem>>, %arg3: memref<1x128xf32, #tpu.memory_space<vmem>>, %arg4: memref<1x128xf32, #tpu.memory_space<vmem>>, %arg5: memref<1x128xf32, #tpu.memory_space<vmem>>, %arg6: memref<1000x128xf32, #tpu.memory_space<vmem>>) attributes {dimension_semantics = [#tpu.dimension_semantics<arbitrary>], iteration_bounds = array<i64: 10>, scalar_prefetch = 0 : i64, scratch_operands = 0 : i64, tpu.core_type = #tpu.core_type<tc>, window_params = [{transform_indices = @transform_0, window_bounds = array<i64: 2, 1000, 64>}, {transform_indices = @transform_1, window_bounds = array<i64: 2, 1000, 16>}, {pipeline_mode = #tpu.pipeline_mode<synchronous>, transform_indices = @transform_2, window_bounds = array<i64: 1, 128>}, {pipeline_mode = #tpu.pipeline_mode<synchronous>, transform_indices = @transform_3, window_bounds = array<i64: 1, 128>}, {pipeline_mode = #tpu.pipeline_mode<synchronous>, transform_indices = @transform_4, window_bounds = array<i64: 1, 128>}, {transform_indices = @transform_5, window_bounds = array<i64: 1000, 128>}]} {
    %get3A = arith.constant 0 : index
    %get3A_0 = arith.constant 0 : index
    %get3A_1 = arith.constant 0 : index
    %get3A_2 = vector.load %arg1[%get3A, %get3A_0, %get3A_1] : memref<2x1000x64xf32, #tpu.memory_space<vmem>>, vector<1x1000x64xf32>
    %get3A_3 = vector.shape_cast %get3A_2 : vector<1x1000x64xf32> to vector<1000x64xf32>
    %get3A_4 = arith.constant 1 : index
    %get3A_5 = arith.constant 0 : index
    %get3A_6 = arith.constant 0 : index
    %get3A_7 = vector.load %arg1[%get3A_4, %get3A_5, %get3A_6] : memref<2x1000x64xf32, #tpu.memory_space<vmem>>, vector<1x1000x64xf32>
    %get3A_8 = vector.shape_cast %get3A_7 : vector<1x1000x64xf32> to vector<1000x64xf32>
    %concatenate3A = tpu.concatenate %get3A_3, %get3A_8 in 1 : vector<1000x64xf32>, vector<1000x64xf32> -> vector<1000x128xf32>
    %get3A_9 = arith.constant 0 : index
    %get3A_10 = arith.constant 0 : index
    %get3A_11 = arith.constant 0 : index
    %get3A_12 = vector.load %arg2[%get3A_9, %get3A_10, %get3A_11] : memref<2x1000x16xf32, #tpu.memory_space<vmem>>, vector<1x1000x1xf32>
    %get3A_13 = vector.shape_cast %get3A_12 : vector<1x1000x1xf32> to vector<1000x1xf32>
    %get3A_14 = arith.constant 1 : index
    %get3A_15 = arith.constant 0 : index
    %get3A_16 = arith.constant 0 : index
    %get3A_17 = vector.load %arg2[%get3A_14, %get3A_15, %get3A_16] : memref<2x1000x16xf32, #tpu.memory_space<vmem>>, vector<1x1000x1xf32>
    %get3A_18 = vector.shape_cast %get3A_17 : vector<1x1000x1xf32> to vector<1000x1xf32>
    %add3A = arith.addf %get3A_13, %get3A_18 : vector<1000x1xf32>
    %gt3A = arith.constant 0.000000e+00 : f32
    %gt3A_19 = vector.broadcast %gt3A : f32 to vector<1000x1xf32>
    %gt3A_20 = arith.cmpf ogt, %add3A, %gt3A_19 : vector<1000x1xf32>
    %jit3A = arith.constant 1.000000e+00 : f32
    %broadcast_in_dim3A = vector.broadcast %jit3A : f32 to vector<1000x1xf32>
    %select_n3A = arith.select %gt3A_20, %add3A, %broadcast_in_dim3A : vector<1000x1xi1>, vector<1000x1xf32>
    %div3A = vector.broadcast %select_n3A : vector<1000x1xf32> to vector<1000x128xf32>
    %div3A_21 = arith.divf %concatenate3A, %div3A : vector<1000x128xf32>
    %get3A_22 = arith.constant 0 : index
    %get3A_23 = arith.constant 0 : index
    %get3A_24 = vector.load %arg3[%get3A_22, %get3A_23] : memref<1x128xf32, #tpu.memory_space<vmem>>, vector<1x128xf32>
    %add3A_25 = vector.broadcast %get3A_24 : vector<1x128xf32> to vector<1000x128xf32>
    %add3A_26 = arith.addf %div3A_21, %add3A_25 : vector<1000x128xf32>
    %reduce_sum3A = arith.constant dense<0.000000e+00> : vector<1000xf32>
    %reduce_sum3A_27 = vector.multi_reduction <add>, %add3A_26, %reduce_sum3A [1] : vector<1000x128xf32> to vector<1000xf32>
    %broadcast_in_dim3A_28 = vector.shape_cast %reduce_sum3A_27 : vector<1000xf32> to vector<1000x1xf32>
    %div3A_29 = arith.constant 1.280000e+02 : f32
    %div3A_30 = vector.broadcast %div3A_29 : f32 to vector<1000x1xf32>
    %div3A_31 = arith.divf %broadcast_in_dim3A_28, %div3A_30 : vector<1000x1xf32>
    %sub3A = vector.broadcast %div3A_31 : vector<1000x1xf32> to vector<1000x128xf32>
    %sub3A_32 = arith.subf %add3A_26, %sub3A : vector<1000x128xf32>
    %integer_pow3A = arith.mulf %sub3A_32, %sub3A_32 : vector<1000x128xf32>
    %reduce_sum3A_33 = arith.constant dense<0.000000e+00> : vector<1000xf32>
    %reduce_sum3A_34 = vector.multi_reduction <add>, %integer_pow3A, %reduce_sum3A_33 [1] : vector<1000x128xf32> to vector<1000xf32>
    %broadcast_in_dim3A_35 = vector.shape_cast %reduce_sum3A_34 : vector<1000xf32> to vector<1000x1xf32>
    %div3A_36 = arith.constant 1.280000e+02 : f32
    %div3A_37 = vector.broadcast %div3A_36 : f32 to vector<1000x1xf32>
    %div3A_38 = arith.divf %broadcast_in_dim3A_35, %div3A_37 : vector<1000x1xf32>
    %sub3A_39 = vector.broadcast %div3A_31 : vector<1000x1xf32> to vector<1000x128xf32>
    %sub3A_40 = arith.subf %add3A_26, %sub3A_39 : vector<1000x128xf32>
    %add3A_41 = arith.constant 9.99999974E-6 : f32
    %add3A_42 = vector.broadcast %add3A_41 : f32 to vector<1000x1xf32>
    %add3A_43 = arith.addf %div3A_38, %add3A_42 : vector<1000x1xf32>
    %rsqrt3A = math.rsqrt %add3A_43 : vector<1000x1xf32>
    %mul3A = vector.broadcast %rsqrt3A : vector<1000x1xf32> to vector<1000x128xf32>
    %mul3A_44 = arith.mulf %sub3A_40, %mul3A : vector<1000x128xf32>
    %get3A_45 = arith.constant 0 : index
    %get3A_46 = arith.constant 0 : index
    %get3A_47 = vector.load %arg4[%get3A_45, %get3A_46] : memref<1x128xf32, #tpu.memory_space<vmem>>, vector<1x128xf32>
    %mul3A_48 = vector.broadcast %get3A_47 : vector<1x128xf32> to vector<1000x128xf32>
    %mul3A_49 = arith.mulf %mul3A_44, %mul3A_48 : vector<1000x128xf32>
    %get3A_50 = arith.constant 0 : index
    %get3A_51 = arith.constant 0 : index
    %get3A_52 = vector.load %arg5[%get3A_50, %get3A_51] : memref<1x128xf32, #tpu.memory_space<vmem>>, vector<1x128xf32>
    %add3A_53 = vector.broadcast %get3A_52 : vector<1x128xf32> to vector<1000x128xf32>
    %add3A_54 = arith.addf %mul3A_49, %add3A_53 : vector<1000x128xf32>
    %gt3A_55 = arith.constant 0.000000e+00 : f32
    %gt3A_56 = vector.broadcast %gt3A_55 : f32 to vector<1000x128xf32>
    %gt3A_57 = arith.cmpf ogt, %add3A_54, %gt3A_56 : vector<1000x128xf32>
    %exp3A = math.exp %add3A_54 : vector<1000x128xf32>
    %sub3A_58 = arith.constant 1.000000e+00 : f32
    %sub3A_59 = vector.broadcast %sub3A_58 : f32 to vector<1000x128xf32>
    %sub3A_60 = arith.subf %exp3A, %sub3A_59 : vector<1000x128xf32>
    %select_n3A_61 = arith.select %gt3A_57, %add3A_54, %sub3A_60 : vector<1000x128xi1>, vector<1000x128xf32>
    %swap3A = arith.constant 0 : index
    %swap3A_62 = arith.constant 0 : index
    %swap3A_63 = vector.load %arg6[%swap3A, %swap3A_62] : memref<1000x128xf32, #tpu.memory_space<vmem>>, vector<1000x128xf32>
    tpu.vector_store %arg6[%swap3A, %swap3A_62], %select_n3A_61 {strides = array<i32>} : memref<1000x128xf32, #tpu.memory_space<vmem>>, vector<1000x128xf32>,
    return
  }
  func.func @transform_0(%arg0: i32) -> (i32, i32, i32) {
    %c0_i32 = arith.constant 0 : i32
    %c0_i32_0 = arith.constant 0 : i32
    %c0_i32_1 = arith.constant 0 : i32
    return %c0_i32, %arg0, %c0_i32_0 : i32, i32, i32
  }
  func.func @transform_1(%arg0: i32) -> (i32, i32, i32) {
    %c0_i32 = arith.constant 0 : i32
    %c0_i32_0 = arith.constant 0 : i32
    %c0_i32_1 = arith.constant 0 : i32
    return %c0_i32, %arg0, %c0_i32_0 : i32, i32, i32
  }
  func.func @transform_2(%arg0: i32) -> (i32, i32) {
    %c0_i32 = arith.constant 0 : i32
    %c0_i32_0 = arith.constant 0 : i32
    %c0_i32_1 = arith.constant 0 : i32
    return %c0_i32, %c0_i32_0 : i32, i32
  }
  func.func @transform_3(%arg0: i32) -> (i32, i32) {
    %c0_i32 = arith.constant 0 : i32
    %c0_i32_0 = arith.constant 0 : i32
    %c0_i32_1 = arith.constant 0 : i32
    return %c0_i32, %c0_i32_0 : i32, i32
  }
  func.func @transform_4(%arg0: i32) -> (i32, i32) {
    %c0_i32 = arith.constant 0 : i32
    %c0_i32_0 = arith.constant 0 : i32
    %c0_i32_1 = arith.constant 0 : i32
    return %c0_i32, %c0_i32_0 : i32, i32
  }
  func.func @transform_5(%arg0: i32) -> (i32, i32) {
    %c0_i32 = arith.constant 0 : i32
    %c0_i32_0 = arith.constant 0 : i32
    return %arg0, %c0_i32 : i32, i32
  }
}

</mosaic_0001>

<sc_bundles>
// kernel: kernel.6.cloned.1.call-start
scs
__scs_entry_jumppad:
0x0: {  	(pc) =	sbr.rel $0x88, $3  }
0x1: {  	(tag) =	ssettag $0x0;
	lr =	simm.s32 $0x1  }
0x2: {  	[smem:$0x3F99] =	sst lr;
	_ =	strace $0xD0000000  }
0x3: {  	_ = 	snop  }
0x4: {  	_ = 	snop  }
0x5: {  	_ = 	snop  }
0x6: {  	_ = 	snop  }
0x7: {  	_ = 	snop  }
__scs_overlays_trampoline_lowered:
0x8: {  	[smem:$0x3FA8] =	sst s0  }
0x9: {  	[smem:$0x3FA9] =	sst s1  }
0xa: {  	[smem:$0x3FAA] =	sst s2  }
0xb: {  	[smem:$0x3FAB] =	sst s3  }
0xc: {  	[smem:$0x3FAC] =	sst s4  }
0xd: {  	[smem:$0x3FAD] =	sst s5  }
0xe: {  	[smem:$0x3FAE] =	sst s6  }
0xf: {  	[smem:$0x3FAF] =	sst s7  }
0x10: {  	[smem:$0x3FB0] =	sst s8  }
0x11: {  	[smem:$0x3FB1] =	sst s9;
	s0 =	simm.s32 @!p0 $0x0  }
0x12: {  	s1 =	sld [smem:$0x3F97];
	s0 =	simm.s32 @p0 $0x1  }
0x13: {  	[smem:$0x3FB2] =	sst s0;
	s0 =	simm.s32 @!p1 $0x0  }
0x14: {  	s2 =	sld [smem:$0x3F96];
	s0 =	simm.s32 @p1 $0x1  }
0x15: {  	[smem:$0x3FB3] =	sst s0;
	s0 =	simm.s32 @!p2 $0x0  }
0x16: {  	s3 =	sld [smem:$0x3FDB];
	s0 =	simm.s32 @p2 $0x1  }
0x17: {  	s4 =	simm.s32 $0x1BF5;
	[smem:$0x3FB5] =	sst s0  }
0x18: {  	s0 =	sld [smem:$0x3F98];
	_ =	swait.ge [sflag:s4], $0x0  }
0x19: {  	s7 =	sld [smem:$0x3F99]  }
0x1a: {  	s8 =	sadd.s32 $0xFFFFE003, lr  }
0x1b: {  	s9 =	sadd.s32 $0xFFFFFEF7, lr;
	s5 =	simm.s32 $0xFFFFFFFF;
	p2 =	slt.u32 s8, $0xFFFFF086  }
0x1c: {  	p1 =	slt.u32 s9, $0xF7A;
	s5 =	simm.s32 @!p2 $0x0  }
0x1d: {  	s5 =	simm.s32 @p1 $0x1;
	p0 =	seq.s32 s7, s2  }
0x1e: {  	s7 =	smul.u32 @!p0 $0xF7A, s2;
	p2 =	seq.s32 @!p0 s5, $0x0  }
0x1f: {  	s9 =	smul.u32 $0xF7A, s1;
	s8 =	simm.s32 @!p0 $0x1BF5;
	p2 =	por !p2, p0  }
0x20: {  	[sflag:s8] =	ssyncset.s32 @!p0 $0xFFFFF086;
	s6 =	sadd.s32 @!p0 s3, s7;
	s7 =	simm.s32 @!p0 $0x108  }
0x21: {  	s3 =	sadd.s32 s3, s9;
	s6 =	sadd.s32 @!p0 $0x88, s6;
	s7 =	simm.s32 @p2 $0x1082  }
0x22: {  	[simem:s7], [sflag:s8] =	dma.local @!p0 [hbm:s6], $0xF7A  }
0x23: {  	s9 =	sor.u32 $0xD0000000, s2;
	s6 =	simm.s32 $0x108;
	_ =	swait.ge @!p0 [sflag:s8], $0x0  }
0x24: {  	s3 =	sadd.s32 $0x88, s3;
	s6 =	simm.s32 @!p1 $0x1082;
	[sflag:s4] =	ssyncset.s32 $0xFFFFF086  }
0x25: {  	[simem:s6], [sflag:s4] =	dma.local [hbm:s3], $0xF7A  }
0x26: {  	[smem:$0x3F99] =	sst s1;
	(tag) =	ssettag s2;
	_ =	strace s9  }
0x27: {  	s1 =	sld [smem:$0x3FA9]  }
0x28: {  	s2 =	sld [smem:$0x3FAA]  }
0x29: {  	s4 =	sld [smem:$0x3FAC]  }
0x2a: {  	p0 =	seq.s32 s5, $0x0;
	s5 =	sld [smem:$0x3FAD]  }
0x2b: {  	s6 =	sld [smem:$0x3FAE]  }
0x2c: {  	s7 =	sld [smem:$0x3FAF]  }
0x2d: {  	s3 =	simm.s32 $0x108;
	s8 =	sld [smem:$0x3FB0]  }
0x2e: {  	s3 =	simm.s32 @!p0 $0x1082;
	s9 =	sld [smem:$0x3FB1]  }
0x2f: {  	lr =	sadd.s32 s0, s3;
	s0 =	sld [smem:$0x3FA8]  }
0x30: {  	s3 =	sld [smem:$0x3FAB]  }
0x31: {  	[smem:$0x3FB4] =	sst s10  }
0x32: {  	s10 =	sld [smem:$0x3FB2];
	_ =	sdelay $0x3  }
0x33: {  	p0 =	seq.s32 s10, $0x1;
	s10 =	sld [smem:$0x3FB4];
	_ =	sdelay $0x3  }
0x34: {  	[smem:$0x3FB4] =	sst s10  }
0x35: {  	s10 =	sld [smem:$0x3FB3];
	_ =	sdelay $0x3  }
0x36: {  	p1 =	seq.s32 s10, $0x1;
	s10 =	sld [smem:$0x3FB4];
	_ =	sdelay $0x3  }
0x37: {  	[smem:$0x3FB4] =	sst s10  }
0x38: {  	s10 =	sld [smem:$0x3FB5]  }
0x39: {  	_ = 	snop;
	(pc) =	sbr.ind lr, $3  }
0x3a: {  	_ = 	snop  }
0x3b: {  	_ = 	snop  }
0x3c: {  	p2 =	seq.s32 s10, $0x1;
	s10 =	sld [smem:$0x3FB4]  }
0x3d: {  	_ =	shalt  }
0x3e: {  	_ =	shalt  }
0x3f: {  	_ =	shalt  }
0x40: {  	_ =	shalt  }
0x41: {  	_ =	shalt  }
0x42: {  	_ =	shalt  }
0x43: {  	_ =	shalt  }
0x44: {  	_ =	shalt  }
0x45: {  	_ =	shalt  }
0x46: {  	_ =	shalt  }
0x47: {  	_ =	shalt  }
0x48: {  	_ =	shalt  }
0x49: {  	_ =	shalt  }
0x4a: {  	_ =	shalt  }
0x4b: {  	_ =	shalt  }
0x4c: {  	_ =	shalt  }
0x4d: {  	_ =	shalt  }
0x4e: {  	_ =	shalt  }
0x4f: {  	_ =	shalt  }
0x50: {  	_ =	shalt  }
0x51: {  	_ =	shalt  }
0x52: {  	_ =	shalt  }
0x53: {  	_ =	shalt  }
0x54: {  	_ =	shalt  }
0x55: {  	_ =	shalt  }
0x56: {  	_ =	shalt  }
0x57: {  	_ =	shalt  }
0x58: {  	_ =	shalt  }
0x59: {  	_ =	shalt  }
0x5a: {  	_ =	shalt  }
0x5b: {  	_ =	shalt  }
0x5c: {  	_ =	shalt  }
0x5d: {  	_ =	shalt  }
0x5e: {  	_ =	shalt  }
0x5f: {  	_ =	shalt  }
0x60: {  	_ =	shalt  }
0x61: {  	_ =	shalt  }
0x62: {  	_ =	shalt  }
0x63: {  	_ =	shalt  }
0x64: {  	_ =	shalt  }
0x65: {  	_ =	shalt  }
0x66: {  	_ =	shalt  }
0x67: {  	_ =	shalt  }
0x68: {  	_ =	shalt  }
0x69: {  	_ =	shalt  }
0x6a: {  	_ =	shalt  }
0x6b: {  	_ =	shalt  }
0x6c: {  	_ =	shalt  }
0x6d: {  	_ =	shalt  }
0x6e: {  	_ =	shalt  }
0x6f: {  	_ =	shalt  }
0x70: {  	_ =	shalt  }
0x71: {  	_ =	shalt  }
0x72: {  	_ =	shalt  }
0x73: {  	_ =	shalt  }
0x74: {  	_ =	shalt  }
0x75: {  	_ =	shalt  }
0x76: {  	_ =	shalt  }
0x77: {  	_ =	shalt  }
0x78: {  	_ =	shalt  }
0x79: {  	_ =	shalt  }
0x7a: {  	_ =	shalt  }
0x7b: {  	_ =	shalt  }
0x7c: {  	_ =	shalt  }
0x7d: {  	_ =	shalt  }
0x7e: {  	_ =	shalt  }
0x7f: {  	_ =	shalt  }
0x80: {  	_ =	shalt  }
0x81: {  	_ =	shalt  }
0x82: {  	_ =	shalt  }
0x83: {  	_ =	shalt  }
0x84: {  	_ =	shalt  }
0x85: {  	_ =	shalt  }
0x86: {  	_ =	shalt  }
0x87: {  	_ =	shalt  }
.Lfunc_end0:
.L_simem_size_0:
called_computation_lowered:
.L_overlay_start_0:
0x88: {  	s2 =	sld [smem:$0x3FD9]  }
0x89: {  	s3 =	sld [smem:$0x3FFE];
	_ =	sdelay $0x1  }
0x8a: {  	s1 =	srdreg.scid  }
0x8b: {  	s0 =	sand.u32 $0x1, s1  }
0x8c: {  	s17 =	sshll.u32 s0, $0xA;
	s2 =	sadd.s32 s3, s2  }
0x8d: {  	s2 =	sadd.s32 s2, s17  }
0x8e: {  	[smem:$0x3FC0] =	sst s2  }
0x8f: {  	_ = 	snop  }
0x90: {  	s2 =	sld [smem:$0x3FD0];
	(tm) =	ssettm $0x1  }
0x91: {  	s18 =	sld [smem:$0x3FFB];
	_ =	sdelay $0x3  }
0x92: {  	_ =	strace s18  }
0x93: {  	s3 =	sld [smem:$0x3FFC];
	_ =	sdelay $0x3  }
0x94: {  	_ =	strace s3  }
0x95: {  	s3 =	sld [smem:$0x3FFD];
	_ =	sdelay $0x3  }
0x96: {  	_ =	strace s3  }
0x97: {  	_ =	strace $0x8FFFFFFF  }
0x98: {  	s19 =	sld [smem:$0x3FDB];
	_ =	sdelay $0x1  }
0x99: {  	s4 =	simm.s32 $_scs_section_size  }
0x9a: {  	s5 =	simm.s32 $_size__tile_overlayer_lowered;
	s6 =	simm.s32 $_tile_overlayer_lowered  }
0x9b: {  	s22 =	simm.s32 $0x1BFF;
	s21 =	sshll.u32 s6, $0x1;
	s3 =	sadd.s32 s4, s19  }
0x9c: {  	s7 =	simm.s32 $0x0;
	s20 =	sshll.u32 s5, $0x1;
	s5 =	sadd.s32 s21, s3  }
0x9d: {  	[timem:s7], [sflag:s22] =	dma.local [hbm:s5], s20  }
0x9e: {  	_ =	swait.ge [sflag:s22], s20  }
0x9f: {  	s4 =	ssub.s32 $0x0, s20;
	[sflag:s22] =	ssyncset.done $0x0  }
0xa0: {  	[sflag:s22] =	ssyncadd.s32 s4;
	_ =	sdelay $0x1  }
0xa1: {  	s23 =	simm.s32 $0x1B8B  }
0xa2: {  	_ =	swait.ge [sflag:s23], $0x1  }
0xa3: {  	[sflag:s23] =	ssyncset.done $0x0  }
0xa4: {  	s25 =	simm.s32 $0x1B8E;
	s24 =	sld [smem:$0x3FFE];
	[sflag:s23] =	ssyncadd.s32 $0xFFFFFFFF  }
0xa5: {  	s26 =	simm.s32 $execute0_lowered;
	[smem:$0x3FD2] =	sst s25  }
0xa6: {  	s5 =	sshll.u32 s26, $0x1;
	_ =	strace $0x80000046;
	[dreg:$0x1] =	wrdreg $0xFFFFFFFF  }
0xa7: {  	s28 =	simm.s32 $_size_execute0_lowered;
	s3 =	sadd.s32 s3, s5;
	[dreg:$0x0] =	wrdreg $0x0  }
0xa8: {  	s5 =	sshll.u32 s28, $0x1;
	[dreg:$0x2] =	wrdreg s3  }
0xa9: {  	[dreg:$0x3] =	wrdreg s5  }
0xaa: {  	[dreg:$0x4] =	wrdreg $0xC0  }
0xab: {  	_ =	task [dreg:s7], $0x5FFFF  }
0xac: {  	[dreg:$0x1] =	wrdreg $0xFFFFFFFF  }
0xad: {  	[dreg:$0x0] =	wrdreg $0x60  }
0xae: {  	[dreg:$0x2] =	wrdreg s2  }
0xaf: {  	[dreg:$0x3] =	wrdreg s24  }
0xb0: {  	[dreg:$0x4] =	wrdreg $0x9  }
0xb1: {  	_ =	task.clear_ibuf [dreg:s7], $0x5FFFF;
	_ =	strace $0x90000046  }
0xb2: {  	s29 =	simm.s32 $0x9;
	_ =	strace $0x80000048  }
0xb3: {  	_ =	swait.ge [sflag:s29], $0x1  }
0xb4: {  	[sflag:s29] =	ssyncadd.s32 $0xFFFFFFFF  }
0xb5: {  	_ =	strace $0x90000048  }
0xb6: {  	_ =	sfence  }
0xb7: {  	s30 =	sld [smem:$0x0];
	_ =	sdelay $0x2  }
0xb8: {  	s31 =	sshll.u32 s1, $0xD;
	s1 =	sshrl.u32 s1, $0x2  }
0xb9: {  	s3 =	sand.u32 $0x4000, s31;
	s1 =	sadd.s32 s1, s30  }
0xba: {  	s0 =	sor.u32 s3, s0;
	s1 =	sshll.u32 s1, $0x11  }
0xbb: {  	s0 =	sor.u32 s1, s0  }
0xbc: {  	s0 =	sadd.s32 $0x8F2B, s0  }
0xbd: {  	[sflag:s0] =	ssyncadd.remote.s32 $0x1  }
0xbe: {  	_ =	sfence.sel $0xFFFF  }
0xbf: {  	[dreg:$0x0] =	wrdreg $0xFFFFFFFF;
	(pc) =	sbr.abs _section_cstart, $3  }
0xc0: {  	[dreg:$0x1] =	wrdreg $0xFFFFFFFF  }
0xc1: {  	_ =	task.clear_ibuf [dreg:s7], $0x2FFFF;
	_ =	strace $0x9FFFFFFF  }
0xc2: {  	(tm) =	ssettm $0x7FFFFFFF  }
0xc3: {  	_ =	shalt  }
tec
execute0_lowered:
.L_overlay_start_1:
0x0: {  	(tag) =	ssettag $0x1  }
0x1: {  	s6 =	rddreg [dreg:$0x1];
	s2 =	simm.s32 $0x0;
	s3 =	srdreg.scid  }
0x2: {  	s0 =	stileid.u32;
	s12 =	simm.s32 $0x14820;
	s5 =	sand.u32 $0x1, s3  }
0x3: {  	s1 =	simm.s32 $0x0;
	[smem:$0x7FF] =	sst s2;
	s7 =	ssub.s32 $0x2, s5  }
0x4: {  	s4 =	sadd.s32 $0xAC00, s6;
	_ =	strace $0x80000047;
	s9 =	sshrl.u32 s7, $0x1  }
0x5: {  	s8 =	sshll.u32 s5, $0x4;
	s5 =	sadd.s32 $0xE00, s6;
	s9 =	ssub.s32 s7, s9  }
0x6: {  	s6 =	sadd.s32 $0x14A00, s6;
	s8 =	sor.u32 s0, s8;
	s31 =	smax.u32 s9, $0x1  }
0x7: {  	s7 =	smul.u32 $0x5, s8;
	s9 =	simm.s32 $0x1;
	[dreg:$0x3] =	wrdreg s31  }
.LBB2_1:
0x8: {  	[dreg:$0x4] =	wrdreg s1  }
0x9: {  	s0 =	rddreg [dreg:$0x0]  }
0xa: {  	[tilespmem:s2], [sflag:$0x1] =	stream.linear.gather [hbm4b:s0+s2], $0x13880, $0x38;
	[tilespmem:$0x14FF0] =	vst v63  }
0xb: {  	_ =	swait.ge [sflag:s9], $0x13880  }
0xc: {  	[sflag:s9] =	ssyncset.done $0x0  }
0xd: {  	s14 =	simm.s32 $0x0;
	[sflag:s9] =	ssyncadd.s32 $0xFFFEC780  }
.LBB2_2:
0xe: {  	s3 =	simm.s32 $0x0  }
0xf: {  	s15 =	sadd.s32 s7, s14;
	s17 =	sor.u32 $0x3, s3  }
0x10: {  	s15 =	smul.u32 $0xFA, s15;
	s18 =	sor.u32 $0x1, s3;
	s19 =	sand.u32 $0xFF, s17  }
0x11: {  	s20 =	sor.u32 $0x2, s3;
	s21 =	sand.u32 $0xFF, s18;
	s19 =	smul.u32 $0xCD, s19  }
0x12: {  	s22 =	sand.u32 $0xFF, s20;
	s21 =	smul.u32 $0xCD, s21  }
0x13: {  	s0 =	simm.s32 $0x13880;
	s16 =	sadd.s32 s4, s15;
	s22 =	smul.u32 $0xCD, s22  }
0x14: {  	[tilespmem:s0], [sflag:$0x1] =	stream.linear.gather [hbm4b:s16+s2], $0x7D0, $0x38;
	[tilespmem:$0x14FF0] =	vst v63  }
0x15: {  	s16 =	smul.u32 $0xCD, s3;
	s19 =	sshrl.u32 s19, $0xA  }
0x16: {  	s21 =	sshrl.u32 s21, $0xA;
	s23 =	smul.u32 $0x5, s19  }
0x17: {  	s1 =	simm.s32 $0x14050;
	s24 =	smul.u32 $0x5, s21  }
0x18: {  	s29 =	simm.s32 $0x4;
	s22 =	sshrl.u32 s22, $0xA;
	s19 =	smul.u32 $0x50, s19  }
0x19: {  	s0 =	sadd.s32 s5, s15;
	_ =	swait.ge [sflag:s9], $0x7D0;
	s8 =	smul.u32 $0x5, s22  }
0x1a: {  	[sflag:s9] =	ssyncset.done $0x0;
	s16 =	sshrl.u32 s16, $0xA;
	s13 =	smul.u32 $0x50, s21  }
0x1b: {  	[sflag:s9] =	ssyncadd.s32 $0xFFFFF830;
	s10 =	smul.u32 $0x5, s16;
	s16 =	sand.u32 $0x3F, s16  }
0x1c: {  	[tilespmem:s1], [sflag:$0x1] =	stream.linear.gather [hbm4b:s0+s2], $0x7D0, $0x38;
	[tilespmem:$0x14FF0] =	vst v63  }
0x1d: {  	s17 =	ssub.s32 s17, s23;
	s18 =	ssub.s32 s18, s24;
	s20 =	ssub.s32 s20, s8  }
0x1e: {  	s23 =	smul.u32 $0x50, s22;
	_ =	swait.ge [sflag:s9], $0x7D0;
	s17 =	sshll.u32 s17, $0x4  }
0x1f: {  	s16 =	smul.u32 $0x50, s16;
	[sflag:s9] =	ssyncset.done $0x0;
	s17 =	sand.u32 $0xF0, s17  }
0x20: {  	s0 =	sor.u32 $0x3, s29;
	[sflag:s9] =	ssyncadd.s32 $0xFFFFF830;
	s25 =	sadd.s32 s17, s19  }
0x21: {  	s1 =	sor.u32 $0x1, s29;
	s11 =	sshll.u32 s18, $0x4;
	s19 =	sshll.u32 s20, $0x4;
	v0 =	vld [tilespmem:s25+$0x13880]  }
0x22: {  	s21 =	ssub.s32 $0x0, s10;
	s3 =	sand.u32 $0xFF, s0;
	s19 =	sand.u32 $0xF0, s19  }
0x23: {  	s17 =	sand.u32 $0xF0, s11;
	s26 =	sadd.s32 s19, s23;
	s19 =	smul.u32 $0xCD, s3  }
0x24: {  	s10 =	sand.u32 $0xFF, s1;
	s24 =	sshll.u32 s21, $0x4;
	v1 =	vld [tilespmem:s25+$0x14050];
	s28 =	sadd.s32 s17, s13  }
0x25: {  	s18 =	sand.u32 $0xF0, s24;
	v2 =	vld [tilespmem:s28+$0x14050];
	s23 =	smul.u32 $0xCD, s10;
	s19 =	sshrl.u32 s19, $0xA  }
0x26: {  	s16 =	sadd.s32 s18, s16;
	v4 =	vld [tilespmem:s28+$0x13880];
	s31 =	smul.u32 $0x5, s19;
	v0 =	vshll.u32 v0, $0x3  }
0x27: {  	s20 =	smul.u32 $0xCD, s29;
	v5 =	vld [tilespmem:s16+$0x14050];
	s23 =	sshrl.u32 s23, $0xA  }
0x28: {  	s8 =	sor.u32 $0x2, s29;
	v7 =	vld [tilespmem:s16+$0x13880];
	s29 =	smul.u32 $0x5, s23;
	s21 =	ssub.s32 s0, s31  }
0x29: {  	s11 =	sand.u32 $0xFF, s8;
	v3 =	vld [tilespmem:s26+$0x14050];
	s19 =	smul.u32 $0x50, s19;
	s21 =	sshll.u32 s21, $0x4  }
0x2a: {  	s13 =	smul.u32 $0xCD, s11;
	v6 =	vld [tilespmem:s26+$0x13880];
	v1 =	vshll.u32 v1, $0x3;
	s17 =	ssub.s32 s1, s29;
	s21 =	sand.u32 $0xF0, s21  }
0x2b: {  	s3 =	smul.u32 $0x50, s23;
	v1 =	vor.u32 $0x1, v1;
	s17 =	sshll.u32 s17, $0x4;
	s29 =	sadd.s32 s21, s19;
	v0 =	vld.idx.msk [tilespmem:v0+s2+$0x0], $0xffff  }
0x2c: {  	s20 =	sshrl.u32 s20, $0xA;
	v4 =	vshll.u32 v4, $0x3;
	s17 =	sand.u32 $0xF0, s17;
	v8 =	vld [tilespmem:s29+$0x13880]  }
0x2d: {  	s18 =	sshrl.u32 s13, $0xA;
	s30 =	smul.u32 $0x5, s20;
	v2 =	vshll.u32 v2, $0x3;
	v7 =	vshll.u32 v7, $0x3;
	s17 =	sadd.s32 s17, s3;
	v9 =	vld [tilespmem:s29+$0x14050]  }
0x2e: {  	s0 =	smul.u32 $0x5, s18;
	v2 =	vor.u32 $0x1, v2;
	v10 =	vld [tilespmem:s17+$0x14050]  }
0x2f: {  	v13 =	vld [tilespmem:s17+$0x13880]  }
0x30: {  	s13 =	simm.s32 $0x8;
	s10 =	ssub.s32 $0x4, s30;
	v6 =	vshll.u32 v6, $0x3;
	s8 =	ssub.s32 s8, s0;
	v1 =	vld.idx.msk [tilespmem:v1+s2+$0x0], $0xffff  }
0x31: {  	s22 =	sshll.u32 s10, $0x4;
	s18 =	smul.u32 $0x50, s18;
	s21 =	sshll.u32 s8, $0x4;
	v4 =	vld.idx.msk [tilespmem:v4+s2+$0x0], $0xffff  }
0x32: {  	s1 =	sand.u32 $0x3F, s20;
	v3 =	vshll.u32 v3, $0x3;
	s0 =	sor.u32 $0x3, s13;
	s11 =	sand.u32 $0xF0, s21;
	v7 =	vld.idx.msk [tilespmem:v7+s2+$0x0], $0xffff  }
0x33: {  	v3 =	vor.u32 $0x1, v3;
	s19 =	smul.u32 $0x50, s1;
	s3 =	sand.u32 $0xFF, s0;
	s18 =	sadd.s32 s11, s18;
	v2 =	vld.idx.msk [tilespmem:v2+s2+$0x0], $0xffff  }
0x34: {  	s31 =	sand.u32 $0xF0, s22;
	s23 =	smul.u32 $0xCD, s3;
	v11 =	vld [tilespmem:s18+$0x14050];
	v8 =	vshll.u32 v8, $0x3;
	v9 =	vshll.u32 v9, $0x3  }
0x35: {  	s19 =	sadd.s32 s31, s19;
	v6 =	vld.idx.msk [tilespmem:v6+s2+$0x0], $0xffff;
	v9 =	vor.u32 $0x1, v9  }
0x36: {  	v5 =	vshll.u32 v5, $0x3;
	s20 =	smul.u32 $0xCD, s13;
	s1 =	sor.u32 $0x1, s13;
	v12 =	vld [tilespmem:s19+$0x14050];
	s23 =	sshrl.u32 s23, $0xA  }
0x37: {  	s24 =	sor.u32 $0x2, s13;
	v5 =	vor.u32 $0x1, v5;
	s30 =	sand.u32 $0xFF, s1;
	v14 =	vld [tilespmem:s18+$0x13880];
	s8 =	smul.u32 $0x5, s23  }
0x38: {  	s31 =	sand.u32 $0xFF, s24;
	s30 =	smul.u32 $0xCD, s30;
	v3 =	vld.idx.msk [tilespmem:v3+s2+$0x0], $0xffff  }
0x39: {  	s31 =	smul.u32 $0xCD, s31;
	s0 =	ssub.s32 s0, s8;
	v8 =	vld.idx.msk [tilespmem:v8+s2+$0x0], $0xffff  }
0x3a: {  	s30 =	sshrl.u32 s30, $0xA;
	s10 =	smul.u32 $0x50, s23;
	v10 =	vshll.u32 v10, $0x3;
	v13 =	vshll.u32 v13, $0x3;
	v0 =	vadd.f32 v1, v0;
	s0 =	sshll.u32 s0, $0x4;
	v9 =	vld.idx.msk [tilespmem:v9+s2+$0x0], $0xffff  }
0x3b: {  	v15 =	vld [tilespmem:s19+$0x13880];
	s3 =	smul.u32 $0x5, s30;
	v10 =	vor.u32 $0x1, v10;
	v11 =	vshll.u32 v11, $0x3;
	s0 =	sand.u32 $0xF0, s0  }
0x3c: {  	v5 =	vld.idx.msk [tilespmem:v5+s2+$0x0], $0xffff;
	s31 =	sshrl.u32 s31, $0xA;
	v2 =	vadd.f32 v2, v4;
	v1 =	vor.u32 $0x1, v11;
	v11 =	vmul.f32 $2.000000030e-01, v0;
	s21 =	sadd.s32 s0, s10  }
0x3d: {  	s20 =	sshrl.u32 s20, $0xA;
	s11 =	smul.u32 $0x5, s31;
	s3 =	ssub.s32 s1, s3;
	v4 =	vshll.u32 v14, $0x3;
	vm0 =	vge.f32 v0, $0.0e+00;
	v3 =	vadd.f32 v3, v6;
	v6 =	vld [tilespmem:s21+$0x13880]  }
0x3e: {  	s22 =	smul.u32 $0x50, s30;
	s8 =	sand.u32 $0x3F, s20;
	s13 =	sshll.u32 s3, $0x4;
	v12 =	vshll.u32 v12, $0x3;
	v0 =	vsel vm0, v0, v11;
	v11 =	vld [tilespmem:s21+$0x14050]  }
0x3f: {  	s1 =	smul.u32 $0x5, s20;
	s23 =	ssub.s32 s24, s11;
	s0 =	sand.u32 $0xF0, s13;
	v13 =	vld.idx.msk [tilespmem:v13+s2+$0x0], $0xffff;
	v0 =	vmul.f32 $1.442695020e+00, v0;
	v8 =	vadd.f32 v9, v8;
	v9 =	vmul.f32 $2.000000030e-01, v2  }
0x40: {  	s31 =	smul.u32 $0x50, s31;
	v15 =	vshll.u32 v15, $0x3;
	s24 =	sshll.u32 s23, $0x4;
	s20 =	sadd.s32 s0, s22;
	v14 =	vmul.f32 $2.000000030e-01, v3;
	vm0 =	vge.f32 v2, $0.0e+00;
	v10 =	vld.idx.msk [tilespmem:v10+s2+$0x0], $0xffff  }
0x41: {  	s8 =	smul.u32 $0x50, s8;
	s1 =	ssub.s32 $0x8, s1;
	s3 =	sand.u32 $0xF0, s24;
	(erf) = vpow2.f32 v0;
	v0 =	vor.u32 $0x1, v12;
	v2 =	vsel vm0, v2, v9;
	v9 =	vld [tilespmem:s20+$0x14050]  }
0x42: {  	v5 =	vadd.f32 v5, v7;
	s1 =	sshll.u32 s1, $0x4;
	s24 =	simm.s32 $0xC;
	s22 =	sadd.s32 s3, s31;
	v4 =	vld.idx.msk [tilespmem:v4+s2+$0x0], $0xffff;
	v6 =	vshll.u32 v6, $0x3;
	vm0 =	vge.f32 v3, $0.0e+00  }
0x43: {  	s10 =	sand.u32 $0xF0, s1;
	s1 =	sor.u32 $0x3, s24;
	v16 =	vmul.f32 $2.000000030e-01, v8;
	v3 =	vsel vm0, v3, v14;
	v14 =	vld [tilespmem:s22+$0x14050];
	v2 =	vmul.f32 $1.442695020e+00, v2  }
0x44: {  	s0 =	sor.u32 $0x1, s24;
	s23 =	sadd.s32 s10, s8;
	s11 =	sand.u32 $0xFF, s1;
	v1 =	vld.idx.msk [tilespmem:v1+s2+$0x0], $0xffff;
	v11 =	vshll.u32 v11, $0x3;
	vm1 =	vge.f32 v8, $0.0e+00;
	v3 =	vmul.f32 $1.442695020e+00, v3  }
0x45: {  	s8 =	sor.u32 $0x2, s24;
	s30 =	sand.u32 $0xFF, s0;
	s3 =	smul.u32 $0xCD, s11;
	v12 =	vld [tilespmem:s23+$0x14050];
	v11 =	vor.u32 $0x1, v11;
	v8 =	vsel vm1, v8, v16;
	(erf) = vpow2.f32 v2  }
0x46: {  	s13 =	sand.u32 $0xFF, s8;
	s30 =	smul.u32 $0xCD, s30;
	v0 =	vld.idx.msk [tilespmem:v0+s2+$0x0], $0xffff;
	(erf) = vpow2.f32 v3;
	v3 =	vmul.f32 $1.442695020e+00, v8;
	v9 =	vshll.u32 v9, $0x3  }
0x47: {  	s31 =	smul.u32 $0xCD, s13;
	v10 =	vadd.f32 v10, v13;
	v2 =	vld [tilespmem:s20+$0x13880];
	v7 =	vor.u32 $0x1, v9  }
0x48: {  	s3 =	sshrl.u32 s3, $0xA;
	s10 =	sshrl.u32 s30, $0xA;
	s30 =	smul.u32 $0xCD, s24;
	v8 =	vld [tilespmem:s22+$0x13880];
	v9 =	vshll.u32 v14, $0x3;
	(erf) = vpow2.f32 v3;
	v3 =	vmul.f32 $2.000000030e-01, v5  }
0x49: {  	s13 =	smul.u32 $0x5, s3;
	v1 =	vadd.f32 v1, v4;
	v6 =	vld.idx.msk [tilespmem:v6+s2+$0x0], $0xffff;
	vm0 =	vge.f32 v5, $0.0e+00;
	v9 =	vor.u32 $0x1, v9  }
0x4a: {  	s11 =	smul.u32 $0x5, s10;
	v4 =	vld.idx.msk [tilespmem:v11+s2+$0x0], $0xffff;
	v11 =	vmul.f32 $2.000000030e-01, v10;
	v5 =	vsel vm0, v5, v3  }
0x4b: {  	s31 =	sshrl.u32 s31, $0xA;
	s3 =	smul.u32 $0x50, s3;
	s1 =	ssub.s32 s1, s13;
	v14 =	vld.idx.msk [tilespmem:v15+s2+$0x0], $0xffff;
	v15 =	vmul.f32 $2.000000030e-01, v1;
	vm0 =	vge.f32 v10, $0.0e+00;
	v5 =	vmul.f32 $1.442695020e+00, v5  }
0x4c: {  	s13 =	smul.u32 $0x5, s31;
	s1 =	sshll.u32 s1, $0x4;
	v13 =	vshll.u32 v2, $0x3;
	v3 =	vld.idx.msk [tilespmem:v7+s2+$0x0], $0xffff;
	v7 =	vsel vm0, v10, v11;
	vm0 =	vge.f32 v1, $0.0e+00  }
0x4d: {  	v63 =	vld [tilespmem:s23+$0x13880];
	s0 =	ssub.s32 s0, s11;
	s11 =	sshrl.u32 s30, $0xA;
	s1 =	sand.u32 $0xF0, s1;
	v17 =	vshll.u32 v8, $0x3;
	v8 =	vpop (erf);
	v11 =	vmul.f32 $1.442695020e+00, v7;
	v1 =	vsel vm0, v1, v15  }
0x4e: {  	s30 =	sadd.s32 s1, s3;
	s1 =	ssub.s32 s8, s13;
	s8 =	smul.u32 $0x5, s11;
	v10 =	vshll.u32 v12, $0x3;
	(erf) = vpow2.f32 v5;
	v2 =	vld.idx.msk [tilespmem:v9+s2+$0x0], $0xffff;
	v12 =	vpop (erf);
	v15 =	vmul.f32 $1.442695020e+00, v1  }
0x4f: {  	s10 =	smul.u32 $0x50, s10;
	s0 =	sshll.u32 s0, $0x4;
	s13 =	sand.u32 $0x3F, s11;
	v7 =	vld [tilespmem:s30+$0x13880];
	v5 =	vpop (erf);
	(erf) = vpow2.f32 v11  }
0x50: {  	s0 =	sand.u32 $0xF0, s0;
	s3 =	ssub.s32 $0xC, s8;
	s8 =	smul.u32 $0x50, s13;
	[tilespmem:s25+$0x14820] =	vst v8;
	v8 =	vadd.f32 v4, v6;
	v9 =	vld [tilespmem:s30+$0x14050];
	(erf) = vpow2.f32 v15  }
0x51: {  	s1 =	sshll.u32 s1, $0x4;
	s3 =	sshll.u32 s3, $0x4;
	s25 =	smul.u32 $0x50, s31;
	v4 =	vadd.f32 v0, v14;
	[tilespmem:s28+$0x14820] =	vst v12;
	v6 =	vld.idx.msk [tilespmem:v13+s2+$0x0], $0xffff  }
0x52: {  	s1 =	sand.u32 $0xF0, s1;
	s31 =	sand.u32 $0xF0, s3;
	v0 =	vshll.u32 v63, $0x3;
	vm1 =	vge.f32 v8, $0.0e+00;
	v1 =	vor.u32 $0x1, v10;
	s28 =	sadd.s32 s0, s10;
	[tilespmem:s26+$0x14820] =	vst v5;
	v5 =	vld.idx.msk [tilespmem:v17+s2+$0x0], $0xffff;
	v10 =	vpop (erf)  }
0x53: {  	s25 =	sadd.s32 s1, s25;
	v12 =	vmul.f32 $2.000000030e-01, v8;
	vm0 =	vge.f32 v4, $0.0e+00;
	s26 =	sadd.s32 s31, s8;
	v11 =	vmul.f32 $2.000000030e-01, v4;
	[tilespmem:s29+$0x14820] =	vst v10;
	v10 =	vld [tilespmem:s28+$0x14050]  }
.LBB2_3:
0x54: {  	s24 =	sadd.s32 $0x4, s24  }
0x55: {  	v13 =	vld [tilespmem:s25+$0x14050];
	v8 =	vsel vm1, v8, v12;
	s29 =	smov.u32 s30;
	s30 =	sor.u32 $0x1, s24  }
0x56: {  	v7 =	vshll.u32 v7, $0x3;
	s31 =	sor.u32 $0x2, s24;
	s0 =	sor.u32 $0x3, s24;
	v12 =	vld [tilespmem:s26+$0x14050];
	v9 =	vshll.u32 v9, $0x3;
	v8 =	vmul.f32 $1.442695020e+00, v8;
	s11 =	smul.u32 $0xCD, s24  }
0x57: {  	v4 =	vsel vm0, v4, v11;
	s1 =	sand.u32 $0xFF, s30;
	s3 =	sand.u32 $0xFF, s31;
	s8 =	sand.u32 $0xFF, s0;
	v14 =	vld [tilespmem:s28+$0x13880];
	v9 =	vor.u32 $0x1, v9;
	v11 =	vpop (erf)  }
0x58: {  	p0 =	slt.u32 s24, $0x78;
	v3 =	vadd.f32 v3, v6;
	v4 =	vmul.f32 $1.442695020e+00, v4;
	s8 =	smul.u32 $0xCD, s8;
	v15 =	vld [tilespmem:s25+$0x13880];
	(erf) = vpow2.f32 v8;
	v6 =	vpop (erf);
	[tilespmem:s16+$0x14820] =	vst v11;
	s16 =	smov.u32 s19  }
0x59: {  	s1 =	smul.u32 $0xCD, s1;
	v2 =	vadd.f32 v2, v5;
	v8 =	vld [tilespmem:s26+$0x13880];
	v10 =	vshll.u32 v10, $0x3;
	[tilespmem:s17+$0x14820] =	vst v6;
	v5 =	vpop (erf);
	s17 =	smov.u32 s20;
	s20 =	smov.u32 s28  }
0x5a: {  	s3 =	smul.u32 $0xCD, s3;
	s19 =	smov.u32 s23;
	s8 =	sshrl.u32 s8, $0xA;
	v6 =	vor.u32 $0x1, v10;
	v10 =	vshll.u32 v13, $0x3;
	v11 =	vld.idx.msk [tilespmem:v1+s2+$0x0], $0xffff;
	v13 =	vmul.f32 $2.000000030e-01, v3;
	[tilespmem:s18+$0x14820] =	vst v5  }
0x5b: {  	s23 =	smov.u32 s26;
	s1 =	sshrl.u32 s1, $0xA;
	s10 =	smul.u32 $0x5, s8;
	v1 =	vshll.u32 v12, $0x3;
	v5 =	vor.u32 $0x1, v10;
	v10 =	vld.idx.msk [tilespmem:v7+s2+$0x0], $0xffff;
	v7 =	vmul.f32 $2.000000030e-01, v2  }
0x5c: {  	vm0 =	vge.f32 v3, $0.0e+00;
	s3 =	sshrl.u32 s3, $0xA;
	s18 =	smov.u32 s22;
	s13 =	smul.u32 $0x5, s1;
	v1 =	vor.u32 $0x1, v1;
	v12 =	vshll.u32 v14, $0x3;
	v14 =	vld.idx.msk [tilespmem:v9+s2+$0x0], $0xffff  }
0x5d: {  	s22 =	smov.u32 s25;
	s8 =	smul.u32 $0x50, s8;
	v3 =	vsel vm0, v3, v13;
	vm0 =	vge.f32 v2, $0.0e+00;
	s0 =	ssub.s32 s0, s10;
	v15 =	vshll.u32 v15, $0x3;
	v16 =	vld.idx.msk [tilespmem:v0+s2+$0x0], $0xffff  }
0x5e: {  	s1 =	smul.u32 $0x50, s1;
	s10 =	sshrl.u32 s11, $0xA;
	v2 =	vsel vm0, v2, v7;
	s0 =	sshll.u32 s0, $0x4;
	v0 =	vshll.u32 v8, $0x3;
	v8 =	vmul.f32 $1.442695020e+00, v3  }
0x5f: {  	s11 =	ssub.s32 s30, s13;
	s13 =	smul.u32 $0x5, s3;
	s0 =	sand.u32 $0xF0, s0;
	v3 =	vld.idx.msk [tilespmem:v6+s2+$0x0], $0xffff;
	v6 =	vmul.f32 $1.442695020e+00, v2;
	(erf) = vpow2.f32 v4  }
0x60: {  	s25 =	sand.u32 $0x3F, s10;
	s10 =	smul.u32 $0x5, s10;
	s30 =	sadd.s32 s0, s8;
	v2 =	vld.idx.msk [tilespmem:v5+s2+$0x0], $0xffff;
	(erf) = vpow2.f32 v8  }
.Ltmp0:
0x61: {  	s0 =	sshll.u32 s11, $0x4;
	s8 =	ssub.s32 s31, s13;
	v7 =	vld [tilespmem:s30+$0x13880];
	(erf) = vpow2.f32 v6;
	v4 =	vpop (erf);
	(pc) =	sbr.rel @p0 .LBB2_3-.Ltmp0, $4  }
0x62: {  	s3 =	smul.u32 $0x50, s3;
	s10 =	ssub.s32 s24, s10;
	s8 =	sshll.u32 s8, $0x4;
	v8 =	vadd.f32 v14, v10;
	v9 =	vld [tilespmem:s30+$0x14050];
	[tilespmem:s21+$0x14820] =	vst v4  }
0x63: {  	s11 =	smul.u32 $0x50, s25;
	s10 =	sshll.u32 s10, $0x4;
	s0 =	sand.u32 $0xF0, s0;
	v4 =	vadd.f32 v11, v16;
	v6 =	vld.idx.msk [tilespmem:v12+s2+$0x0], $0xffff  }
0x64: {  	s10 =	sand.u32 $0xF0, s10;
	s28 =	sadd.s32 s0, s1;
	s0 =	sand.u32 $0xF0, s8;
	v12 =	vmul.f32 $2.000000030e-01, v8;
	v5 =	vld.idx.msk [tilespmem:v15+s2+$0x0], $0xffff  }
0x65: {  	s21 =	smov.u32 s29;
	s26 =	sadd.s32 s10, s11;
	s25 =	sadd.s32 s0, s3;
	vm1 =	vge.f32 v8, $0.0e+00;
	vm0 =	vge.f32 v4, $0.0e+00;
	v11 =	vmul.f32 $2.000000030e-01, v4;
	v10 =	vld [tilespmem:s28+$0x14050]  }
0x66: {  	v13 =	vld [tilespmem:s25+$0x14050]  }
0x67: {  	v15 =	vld [tilespmem:s28+$0x13880]  }
0x68: {  	v16 =	vld [tilespmem:s25+$0x13880]  }
0x69: {  	v7 =	vshll.u32 v7, $0x3;
	v17 =	vld [tilespmem:s26+$0x13880];
	v9 =	vshll.u32 v9, $0x3  }
0x6a: {  	v14 =	vld [tilespmem:s26+$0x14050];
	v9 =	vor.u32 $0x1, v9;
	v10 =	vshll.u32 v10, $0x3  }
0x6b: {  	v10 =	vor.u32 $0x1, v10  }
0x6c: {  	v1 =	vld.idx.msk [tilespmem:v1+s2+$0x0], $0xffff;
	v15 =	vshll.u32 v15, $0x3  }
0x6d: {  	v0 =	vld.idx.msk [tilespmem:v0+s2+$0x0], $0xffff;
	v16 =	vshll.u32 v16, $0x3  }
0x6e: {  	v13 =	vshll.u32 v13, $0x3;
	v7 =	vld.idx.msk [tilespmem:v7+s2+$0x0], $0xffff;
	v36 =	vshll.u32 v17, $0x3  }
0x6f: {  	v3 =	vadd.f32 v3, v6;
	v14 =	vshll.u32 v14, $0x3;
	v13 =	vor.u32 $0x1, v13;
	v9 =	vld.idx.msk [tilespmem:v9+s2+$0x0], $0xffff  }
0x70: {  	v8 =	vsel vm1, v8, v12;
	v35 =	vor.u32 $0x1, v14;
	v10 =	vld.idx.msk [tilespmem:v10+s2+$0x0], $0xffff  }
0x71: {  	v4 =	vsel vm0, v4, v11;
	v2 =	vadd.f32 v2, v5;
	v37 =	vmul.f32 $2.000000030e-01, v3;
	v38 =	vld.idx.msk [tilespmem:v15+s2+$0x0], $0xffff  }
0x72: {  	v8 =	vmul.f32 $1.442695020e+00, v8;
	v4 =	vmul.f32 $1.442695020e+00, v4;
	vm8 =	vge.f32 v3, $0.0e+00;
	v41 =	vld.idx.msk [tilespmem:v16+s2+$0x0], $0xffff  }
0x73: {  	v39 =	vmul.f32 $2.000000030e-01, v2;
	v0 =	vadd.f32 v1, v0;
	v3 =	vsel vm8, v3, v37;
	v43 =	vld.idx.msk [tilespmem:v36+s2+$0x0], $0xffff  }
0x74: {  	(erf) = vpow2.f32 v8;
	vm9 =	vge.f32 v2, $0.0e+00;
	v3 =	vmul.f32 $1.442695020e+00, v3;
	v13 =	vld.idx.msk [tilespmem:v13+s2+$0x0], $0xffff  }
0x75: {  	v2 =	vsel vm9, v2, v39;
	v44 =	vmul.f32 $2.000000030e-01, v0;
	v6 =	vld.idx.msk [tilespmem:v35+s2+$0x0], $0xffff;
	v40 =	vadd.f32 v9, v7  }
0x76: {  	(erf) = vpow2.f32 v4;
	vm11 =	vge.f32 v0, $0.0e+00;
	v2 =	vmul.f32 $1.442695020e+00, v2  }
0x77: {  	(erf) = vpow2.f32 v3;
	v0 =	vsel vm11, v0, v44;
	v42 =	vmul.f32 $2.000000030e-01, v40  }
0x78: {  	(erf) = vpow2.f32 v2;
	vm10 =	vge.f32 v40, $0.0e+00;
	v45 =	vadd.f32 v10, v38  }
0x79: {  	v0 =	vmul.f32 $1.442695020e+00, v0;
	v1 =	vsel vm10, v40, v42;
	v46 =	vadd.f32 v13, v41  }
0x7a: {  	v48 =	vadd.f32 v6, v43;
	v1 =	vmul.f32 $1.442695020e+00, v1;
	v47 =	vmul.f32 $2.000000030e-01, v45  }
0x7b: {  	vm12 =	vge.f32 v45, $0.0e+00;
	v49 =	vmul.f32 $2.000000030e-01, v46;
	vm13 =	vge.f32 v46, $0.0e+00  }
0x7c: {  	v50 =	vmul.f32 $2.000000030e-01, v48;
	(erf) = vpow2.f32 v1;
	v1 =	vsel vm12, v45, v47  }
0x7d: {  	vm14 =	vge.f32 v48, $0.0e+00;
	v1 =	vmul.f32 $1.442695020e+00, v1;
	v2 =	vsel vm13, v46, v49  }
0x7e: {  	(erf) = vpow2.f32 v0;
	v51 =	vsel vm14, v48, v50;
	v2 =	vmul.f32 $1.442695020e+00, v2  }
0x7f: {  	v52 =	vpop (erf);
	v0 =	vmul.f32 $1.442695020e+00, v51;
	(erf) = vpow2.f32 v1  }
0x80: {  	v53 =	vpop (erf);
	[tilespmem:s16+$0x14820] =	vst v52;
	(erf) = vpow2.f32 v2  }
0x81: {  	[tilespmem:s17+$0x14820] =	vst v53;
	v54 =	vpop (erf);
	(erf) = vpow2.f32 v0  }
0x82: {  	[tilespmem:s18+$0x14820] =	vst v54;
	v55 =	vpop (erf)  }
0x83: {  	v56 =	vpop (erf);
	[tilespmem:s21+$0x14820] =	vst v55  }
0x84: {  	[tilespmem:s19+$0x14820] =	vst v56;
	v57 =	vpop (erf)  }
0x85: {  	v58 =	vpop (erf);
	[tilespmem:s20+$0x14820] =	vst v57  }
0x86: {  	[tilespmem:s22+$0x14820] =	vst v58;
	v59 =	vpop (erf)  }
0x87: {  	[tilespmem:s30+$0x14820] =	vst v59;
	v60 =	vpop (erf)  }
0x88: {  	[tilespmem:s23+$0x14820] =	vst v60;
	v61 =	vpop (erf)  }
0x89: {  	[tilespmem:s28+$0x14820] =	vst v61;
	v62 =	vpop (erf)  }
0x8a: {  	[tilespmem:s25+$0x14820] =	vst v62;
	v63 =	vpop (erf)  }
0x8b: {  	[tilespmem:s26+$0x14820] =	vst v63  }
0x8c: {  	v0 =	vld [tilespmem:$0x14040]  }
0x8d: {  	v1 =	vld [tilespmem:$0x14810];
	_ =	sdelay $0x4  }
0x8e: {  	v0 =	vshll.u32 v0, $0x3;
	v1 =	vshll.u32 v1, $0x3  }
0x8f: {  	v1 =	vor.u32 $0x1, v1;
	_ =	sdelay $0x3  }
0x90: {  	v0 =	vld.idx.msk [tilespmem:v0+s2+$0x0], $0xffff  }
0x91: {  	v1 =	vld.idx.msk [tilespmem:v1+s2+$0x0], $0xffff;
	_ =	sdelay $0x4  }
0x92: {  	v0 =	vadd.f32 v1, v0;
	_ =	sdelay $0x1  }
0x93: {  	v1 =	vmul.f32 $2.000000030e-01, v0  }
0x94: {  	vm15 =	vge.f32 v0, $0.0e+00  }
0x95: {  	v0 =	vsel vm15, v0, v1  }
0x96: {  	v0 =	vmul.f32 $1.442695020e+00, v0;
	_ =	sdelay $0x1  }
0x97: {  	(erf) = vpow2.f32 v0;
	_ =	sdelay $0x7  }
0x98: {  	s14 =	sadd.s32 $0x1, s14  }
0x99: {  	p0 =	sne.s32 s14, $0x5;
	v0 =	vpop (erf)  }
.Ltmp1:
0x9a: {  	s0 =	sadd.s32 s6, s15;
	[tilespmem:$0x14FE0] =	vst v0;
	(pc) =	sbr.rel @p0 .LBB2_2-.Ltmp1, $4  }
0x9b: {  	[hbm4b:s0+s2] =	stream.linear.scatter [tilespmem:s12], [sflag:$0x1], $0x7D0, $0x38;
	[tilespmem:$0x14FF0] =	vst v63  }
0x9c: {  	_ =	swait.ge [sflag:s9], $0x7D0  }
0x9d: {  	[sflag:s9] =	ssyncset.done $0x0  }
0x9e: {  	[sflag:s9] =	ssyncadd.s32 $0xFFFFF830  }
0x9f: {  	s1 =	rddreg [dreg:$0x4]  }
0xa0: {  	s0 =	rddreg [dreg:$0x3];
	s1 =	sadd.s32 $0x1, s1  }
0xa1: {  	p0 =	sne.s32 s1, s0  }
.Ltmp2:
0xa2: {  	_ = 	snop;
	(pc) =	sbr.rel @p0 .LBB2_1-.Ltmp2, $1  }
0xa3: {  	_ =	sdelay $0x3  }
0xa4: {  	_ =	sfence.sel $0x180000  }
0xa5: {  	[bflag:$0x0] =	sbarrier.arrive $0xFFFF  }
0xa6: {  	_ =	strace $0x90000047  }
0xa7: {  	s0 =	stileid.u32;
	[bflag:$0x2] =	sbarrier.arrive $0xFFFF  }
0xa8: {  	p0 =	sne.s32 s0, $0x0;
	s0 =	rddreg [dreg:$0x2]  }
0xa9: {  	s0 =	sadd.s32 @!p0 $0x100000, s0  }
0xaa: {  	[sflag:s0] =	ssyncadd.tile.s32 @!p0 $0x1;
	_ =	shalt  }
.Lfunc_end2:
_tile_overlayer_lowered:
.L_overlay_start_2:
0xab: {  	(tag) =	ssettag $0x2  }
0xac: {  	s0 =	rddreg [dreg:$0x0];
	s2 =	stileid.u32  }
0xad: {  	s1 =	rddreg [dreg:$0x1];
	p0 =	sne.s32 s2, $0x0  }
0xae: {  	s3 =	rddreg [dreg:$0x2];
	[bflag:$0x3] =	sbarrier.arrive $0xFFFF;
	s2 =	simm.s32 @!p0 $0x1C01  }
0xaf: {  	[timem:s3], [sflag:s2] =	dma.local @!p0 [hbm:s0], s1  }
0xb0: {  	s0 =	simm.s32 @!p0 $0x1  }
0xb1: {  	_ =	swait.ge @!p0 [sflag:s0], s1  }
0xb2: {  	s1 =	ssub.s32 @!p0 $0x0, s1;
	[sflag:s0] =	ssyncset.done @!p0 $0x0  }
0xb3: {  	[sflag:s0] =	ssyncadd.s32 @!p0 s1  }
0xb4: {  	[bflag:$0x3] =	sbarrier.arrive $0xFFFF  }
0xb5: {  	_ =	shalt  }

// kernel: kernel.9.cloned.1.call-start
scs
__scs_entry_jumppad:
0x0: {  	(pc) =	sbr.rel $0x88, $3  }
0x1: {  	(tag) =	ssettag $0x0;
	lr =	simm.s32 $0x1  }
0x2: {  	[smem:$0x3F99] =	sst lr;
	_ =	strace $0xD0000000  }
0x3: {  	_ = 	snop  }
0x4: {  	_ = 	snop  }
0x5: {  	_ = 	snop  }
0x6: {  	_ = 	snop  }
0x7: {  	_ = 	snop  }
__scs_overlays_trampoline_lowered:
0x8: {  	[smem:$0x3FA8] =	sst s0  }
0x9: {  	[smem:$0x3FA9] =	sst s1  }
0xa: {  	[smem:$0x3FAA] =	sst s2  }
0xb: {  	[smem:$0x3FAB] =	sst s3  }
0xc: {  	[smem:$0x3FAC] =	sst s4  }
0xd: {  	[smem:$0x3FAD] =	sst s5  }
0xe: {  	[smem:$0x3FAE] =	sst s6  }
0xf: {  	[smem:$0x3FAF] =	sst s7  }
0x10: {  	[smem:$0x3FB0] =	sst s8  }
0x11: {  	[smem:$0x3FB1] =	sst s9;
	s0 =	simm.s32 @!p0 $0x0  }
0x12: {  	s1 =	sld [smem:$0x3F97];
	s0 =	simm.s32 @p0 $0x1  }
0x13: {  	[smem:$0x3FB2] =	sst s0;
	s0 =	simm.s32 @!p1 $0x0  }
0x14: {  	s2 =	sld [smem:$0x3F96];
	s0 =	simm.s32 @p1 $0x1  }
0x15: {  	[smem:$0x3FB3] =	sst s0;
	s0 =	simm.s32 @!p2 $0x0  }
0x16: {  	s3 =	sld [smem:$0x3FDB];
	s0 =	simm.s32 @p2 $0x1  }
0x17: {  	s4 =	simm.s32 $0x1BF5;
	[smem:$0x3FB5] =	sst s0  }
0x18: {  	s0 =	sld [smem:$0x3F98];
	_ =	swait.ge [sflag:s4], $0x0  }
0x19: {  	s7 =	sld [smem:$0x3F99]  }
0x1a: {  	s8 =	sadd.s32 $0xFFFFE003, lr  }
0x1b: {  	s9 =	sadd.s32 $0xFFFFFEF7, lr;
	s5 =	simm.s32 $0xFFFFFFFF;
	p2 =	slt.u32 s8, $0xFFFFF086  }
0x1c: {  	p1 =	slt.u32 s9, $0xF7A;
	s5 =	simm.s32 @!p2 $0x0  }
0x1d: {  	s5 =	simm.s32 @p1 $0x1;
	p0 =	seq.s32 s7, s2  }
0x1e: {  	s7 =	smul.u32 @!p0 $0xF7A, s2;
	p2 =	seq.s32 @!p0 s5, $0x0  }
0x1f: {  	s9 =	smul.u32 $0xF7A, s1;
	s8 =	simm.s32 @!p0 $0x1BF5;
	p2 =	por !p2, p0  }
0x20: {  	[sflag:s8] =	ssyncset.s32 @!p0 $0xFFFFF086;
	s6 =	sadd.s32 @!p0 s3, s7;
	s7 =	simm.s32 @!p0 $0x108  }
0x21: {  	s3 =	sadd.s32 s3, s9;
	s6 =	sadd.s32 @!p0 $0x88, s6;
	s7 =	simm.s32 @p2 $0x1082  }
0x22: {  	[simem:s7], [sflag:s8] =	dma.local @!p0 [hbm:s6], $0xF7A  }
0x23: {  	s9 =	sor.u32 $0xD0000000, s2;
	s6 =	simm.s32 $0x108;
	_ =	swait.ge @!p0 [sflag:s8], $0x0  }
0x24: {  	s3 =	sadd.s32 $0x88, s3;
	s6 =	simm.s32 @!p1 $0x1082;
	[sflag:s4] =	ssyncset.s32 $0xFFFFF086  }
0x25: {  	[simem:s6], [sflag:s4] =	dma.local [hbm:s3], $0xF7A  }
0x26: {  	[smem:$0x3F99] =	sst s1;
	(tag) =	ssettag s2;
	_ =	strace s9  }
0x27: {  	s1 =	sld [smem:$0x3FA9]  }
0x28: {  	s2 =	sld [smem:$0x3FAA]  }
0x29: {  	s4 =	sld [smem:$0x3FAC]  }
0x2a: {  	p0 =	seq.s32 s5, $0x0;
	s5 =	sld [smem:$0x3FAD]  }
0x2b: {  	s6 =	sld [smem:$0x3FAE]  }
0x2c: {  	s7 =	sld [smem:$0x3FAF]  }
0x2d: {  	s3 =	simm.s32 $0x108;
	s8 =	sld [smem:$0x3FB0]  }
0x2e: {  	s3 =	simm.s32 @!p0 $0x1082;
	s9 =	sld [smem:$0x3FB1]  }
0x2f: {  	lr =	sadd.s32 s0, s3;
	s0 =	sld [smem:$0x3FA8]  }
0x30: {  	s3 =	sld [smem:$0x3FAB]  }
0x31: {  	[smem:$0x3FB4] =	sst s10  }
0x32: {  	s10 =	sld [smem:$0x3FB2];
	_ =	sdelay $0x3  }
0x33: {  	p0 =	seq.s32 s10, $0x1;
	s10 =	sld [smem:$0x3FB4];
	_ =	sdelay $0x3  }
0x34: {  	[smem:$0x3FB4] =	sst s10  }
0x35: {  	s10 =	sld [smem:$0x3FB3];
	_ =	sdelay $0x3  }
0x36: {  	p1 =	seq.s32 s10, $0x1;
	s10 =	sld [smem:$0x3FB4];
	_ =	sdelay $0x3  }
0x37: {  	[smem:$0x3FB4] =	sst s10  }
0x38: {  	s10 =	sld [smem:$0x3FB5]  }
0x39: {  	_ = 	snop;
	(pc) =	sbr.ind lr, $3  }
0x3a: {  	_ = 	snop  }
0x3b: {  	_ = 	snop  }
0x3c: {  	p2 =	seq.s32 s10, $0x1;
	s10 =	sld [smem:$0x3FB4]  }
0x3d: {  	_ =	shalt  }
0x3e: {  	_ =	shalt  }
0x3f: {  	_ =	shalt  }
0x40: {  	_ =	shalt  }
0x41: {  	_ =	shalt  }
0x42: {  	_ =	shalt  }
0x43: {  	_ =	shalt  }
0x44: {  	_ =	shalt  }
0x45: {  	_ =	shalt  }
0x46: {  	_ =	shalt  }
0x47: {  	_ =	shalt  }
0x48: {  	_ =	shalt  }
0x49: {  	_ =	shalt  }
0x4a: {  	_ =	shalt  }
0x4b: {  	_ =	shalt  }
0x4c: {  	_ =	shalt  }
0x4d: {  	_ =	shalt  }
0x4e: {  	_ =	shalt  }
0x4f: {  	_ =	shalt  }
0x50: {  	_ =	shalt  }
0x51: {  	_ =	shalt  }
0x52: {  	_ =	shalt  }
0x53: {  	_ =	shalt  }
0x54: {  	_ =	shalt  }
0x55: {  	_ =	shalt  }
0x56: {  	_ =	shalt  }
0x57: {  	_ =	shalt  }
0x58: {  	_ =	shalt  }
0x59: {  	_ =	shalt  }
0x5a: {  	_ =	shalt  }
0x5b: {  	_ =	shalt  }
0x5c: {  	_ =	shalt  }
0x5d: {  	_ =	shalt  }
0x5e: {  	_ =	shalt  }
0x5f: {  	_ =	shalt  }
0x60: {  	_ =	shalt  }
0x61: {  	_ =	shalt  }
0x62: {  	_ =	shalt  }
0x63: {  	_ =	shalt  }
0x64: {  	_ =	shalt  }
0x65: {  	_ =	shalt  }
0x66: {  	_ =	shalt  }
0x67: {  	_ =	shalt  }
0x68: {  	_ =	shalt  }
0x69: {  	_ =	shalt  }
0x6a: {  	_ =	shalt  }
0x6b: {  	_ =	shalt  }
0x6c: {  	_ =	shalt  }
0x6d: {  	_ =	shalt  }
0x6e: {  	_ =	shalt  }
0x6f: {  	_ =	shalt  }
0x70: {  	_ =	shalt  }
0x71: {  	_ =	shalt  }
0x72: {  	_ =	shalt  }
0x73: {  	_ =	shalt  }
0x74: {  	_ =	shalt  }
0x75: {  	_ =	shalt  }
0x76: {  	_ =	shalt  }
0x77: {  	_ =	shalt  }
0x78: {  	_ =	shalt  }
0x79: {  	_ =	shalt  }
0x7a: {  	_ =	shalt  }
0x7b: {  	_ =	shalt  }
0x7c: {  	_ =	shalt  }
0x7d: {  	_ =	shalt  }
0x7e: {  	_ =	shalt  }
0x7f: {  	_ =	shalt  }
0x80: {  	_ =	shalt  }
0x81: {  	_ =	shalt  }
0x82: {  	_ =	shalt  }
0x83: {  	_ =	shalt  }
0x84: {  	_ =	shalt  }
0x85: {  	_ =	shalt  }
0x86: {  	_ =	shalt  }
0x87: {  	_ =	shalt  }
.Lfunc_end0:
.L_simem_size_0:
called_computation.1_lowered:
.L_overlay_start_0:
0x88: {  	s2 =	sld [smem:$0x3FD9]  }
0x89: {  	s3 =	sld [smem:$0x3FFE];
	_ =	sdelay $0x1  }
0x8a: {  	s1 =	srdreg.scid  }
0x8b: {  	s0 =	sand.u32 $0x1, s1  }
0x8c: {  	s17 =	sshll.u32 s0, $0xA;
	s2 =	sadd.s32 s3, s2  }
0x8d: {  	s2 =	sadd.s32 s2, s17  }
0x8e: {  	[smem:$0x3FC0] =	sst s2  }
0x8f: {  	_ = 	snop  }
0x90: {  	s2 =	sld [smem:$0x3FD0];
	(tm) =	ssettm $0x1  }
0x91: {  	s18 =	sld [smem:$0x3FFB];
	_ =	sdelay $0x3  }
0x92: {  	_ =	strace s18  }
0x93: {  	s3 =	sld [smem:$0x3FFC];
	_ =	sdelay $0x3  }
0x94: {  	_ =	strace s3  }
0x95: {  	s3 =	sld [smem:$0x3FFD];
	_ =	sdelay $0x3  }
0x96: {  	_ =	strace s3  }
0x97: {  	_ =	strace $0x8FFFFFFF  }
0x98: {  	s19 =	sld [smem:$0x3FDB];
	_ =	sdelay $0x1  }
0x99: {  	s4 =	simm.s32 $_scs_section_size  }
0x9a: {  	s5 =	simm.s32 $_size__tile_overlayer_lowered;
	s6 =	simm.s32 $_tile_overlayer_lowered  }
0x9b: {  	s22 =	simm.s32 $0x1BFF;
	s21 =	sshll.u32 s6, $0x1;
	s3 =	sadd.s32 s4, s19  }
0x9c: {  	s7 =	simm.s32 $0x0;
	s20 =	sshll.u32 s5, $0x1;
	s5 =	sadd.s32 s21, s3  }
0x9d: {  	[timem:s7], [sflag:s22] =	dma.local [hbm:s5], s20  }
0x9e: {  	_ =	swait.ge [sflag:s22], s20  }
0x9f: {  	s4 =	ssub.s32 $0x0, s20;
	[sflag:s22] =	ssyncset.done $0x0  }
0xa0: {  	[sflag:s22] =	ssyncadd.s32 s4;
	_ =	sdelay $0x1  }
0xa1: {  	s23 =	simm.s32 $0x1B8B  }
0xa2: {  	_ =	swait.ge [sflag:s23], $0x1  }
0xa3: {  	[sflag:s23] =	ssyncset.done $0x0  }
0xa4: {  	s25 =	simm.s32 $0x1B8E;
	s24 =	sld [smem:$0x3FFE];
	[sflag:s23] =	ssyncadd.s32 $0xFFFFFFFF  }
0xa5: {  	s26 =	simm.s32 $execute0_lowered;
	[smem:$0x3FD2] =	sst s25  }
0xa6: {  	s5 =	sshll.u32 s26, $0x1;
	_ =	strace $0x80000049;
	[dreg:$0x1] =	wrdreg $0xFFFFFFFF  }
0xa7: {  	s28 =	simm.s32 $_size_execute0_lowered;
	s3 =	sadd.s32 s3, s5;
	[dreg:$0x0] =	wrdreg $0x0  }
0xa8: {  	s5 =	sshll.u32 s28, $0x1;
	[dreg:$0x2] =	wrdreg s3  }
0xa9: {  	[dreg:$0x3] =	wrdreg s5  }
0xaa: {  	[dreg:$0x4] =	wrdreg $0xC0  }
0xab: {  	_ =	task [dreg:s7], $0x5FFFF  }
0xac: {  	[dreg:$0x1] =	wrdreg $0xFFFFFFFF  }
0xad: {  	[dreg:$0x0] =	wrdreg $0x60  }
0xae: {  	[dreg:$0x2] =	wrdreg s24  }
0xaf: {  	[dreg:$0x3] =	wrdreg s2  }
0xb0: {  	[dreg:$0x4] =	wrdreg $0x49C00  }
0xb1: {  	[dreg:$0x5] =	wrdreg $0xE6000  }
0xb2: {  	[dreg:$0x6] =	wrdreg $0x9  }
0xb3: {  	_ =	task.clear_ibuf [dreg:s7], $0x7FFFF;
	_ =	strace $0x90000049  }
0xb4: {  	s29 =	simm.s32 $0x9;
	_ =	strace $0x8000004B  }
0xb5: {  	_ =	swait.ge [sflag:s29], $0x1  }
0xb6: {  	[sflag:s29] =	ssyncadd.s32 $0xFFFFFFFF  }
0xb7: {  	_ =	strace $0x9000004B  }
0xb8: {  	_ =	sfence  }
0xb9: {  	s30 =	sld [smem:$0x0];
	_ =	sdelay $0x2  }
0xba: {  	s31 =	sshll.u32 s1, $0xD;
	s1 =	sshrl.u32 s1, $0x2  }
0xbb: {  	s3 =	sand.u32 $0x4000, s31;
	s1 =	sadd.s32 s1, s30  }
0xbc: {  	s0 =	sor.u32 s3, s0;
	s1 =	sshll.u32 s1, $0x11  }
0xbd: {  	s0 =	sor.u32 s1, s0  }
0xbe: {  	s0 =	sadd.s32 $0x8F2B, s0  }
0xbf: {  	[sflag:s0] =	ssyncadd.remote.s32 $0x1  }
0xc0: {  	_ =	sfence.sel $0xFFFF  }
0xc1: {  	[dreg:$0x0] =	wrdreg $0xFFFFFFFF;
	(pc) =	sbr.abs _section_cstart, $3  }
0xc2: {  	[dreg:$0x1] =	wrdreg $0xFFFFFFFF  }
0xc3: {  	_ =	task.clear_ibuf [dreg:s7], $0x2FFFF;
	_ =	strace $0x9FFFFFFF  }
0xc4: {  	(tm) =	ssettm $0x7FFFFFFF  }
0xc5: {  	_ =	shalt  }
tec
execute0_lowered:
.L_overlay_start_1:
0x0: {  	(tag) =	ssettag $0x1  }
0x1: {  	s0 =	rddreg [dreg:$0x0]  }
0x2: {  	s4 =	rddreg [dreg:$0x1]  }
0x3: {  	s1 =	rddreg [dreg:$0x2]  }
0x4: {  	s2 =	rddreg [dreg:$0x3];
	s3 =	simm.s32 $0x0;
	s10 =	stileid.u32  }
0x5: {  	s11 =	srdreg.scid;
	s29 =	simm.s32 $0x3C0;
	s30 =	simm.s32 $0x4  }
0x6: {  	s31 =	simm.s32 $0x280;
	[smem:$0x7FF] =	sst s3;
	s5 =	sadd.s32 $0x28600, s0  }
0x7: {  	s6 =	sadd.s32 $0x1E800, s0;
	s7 =	sadd.s32 $0x14A00, s0;
	s8 =	sadd.s32 $0xAC00, s0  }
0x8: {  	s9 =	sadd.s32 $0xE00, s0;
	s13 =	smul.u32 $0x9C00, s10;
	s12 =	sadd.s32 $0x32400, s0  }
0x9: {  	s14 =	sand.u32 $0x1, s11;
	s15 =	smul.u32 $0x2700, s10;
	s11 =	sadd.s32 $0x33800, s0  }
0xa: {  	_ =	strace $0x8000004A;
	[dreg:$0x5] =	wrdreg s12;
	s12 =	smul.u32 $0x4E20, s10  }
0xb: {  	s0 =	sadd.s32 $0x33E00, s0;
	p1 =	sne.s32 s10, $0xF;
	s18 =	smul.u32 $0x9C400, s14  }
0xc: {  	s16 =	ssub.s32 $0x2, s14;
	s19 =	smul.u32 $0x27100, s14;
	p0 =	sne.s32 s14, $0x0  }
0xd: {  	s14 =	simm.s32 $0x3;
	s17 =	sshrl.u32 s16, $0x1;
	s22 =	sadd.s32 s13, s1  }
0xe: {  	s23 =	sadd.s32 s15, s2;
	[dreg:$0x6] =	wrdreg s22;
	s24 =	sshrl.u32 s12, $0x3  }
0xf: {  	[dreg:$0x7] =	wrdreg s23;
	s13 =	sadd.s32 s13, s18;
	s20 =	sadd.s32 s8, s24  }
0x10: {  	s28 =	sshrl.u32 s18, $0x3;
	s25 =	sadd.s32 s9, s24;
	[dreg:$0x8] =	wrdreg s20  }
0x11: {  	s13 =	sshrl.u32 s13, $0x3;
	s18 =	sadd.s32 s7, s24;
	[dreg:$0x9] =	wrdreg s25  }
0x12: {  	s16 =	ssub.s32 s16, s17;
	s13 =	sadd.s32 s4, s13;
	[dreg:$0xb] =	wrdreg s18  }
0x13: {  	s4 =	sadd.s32 s4, s28;
	s25 =	smax.u32 s16, $0x1;
	[dreg:$0xa] =	wrdreg s13  }
0x14: {  	s20 =	sadd.s32 $0xA, s24;
	s28 =	sadd.s32 $0x27000, s2;
	[dreg:$0x12] =	wrdreg s25  }
0x15: {  	s26 =	sadd.s32 s15, s19;
	s22 =	sadd.s32 s8, s20;
	[dreg:$0x14] =	wrdreg s28  }
0x16: {  	s21 =	sshrl.u32 s19, $0x3;
	s23 =	sadd.s32 s9, s20;
	[dreg:$0xd] =	wrdreg s22  }
0x17: {  	s15 =	simm.s32 $0x0;
	s24 =	sadd.s32 s7, s20;
	[dreg:$0xe] =	wrdreg s23  }
.Ltmp0:
0x18: {  	v0 =	vlaneseq.u32;
	s4 =	sadd.s32 $0x13800, s4;
	[dreg:$0xf] =	wrdreg s24;
	(pc) =	sbr.rel .LBB2_1-.Ltmp0, $4  }
0x19: {  	v0 =	vmul.u32 $0x10, v0;
	s13 =	sshrl.u32 s26, $0x3;
	s26 =	sadd.s32 $0x9C000, s1;
	[dreg:$0x10] =	wrdreg s4  }
0x1a: {  	v1 =	vimm.s32 $0x0;
	vm0 =	vcmask $0x300;
	s13 =	sadd.s32 s0, s13;
	s0 =	sadd.s32 s0, s21;
	[dreg:$0x13] =	wrdreg s26  }
0x1b: {  	v1 =	vsel vm0, $0x3, v1;
	v2 =	vor.u32 $0x100, v0;
	s4 =	simm.s32 $0x1;
	[dreg:$0xc] =	wrdreg s13;
	s0 =	sadd.s32 $0x4E00, s0  }
0x1c: {  	v3 =	vor.u32 $0x200, v0;
	v4 =	vor.u32 $0x300, v0;
	v5 =	vor.u32 $0x400, v0;
	s13 =	simm.s32 $0x2;
	[dreg:$0x11] =	wrdreg s0;
	s0 =	simm.s32 $0x50  }
.LBB2_13:
0x1d: {  	_ =	swait.ge [sflag:s14], $0x1400  }
0x1e: {  	[sflag:s14] =	ssyncset.done $0x0  }
0x1f: {  	[sflag:s14] =	ssyncadd.s32 $0xFFFFEC00  }
0x20: {  	_ =	swait.ge [sflag:s14], $0x1400  }
0x21: {  	[sflag:s14] =	ssyncset.done $0x0  }
0x22: {  	[sflag:s14] =	ssyncadd.s32 $0xFFFFEC00  }
.LBB2_23:
0x23: {  	[bflag:$0x0] =	sbarrier.arrive $0xFFFF  }
0x24: {  	s10 =	rddreg [dreg:$0xa]  }
0x25: {  	s17 =	rddreg [dreg:$0x15]  }
0x26: {  	[hbm:s10], [sflag:s16] =	dma.local [spmem:s17], $0x1380  }
0x27: {  	_ =	swait.ge [sflag:s30], $0x1380  }
0x28: {  	[sflag:s30] =	ssyncset.done $0x0  }
0x29: {  	s26 =	rddreg [dreg:$0xc];
	[sflag:s30] =	ssyncadd.s32 $0xFFFFEC80  }
0x2a: {  	[hbm:s26], [sflag:s16] =	dma.local [spmem:s18], $0x4E0  }
0x2b: {  	_ =	swait.ge [sflag:s30], $0x4E0  }
0x2c: {  	[sflag:s30] =	ssyncset.done $0x0  }
0x2d: {  	s10 =	rddreg [dreg:$0x10];
	[sflag:s30] =	ssyncadd.s32 $0xFFFFFB20  }
0x2e: {  	[hbm:s10], [sflag:s16] =	dma.local @!p1 [spmem:s19], $0x80  }
0x2f: {  	s10 =	simm.s32 @!p1 $0x4  }
0x30: {  	_ =	swait.ge @!p1 [sflag:s10], $0x80  }
0x31: {  	[sflag:s10] =	ssyncset.done @!p1 $0x0  }
0x32: {  	s17 =	rddreg [dreg:$0x11];
	[sflag:s10] =	ssyncadd.s32 @!p1 $0xFFFFFF80  }
0x33: {  	[hbm:s17], [sflag:s16] =	dma.local @!p1 [spmem:s20], $0x20  }
0x34: {  	_ =	swait.ge @!p1 [sflag:s10], $0x20  }
0x35: {  	s15 =	sadd.s32 $0x1, s15;
	s28 =	rddreg [dreg:$0x12]  }
0x36: {  	p2 =	sne.s32 s15, s28  }
.Ltmp1:
0x37: {  	_ = 	snop;
	(pc) =	sbr.rel @!p2 .LBB2_24-.Ltmp1, $3  }
0x38: {  	_ =	sdelay $0x1  }
0x39: {  	[sflag:s10] =	ssyncset.done @!p1 $0x0  }
0x3a: {  	[sflag:s10] =	ssyncadd.s32 @!p1 $0xFFFFFFE0  }
.LBB2_1:
0x3b: {  	[tilespmem:s29], [sflag:$0x4] =	stream.linear.gather [hbm4b:s11+s3], $0x500, $0x38;
	[tilespmem:$0x10D10] =	vst v63  }
0x3c: {  	_ =	swait.ge [sflag:s30], $0x500  }
0x3d: {  	[sflag:s30] =	ssyncset.done $0x0  }
0x3e: {  	s10 =	simm.s32 $0x8C0;
	[sflag:s30] =	ssyncadd.s32 $0xFFFFFB00  }
0x3f: {  	[tilespmem:s10], [sflag:$0x4] =	stream.linear.gather [hbm4b:s11+s3], $0x500, $0x38;
	[tilespmem:$0x10D10] =	vst v63  }
0x40: {  	s24 =	stileid.u32;
	_ =	swait.ge [sflag:s30], $0x500  }
0x41: {  	s16 =	sshll.u32 s24, $0x6;
	s25 =	rddreg [dreg:$0x6]  }
0x42: {  	[sflag:s30] =	ssyncset.done $0x0;
	s10 =	rddreg [dreg:$0x5];
	s17 =	sshrl.u32 s25, $0x3  }
0x43: {  	s16 =	sor.u32 $0x1C04, s16;
	[sflag:s30] =	ssyncadd.s32 $0xFFFFFB00;
	[dreg:$0x15] =	wrdreg s17  }
0x44: {  	[spmem:s17], [sflag:s16] =	dma.local [hbm:s10], $0x1380  }
0x45: {  	_ =	swait.ge [sflag:s30], $0x1380  }
0x46: {  	[sflag:s30] =	ssyncset.done $0x0;
	s26 =	rddreg [dreg:$0x7]  }
0x47: {  	[sflag:s30] =	ssyncadd.s32 $0xFFFFEC80;
	s18 =	sshrl.u32 s26, $0x3  }
0x48: {  	[spmem:s18], [sflag:s16] =	dma.local [hbm:s11], $0x4E0  }
0x49: {  	_ =	swait.ge [sflag:s30], $0x4E0  }
0x4a: {  	[sflag:s30] =	ssyncset.done $0x0;
	s17 =	rddreg [dreg:$0x13]  }
0x4b: {  	s21 =	simm.s32 @!p1 $0x4;
	[sflag:s30] =	ssyncadd.s32 $0xFFFFFB20;
	s19 =	sshrl.u32 @!p1 s17, $0x3  }
0x4c: {  	[spmem:s19], [sflag:s16] =	dma.local @!p1 [hbm:s10], $0x80  }
0x4d: {  	_ =	swait.ge @!p1 [sflag:s21], $0x80  }
0x4e: {  	[sflag:s21] =	ssyncset.done @!p1 $0x0;
	s10 =	rddreg [dreg:$0x14]  }
0x4f: {  	[sflag:s21] =	ssyncadd.s32 @!p1 $0xFFFFFF80;
	s20 =	sshrl.u32 @!p1 s10, $0x3  }
0x50: {  	[spmem:s20], [sflag:s16] =	dma.local @!p1 [hbm:s11], $0x20  }
0x51: {  	_ =	swait.ge @!p1 [sflag:s21], $0x20  }
0x52: {  	[sflag:s21] =	ssyncset.done @!p1 $0x0  }
0x53: {  	[sflag:s21] =	ssyncadd.s32 @!p1 $0xFFFFFFE0  }
0x54: {  	[bflag:$0x0] =	sbarrier.arrive $0xFFFF  }
0x55: {  	s28 =	rddreg [dreg:$0x8]  }
0x56: {  	[tilespmem:s3], [sflag:$0x1] =	stream.linear.gather [hbm4b:s28+s3], $0x50, $0x38;
	[tilespmem:$0x10D10] =	vst v63  }
0x57: {  	s21 =	simm.s32 $0x140;
	s17 =	rddreg [dreg:$0x9]  }
0x58: {  	[tilespmem:s21], [sflag:$0x1] =	stream.linear.gather [hbm4b:s17+s3], $0x50, $0x38;
	[tilespmem:$0x10D10] =	vst v63  }
0x59: {  	s22 =	rddreg [dreg:$0xb]  }
0x5a: {  	[tilespmem:s31], [sflag:$0x1] =	stream.linear.gather [hbm4b:s22+s3], $0x50, $0x38;
	[tilespmem:$0x10D10] =	vst v63  }
0x5b: {  	s23 =	rddreg [dreg:$0xd]  }
0x5c: {  	[tilespmem:s0], [sflag:$0x1] =	stream.linear.gather [hbm4b:s23+s3], $0x50, $0x38;
	[tilespmem:$0x10D10] =	vst v63  }
0x5d: {  	s25 =	simm.s32 $0x190;
	s24 =	rddreg [dreg:$0xe]  }
0x5e: {  	[tilespmem:s25], [sflag:$0x1] =	stream.linear.gather [hbm4b:s24+s3], $0x50, $0x38;
	[tilespmem:$0x10D10] =	vst v63  }
0x5f: {  	s26 =	rddreg [dreg:$0xf];
	s28 =	simm.s32 $0x2D0  }
0x60: {  	[tilespmem:s28], [sflag:$0x1] =	stream.linear.gather [hbm4b:s26+s3], $0x50, $0x38;
	[tilespmem:$0x10D10] =	vst v63  }
0x61: {  	_ =	swait.ge [sflag:s4], $0x50  }
0x62: {  	[sflag:s4] =	ssyncset.done $0x0  }
0x63: {  	[sflag:s4] =	ssyncadd.s32 $0xFFFFFFB0  }
0x64: {  	_ =	swait.ge [sflag:s4], $0x50  }
.Ltmp2:
0x65: {  	[sflag:s4] =	ssyncset.done $0x0;
	(pc) =	sbr.rel @p0 .LBB2_14-.Ltmp2, $4  }
0x66: {  	[sflag:s4] =	ssyncadd.s32 $0xFFFFFFB0  }
0x67: {  	_ =	swait.ge [sflag:s4], $0x50  }
0x68: {  	[sflag:s4] =	ssyncset.done $0x0  }
0x69: {  	[sflag:s4] =	ssyncadd.s32 $0xFFFFFFB0  }
0x6a: {  	s22 =	simm.s32 $0x0;
	s10 =	simm.s32 $0xDC0  }
0x6b: {  	[tilespmem:s10], [sflag:$0x2] =	stream.indirect.gather [hbm4b:s5+s0], $0x20, s22, s0, $0xb8;
	[tilespmem:$0x10D10] =	vst v63  }
.LBB2_3:
0x6c: {  	p2 =	slt.u32 s22, $0x2  }
.Ltmp3:
0x6d: {  	_ = 	snop;
	(pc) =	sbr.rel @p2 .LBB2_7-.Ltmp3, $4  }
0x6e: {  	_ = 	snop  }
0x6f: {  	_ =	swait.ge [sflag:s13], $0xA00  }
0x70: {  	[sflag:s13] =	ssyncset.done $0x0  }
0x71: {  	s23 =	sand.u32 $0x1, s22;
	s21 =	sand.u32 $0x3, s22;
	[sflag:s13] =	ssyncadd.s32 $0xFFFFF600  }
0x72: {  	p2 =	sgt.u32 s22, $0x7E  }
.Ltmp4:
0x73: {  	_ = 	snop;
	(pc) =	sbr.rel @p2 .LBB2_6-.Ltmp4, $4  }
0x74: {  	_ = 	snop  }
0x75: {  	_ =	swait.ge [sflag:s14], $0x1400  }
0x76: {  	[sflag:s14] =	ssyncset.done $0x0  }
0x77: {  	[sflag:s14] =	ssyncadd.s32 $0xFFFFEC00  }
.Ltmp5:
0x78: {  	(pc) =	sbr.rel .LBB2_7-.Ltmp5, $4  }
0x79: {  	_ = 	snop  }
0x7a: {  	_ =	swait.ge [sflag:s14], $0x500  }
0x7b: {  	[sflag:s14] =	ssyncset.done $0x0  }
0x7c: {  	[sflag:s14] =	ssyncadd.s32 $0xFFFFFB00  }
.LBB2_6:
0x7d: {  	p2 =	sgt.u32 s22, $0xF7  }
.Ltmp6:
0x7e: {  	_ = 	snop;
	(pc) =	sbr.rel @p2 .LBB2_8-.Ltmp6, $1  }
0x7f: {  	_ =	sdelay $0x3  }
.LBB2_7:
0x80: {  	s24 =	sadd.s32 $0x2, s22  }
0x81: {  	s25 =	smul.u32 $0x50, s24;
	_ =	sdelay $0x1  }
0x82: {  	s24 =	sand.u32 $0x3, s24;
	s25 =	sadd.s32 s12, s25  }
0x83: {  	s24 =	smul.u32 $0x50, s24;
	s25 =	sshrl.u32 s25, $0x3  }
0x84: {  	p2 =	sgt.u32 s22, $0x7C;
	s26 =	sadd.s32 s8, s25  }
0x85: {  	v6 =	vmov @!p2 s23;
	[tilespmem:s24], [sflag:$0x1] =	stream.linear.gather [hbm4b:s26+s3], $0x50, $0x38;
	[tilespmem:$0x10D10] =	vst v63  }
0x86: {  	v6 =	vmul.u32 @!p2 $0x500, v6;
	s17 =	sadd.s32 $0x140, s24;
	s28 =	sadd.s32 s9, s25  }
0x87: {  	v7 =	vlaneseq.u32 @!p2;
	[tilespmem:s17], [sflag:$0x1] =	stream.linear.gather [hbm4b:s28+s3], $0x50, $0x38;
	[tilespmem:$0x10D10] =	vst v63  }
0x88: {  	v7 =	vmul.u32 @!p2 $0x10, v7;
	v6 =	vbroadcast @!p2 v6, $0x0;
	s25 =	sadd.s32 s7, s25;
	s24 =	sadd.s32 $0x280, s24;
	s26 =	smul.u32 @!p2 $0x50, s21  }
0x89: {  	[tilespmem:s24], [sflag:$0x1] =	stream.linear.gather [hbm4b:s25+s3], $0x50, $0x38;
	[tilespmem:$0x10D10] =	vst v63  }
0x8a: {  	v10 =	vor.u32 @!p2 $0x100, v7;
	v9 =	vor.u32 @!p2 v7, v6;
	v8 =	vld @!p2 [tilespmem:s26+$0x280]  }
0x8b: {  	v12 =	vor.u32 @!p2 $0x200, v7;
	v10 =	vadd.s32 @!p2 v10, v6;
	v11 =	vld @!p2 [tilespmem:s26+$0x290]  }
0x8c: {  	v14 =	vor.u32 @!p2 $0x300, v7;
	v12 =	vadd.s32 @!p2 v12, v6;
	v13 =	vld @!p2 [tilespmem:s26+$0x2A0]  }
0x8d: {  	v14 =	vadd.s32 @!p2 v14, v6;
	v7 =	vor.u32 @!p2 $0x400, v7;
	v15 =	vld @!p2 [tilespmem:s26+$0x2B0]  }
0x8e: {  	v6 =	vadd.s32 @!p2 v7, v6;
	s24 =	simm.s32 @!p2 $0x3C0;
	v7 =	vld @!p2 [tilespmem:s26+$0x2C0]  }
0x8f: {  	[tilespmem:v9+s24+$0x0] =	vst.idx.msk @!p2 $0xffff, v8  }
0x90: {  	s25 =	smul.u32 @!p2 $0x1400, s23;
	[tilespmem:v10+s24+$0x0] =	vst.idx.msk @!p2 $0xffff, v11  }
0x91: {  	[tilespmem:v12+s24+$0x0] =	vst.idx.msk @!p2 $0xffff, v13  }
0x92: {  	s25 =	sshrl.u32 @!p2 s25, $0x2;
	[tilespmem:v14+s24+$0x0] =	vst.idx.msk @!p2 $0xffff, v15  }
0x93: {  	[tilespmem:v6+s24+$0x0] =	vst.idx.msk @!p2 $0xffff, v7;
	s24 =	sadd.s32 @!p2 $0x3C0, s25;
	s25 =	sadd.s32 @!p2 $0x140, s26;
	s26 =	simm.s32 @!p2 $0x50  }
0x94: {  	[spmem:s2] =	stream.indirect.scatter.add.f32 @!p2 [tilespmem:s24], [sflag:$0x3], $0x10, s25, s26, $0xb8;
	[tilespmem:$0x10D10] =	vst v63  }
0x95: {  	s24 =	sadd.s32 $0x1, s22  }
.LBB2_9:
0x96: {  	_ =	swait.ge [sflag:s4], $0x50  }
0x97: {  	[sflag:s4] =	ssyncset.done $0x0  }
0x98: {  	[sflag:s4] =	ssyncadd.s32 $0xFFFFFFB0  }
0x99: {  	_ =	swait.ge [sflag:s4], $0x50  }
0x9a: {  	[sflag:s4] =	ssyncset.done $0x0  }
0x9b: {  	s22 =	sand.u32 $0x3, s24;
	[sflag:s4] =	ssyncadd.s32 $0xFFFFFFB0  }
0x9c: {  	s25 =	sand.u32 $0x1, s24;
	s22 =	smul.u32 $0x140, s22;
	_ =	swait.ge [sflag:s4], $0x50  }
0x9d: {  	p2 =	seq.s32 s25, $0x1;
	s25 =	simm.s32 $0x17C0;
	[sflag:s4] =	ssyncset.done $0x0  }
0x9e: {  	s25 =	simm.s32 @!p2 $0xDC0;
	s22 =	sshrl.u32 s22, $0x2;
	[sflag:s4] =	ssyncadd.s32 $0xFFFFFFB0  }
0x9f: {  	[tilespmem:s25], [sflag:$0x2] =	stream.indirect.gather [hbm4b:s5+s0], $0x20, s22, s0, $0xb8;
	[tilespmem:$0x10D10] =	vst v63  }
0xa0: {  	s22 =	smov.u32 s24  }
.LBB2_10:
0xa1: {  	v6 =	vmov s21;
	s24 =	simm.s32 $0x1  }
0xa2: {  	s10 =	simm.s32 $0x2;
	v6 =	vmul.u32 $0x50, v6;
	v7 =	vmov s24  }
0xa3: {  	s17 =	simm.s32 $0x3;
	v8 =	vmov s10;
	v7 =	vshrl.u32 v7, $0x3  }
0xa4: {  	v13 =	vmov s17;
	v9 =	vor.u32 $0x1, v6;
	v7 =	vshll.u32 v7, v1  }
0xa5: {  	v8 =	vshrl.u32 v8, $0x3;
	v13 =	vshrl.u32 v13, $0x3;
	v7 =	vadd.s32 v7, v9  }
0xa6: {  	v11 =	vor.u32 $0x2, v6;
	v14 =	vbroadcast v7, $0x0;
	v7 =	vshll.u32 v8, v1  }
0xa7: {  	s25 =	simm.s32 $0x7;
	v12 =	vor.u32 $0x3, v6;
	v8 =	vshll.u32 v13, v1;
	v7 =	vadd.s32 v7, v11  }
0xa8: {  	s10 =	smul.u32 $0x2800, s23;
	v13 =	vmov s25;
	v8 =	vadd.s32 v8, v12;
	v15 =	vbroadcast v7, $0x0  }
0xa9: {  	s26 =	simm.s32 $0x4;
	v7 =	vshrl.u32 v13, $0x3;
	v16 =	vbroadcast v8, $0x0  }
0xaa: {  	v10 =	vor.u32 $0x7, v6;
	s24 =	sshrl.u32 s10, $0x2;
	s10 =	simm.s32 $0xC;
	v13 =	vmov s26;
	v7 =	vshll.u32 v7, v1  }
0xab: {  	v24 =	vmov s10;
	v8 =	vshrl.u32 v13, $0x3;
	v7 =	vadd.s32 v7, v10  }
0xac: {  	s26 =	simm.s32 $0x9;
	v13 =	vor.u32 $0x4, v6;
	v8 =	vshll.u32 v8, v1;
	v17 =	vbroadcast v7, $0x0  }
0xad: {  	v24 =	vshrl.u32 v24, $0x3;
	v20 =	vmov s26;
	v18 =	vadd.s32 v8, v13;
	v19 =	vld.idx.msk [tilespmem:v14+s31+$0x0], $0xffff  }
0xae: {  	s28 =	simm.s32 $0xA;
	s17 =	simm.s32 $0xB;
	s25 =	simm.s32 $0x0;
	v8 =	vor.u32 $0x5, v6;
	v7 =	vor.u32 $0x6, v6;
	v18 =	vbroadcast v18, $0x0;
	v21 =	vld.idx.msk [tilespmem:v15+s31+$0x0], $0xffff  }
0xaf: {  	v14 =	vmov s25;
	s25 =	sadd.s32 $0xE40, s24;
	v15 =	vmov s28;
	s28 =	simm.s32 $0x5;
	v23 =	vld.idx.msk [tilespmem:v16+s31+$0x0], $0xffff;
	v16 =	vmov s17;
	s17 =	simm.s32 $0x6  }
0xb0: {  	v14 =	vshrl.u32 v14, $0x3;
	v26 =	vld [tilespmem:s25+$0x60];
	v22 =	vmov s28;
	v25 =	vmov s17  }
0xb1: {  	v29 =	vld [tilespmem:s25+$0xFFFFFFA0];
	v14 =	vshll.u32 v14, v1;
	v22 =	vshrl.u32 v22, $0x3;
	v25 =	vshrl.u32 v25, $0x3  }
0xb2: {  	v28 =	vshrl.u32 v15, $0x3;
	v22 =	vshll.u32 v22, v1;
	v27 =	vld.idx.msk [tilespmem:v17+s31+$0x0], $0xffff;
	v25 =	vshll.u32 v25, v1  }
0xb3: {  	v31 =	vld [tilespmem:s25+$0xFFFFFFE0];
	v17 =	vshrl.u32 v20, $0x3;
	v22 =	vadd.s32 v22, v8;
	v15 =	vadd.s32 v25, v7  }
0xb4: {  	v17 =	vshll.u32 v17, v1;
	v25 =	vshrl.u32 v16, $0x3;
	v16 =	vld [tilespmem:s25+$0xFFFFFFC0];
	v22 =	vbroadcast v22, $0x0  }
0xb5: {  	s26 =	smul.u32 $0x5000, s23;
	v34 =	vld [tilespmem:s25+$0x20];
	v30 =	vbroadcast v15, $0x0;
	v15 =	vadd.s32 v17, v9;
	v17 =	vadd.s32 v6, v14  }
0xb6: {  	v14 =	vbroadcast v15, $0x0;
	v32 =	vbroadcast v17, $0x0;
	v17 =	vld [tilespmem:s25+$0x0];
	v15 =	vshll.u32 v26, $0x10  }
0xb7: {  	v24 =	vshll.u32 v24, v1;
	s23 =	sshrl.u32 s26, $0x2;
	v37 =	vld [tilespmem:s25+$0x40];
	v26 =	vand.u32 $0xFFFF0000, v26;
	v35 =	vmul.f32 v15, v27  }
0xb8: {  	s24 =	sor.u32 $0x22C0, s23;
	v20 =	vld [tilespmem:s25+$0xFFFFFF80];
	v36 =	vshll.u32 v29, $0x10;
	v29 =	vand.u32 $0xFFFF0000, v29;
	v26 =	vmul.f32 v26, v27  }
0xb9: {  	v15 =	vld.idx.msk [tilespmem:v18+s31+$0x0], $0xffff;
	v38 =	vshll.u32 v16, $0x10;
	v39 =	vand.u32 $0xFFFF0000, v16;
	v16 =	vmul.f32 v36, v19;
	[tilespmem:s24+$0xC0] =	vst v35  }
0xba: {  	v28 =	vshll.u32 v28, v1;
	[tilespmem:s24+$0xD0] =	vst v26;
	v26 =	vmul.f32 v29, v19;
	v18 =	vld.idx.msk [tilespmem:v22+s31+$0x0], $0xffff  }
0xbb: {  	v29 =	vshll.u32 v17, $0x10;
	v54 =	vand.u32 $0xFFFF0000, v17;
	v17 =	vld.idx.msk [tilespmem:v30+s31+$0x0], $0xffff;
	[tilespmem:s24+$0xFFFFFF40] =	vst v16;
	v30 =	vmul.f32 v38, v21  }
0xbc: {  	v28 =	vadd.s32 v28, v11;
	v22 =	vshll.u32 v31, $0x10;
	v55 =	vld [tilespmem:s25+$0x70];
	[tilespmem:s24+$0xFFFFFF50] =	vst v26;
	v26 =	vmul.f32 v39, v21  }
0xbd: {  	v56 =	vshll.u32 v34, $0x10;
	v31 =	vand.u32 $0xFFFF0000, v31;
	v16 =	vld.idx.msk [tilespmem:v32+s31+$0x0], $0xffff;
	v22 =	vmul.f32 v22, v23;
	[tilespmem:s24+$0xFFFFFF80] =	vst v30  }
0xbe: {  	v34 =	vand.u32 $0xFFFF0000, v34;
	v57 =	vshll.u32 v37, $0x10;
	v58 =	vld [tilespmem:s25+$0xFFFFFFB0];
	v30 =	vmul.f32 v31, v23;
	[tilespmem:s24+$0xFFFFFF90] =	vst v26  }
0xbf: {  	v37 =	vand.u32 $0xFFFF0000, v37;
	v33 =	vshll.u32 v20, $0x10;
	v20 =	vand.u32 $0xFFFF0000, v20;
	[tilespmem:s24+$0xFFFFFFC0] =	vst v22  }
0xc0: {  	v31 =	vshll.u32 v25, v1;
	v25 =	vmul.f32 v29, v15;
	v26 =	vmul.f32 v54, v15;
	v29 =	vld [tilespmem:s25+$0xFFFFFFD0];
	[tilespmem:s24+$0xFFFFFFD0] =	vst v30  }
0xc1: {  	v59 =	vmul.f32 v56, v18;
	v34 =	vmul.f32 v34, v18;
	v22 =	vand.u32 $0xFFFF0000, v55;
	v61 =	vld [tilespmem:s25+$0xFFFFFFF0]  }
0xc2: {  	[tilespmem:s24+$0x0] =	vst v25;
	v30 =	vmul.f32 v57, v17;
	v60 =	vshll.u32 v55, $0x10;
	v37 =	vmul.f32 v37, v17  }
0xc3: {  	[tilespmem:s24+$0x10] =	vst v26;
	v22 =	vmul.f32 v22, v27;
	v62 =	vmul.f32 v20, v16;
	v20 =	vshll.u32 v58, $0x10  }
0xc4: {  	v33 =	vmul.f32 v33, v16;
	v39 =	vand.u32 $0xFFFF0000, v58;
	[tilespmem:s24+$0x40] =	vst v59;
	v25 =	vmul.f32 v20, v19  }
0xc5: {  	v31 =	vadd.s32 v31, v12;
	v63 =	vld [tilespmem:s25+$0x10];
	[tilespmem:s24+$0xF0] =	vst v22;
	v22 =	vmul.f32 v39, v19;
	v19 =	vmul.f32 v60, v27  }
0xc6: {  	[tilespmem:s24+$0x50] =	vst v34;
	v20 =	vshll.u32 v29, $0x10;
	v26 =	vand.u32 $0xFFFF0000, v29;
	v29 =	vand.u32 $0xFFFF0000, v61  }
0xc7: {  	[tilespmem:s24+$0x80] =	vst v30;
	v30 =	vadd.s32 v24, v13;
	v27 =	vmul.f32 v20, v21;
	v24 =	vmul.f32 v29, v23;
	v29 =	vld [tilespmem:s25+$0x30]  }
0xc8: {  	s28 =	simm.s32 $0xF;
	[tilespmem:s24+$0x90] =	vst v37;
	v26 =	vmul.f32 v26, v21;
	v21 =	vbroadcast v28, $0x0;
	v20 =	vshll.u32 v61, $0x10  }
0xc9: {  	[tilespmem:s24+$0xFFFFFF00] =	vst v33;
	v33 =	vmov s28;
	v28 =	vmul.f32 v20, v23;
	v23 =	vbroadcast v30, $0x0;
	v30 =	vld [tilespmem:s25+$0x50]  }
0xca: {  	s26 =	simm.s32 $0x8;
	s23 =	sor.u32 $0x21C0, s23;
	s28 =	simm.s32 $0x10;
	[tilespmem:s24+$0xFFFFFF10] =	vst v62;
	v20 =	vbroadcast v31, $0x0;
	v32 =	vshll.u32 v63, $0x10;
	v31 =	vand.u32 $0xFFFF0000, v63  }
.LBB2_11:
0xcb: {  	p2 =	slt.u32 s28, $0x48;
	v33 =	vshrl.u32 v33, $0x3;
	v34 =	vld [tilespmem:s25+$0xFFFFFF90];
	[tilespmem:s24+$0xFFFFFF60] =	vst v25;
	v25 =	vmul.f32 v32, v15;
	v31 =	vmul.f32 v31, v15  }
0xcc: {  	v15 =	vshll.u32 v33, v1;
	[tilespmem:s24+$0xFFFFFF70] =	vst v22;
	v22 =	vshll.u32 v29, $0x10;
	v29 =	vand.u32 $0xFFFF0000, v29  }
0xcd: {  	v15 =	vadd.s32 v15, v10;
	[tilespmem:s24+$0xFFFFFFA0] =	vst v27;
	v27 =	vmul.f32 v22, v18;
	v18 =	vmul.f32 v29, v18  }
0xce: {  	v29 =	vbroadcast v15, $0x0;
	[tilespmem:s24+$0xFFFFFFB0] =	vst v26;
	v15 =	vshll.u32 v30, $0x10;
	v26 =	vand.u32 $0xFFFF0000, v30  }
0xcf: {  	s10 =	sadd.s32 $0x1, s28;
	v30 =	vmov s26;
	v22 =	vld.idx.msk [tilespmem:v14+s31+$0x0], $0xffff;
	[tilespmem:s24+$0xFFFFFFE0] =	vst v28;
	v14 =	vmul.f32 v15, v17;
	v17 =	vmul.f32 v26, v17  }
0xd0: {  	v26 =	vmov s10;
	s10 =	sadd.s32 $0x2, s28;
	v21 =	vld.idx.msk [tilespmem:v21+s31+$0x0], $0xffff;
	v15 =	vshll.u32 v34, $0x10;
	v28 =	vand.u32 $0xFFFF0000, v34;
	[tilespmem:s24+$0xFFFFFFF0] =	vst v24  }
0xd1: {  	s17 =	sadd.s32 $0x5, s26;
	v24 =	vmov s10;
	s10 =	sadd.s32 $0x3, s28;
	v20 =	vld.idx.msk [tilespmem:v20+s31+$0x0], $0xffff;
	v32 =	vmul.f32 v15, v16;
	v16 =	vmul.f32 v28, v16;
	[tilespmem:s24+$0x20] =	vst v25  }
0xd2: {  	s25 =	sadd.s32 $0x100, s25;
	v25 =	vmov s10;
	s10 =	sadd.s32 $0x4, s28;
	v28 =	vshrl.u32 v30, $0x3;
	v15 =	vld.idx.msk [tilespmem:v23+s31+$0x0], $0xffff;
	v23 =	vmov s17;
	s17 =	sadd.s32 $0x6, s26;
	[tilespmem:s24+$0x30] =	vst v31  }
0xd3: {  	v30 =	vmov s10;
	s26 =	smov.u32 s28;
	v23 =	vshrl.u32 v23, $0x3;
	v31 =	vmov s17;
	v33 =	vld [tilespmem:s25+$0x60];
	[tilespmem:s24+$0x60] =	vst v27  }
0xd4: {  	v27 =	vshll.u32 v28, v1;
	v23 =	vshll.u32 v23, v1;
	v28 =	vshrl.u32 v31, $0x3;
	v29 =	vld.idx.msk [tilespmem:v29+s31+$0x0], $0xffff;
	[tilespmem:s24+$0x70] =	vst v18  }
0xd5: {  	v18 =	vshrl.u32 v26, $0x3;
	v26 =	vld [tilespmem:s25+$0xFFFFFF80];
	v23 =	vadd.s32 v23, v8;
	v28 =	vshll.u32 v28, v1;
	[tilespmem:s24+$0xA0] =	vst v14  }
0xd6: {  	v24 =	vshrl.u32 v24, $0x3;
	v31 =	vld [tilespmem:s25+$0xFFFFFFA0];
	v23 =	vbroadcast v23, $0x0;
	v14 =	vadd.s32 v28, v7;
	[tilespmem:s24+$0xB0] =	vst v17  }
0xd7: {  	v25 =	vshrl.u32 v25, $0x3;
	v17 =	vshll.u32 v18, v1;
	v18 =	vld [tilespmem:s25+$0xFFFFFFC0];
	v28 =	vbroadcast v14, $0x0;
	[tilespmem:s24+$0xE0] =	vst v19  }
0xd8: {  	v14 =	vadd.s32 v17, v9;
	v19 =	vshrl.u32 v30, $0x3;
	v17 =	vadd.s32 v6, v27;
	v27 =	vld [tilespmem:s25+$0xFFFFFFE0];
	[tilespmem:s24+$0xFFFFFF20] =	vst v32  }
0xd9: {  	v14 =	vbroadcast v14, $0x0;
	v30 =	vbroadcast v17, $0x0;
	v17 =	vshll.u32 v33, $0x10;
	v32 =	vld [tilespmem:s25+$0x0];
	[tilespmem:s24+$0xFFFFFF30] =	vst v16  }
0xda: {  	v16 =	vand.u32 $0xFFFF0000, v33;
	v17 =	vmul.f32 v17, v29;
	v34 =	vshll.u32 v26, $0x10;
	v35 =	vld [tilespmem:s25+$0x20]  }
0xdb: {  	s24 =	sadd.s32 $0x200, s24;
	v26 =	vand.u32 $0xFFFF0000, v26;
	v16 =	vmul.f32 v16, v29;
	v33 =	vshll.u32 v31, $0x10;
	v36 =	vld [tilespmem:s25+$0x40]  }
0xdc: {  	v31 =	vand.u32 $0xFFFF0000, v31;
	v37 =	vshll.u32 v18, $0x10;
	v38 =	vand.u32 $0xFFFF0000, v18;
	v18 =	vld.idx.msk [tilespmem:v23+s31+$0x0], $0xffff;
	[tilespmem:s24+$0xC0] =	vst v17  }
0xdd: {  	v23 =	vmul.f32 v33, v22;
	v33 =	vshll.u32 v27, $0x10;
	v27 =	vand.u32 $0xFFFF0000, v27;
	v17 =	vld.idx.msk [tilespmem:v28+s31+$0x0], $0xffff;
	[tilespmem:s24+$0xD0] =	vst v16  }
0xde: {  	v28 =	vmul.f32 v31, v22;
	v31 =	vshll.u32 v32, $0x10;
	v32 =	vand.u32 $0xFFFF0000, v32;
	v39 =	vld [tilespmem:s25+$0x70]  }
0xdf: {  	v16 =	vld.idx.msk [tilespmem:v30+s31+$0x0], $0xffff;
	[tilespmem:s24+$0xFFFFFF40] =	vst v23;
	v23 =	vmul.f32 v37, v21;
	v30 =	vshll.u32 v35, $0x10;
	v35 =	vand.u32 $0xFFFF0000, v35  }
0xe0: {  	[tilespmem:s24+$0xFFFFFF50] =	vst v28;
	v28 =	vmul.f32 v38, v21;
	v37 =	vshll.u32 v36, $0x10;
	v36 =	vand.u32 $0xFFFF0000, v36  }
0xe1: {  	v24 =	vshll.u32 v24, v1;
	v27 =	vmul.f32 v27, v20;
	v38 =	vld [tilespmem:s25+$0xFFFFFFB0];
	[tilespmem:s24+$0xFFFFFF80] =	vst v23;
	v23 =	vmul.f32 v33, v20  }
0xe2: {  	v33 =	vshll.u32 v25, v1;
	v25 =	vmul.f32 v31, v15;
	[tilespmem:s24+$0xFFFFFF90] =	vst v28;
	v28 =	vmul.f32 v32, v15  }
0xe3: {  	v31 =	vld [tilespmem:s25+$0xFFFFFFD0];
	[tilespmem:s24+$0xFFFFFFC0] =	vst v23;
	v23 =	vmul.f32 v30, v18;
	v30 =	vmul.f32 v35, v18;
	v32 =	vand.u32 $0xFFFF0000, v39  }
0xe4: {  	v35 =	vmul.f32 v37, v17;
	[tilespmem:s24+$0xFFFFFFD0] =	vst v27;
	v27 =	vshll.u32 v39, $0x10;
	v32 =	vmul.f32 v32, v29  }
0xe5: {  	v36 =	vmul.f32 v36, v17;
	v37 =	vshll.u32 v19, v1;
	v34 =	vmul.f32 v34, v16;
	v39 =	vld [tilespmem:s25+$0xFFFFFFF0];
	[tilespmem:s24+$0x0] =	vst v25  }
0xe6: {  	v40 =	vmul.f32 v26, v16;
	v19 =	vshll.u32 v38, $0x10;
	v26 =	vand.u32 $0xFFFF0000, v38;
	[tilespmem:s24+$0xF0] =	vst v32  }
0xe7: {  	v24 =	vadd.s32 v24, v11;
	v25 =	vmul.f32 v19, v22;
	v22 =	vmul.f32 v26, v22;
	[tilespmem:s24+$0x10] =	vst v28  }
0xe8: {  	v19 =	vmul.f32 v27, v29;
	v26 =	vshll.u32 v31, $0x10;
	v28 =	vand.u32 $0xFFFF0000, v31;
	v31 =	vld [tilespmem:s25+$0x10];
	[tilespmem:s24+$0x40] =	vst v23  }
.Ltmp7:
0xe9: {  	v23 =	vadd.s32 v33, v12;
	v27 =	vmul.f32 v26, v21;
	v26 =	vmul.f32 v28, v21;
	[tilespmem:s24+$0x50] =	vst v30;
	(pc) =	sbr.rel @p2 .LBB2_11-.Ltmp7, $4  }
0xea: {  	v21 =	vbroadcast v24, $0x0;
	v24 =	vshll.u32 v39, $0x10;
	v30 =	vand.u32 $0xFFFF0000, v39;
	v29 =	vld [tilespmem:s25+$0x30];
	[tilespmem:s24+$0x80] =	vst v35  }
0xeb: {  	v32 =	vadd.s32 v37, v13;
	v28 =	vmul.f32 v24, v20;
	v24 =	vmul.f32 v30, v20;
	[tilespmem:s24+$0x90] =	vst v36  }
0xec: {  	s10 =	sadd.s32 $0x7, s28;
	v20 =	vbroadcast v23, $0x0;
	v23 =	vbroadcast v32, $0x0;
	[tilespmem:s24+$0xFFFFFF00] =	vst v34;
	v30 =	vld [tilespmem:s25+$0x50]  }
0xed: {  	s28 =	sadd.s32 $0x8, s28;
	v33 =	vmov s10;
	[tilespmem:s24+$0xFFFFFF10] =	vst v40;
	v32 =	vshll.u32 v31, $0x10;
	v31 =	vand.u32 $0xFFFF0000, v31  }
0xee: {  	[tilespmem:s24+$0xFFFFFF60] =	vst v25  }
0xef: {  	[tilespmem:s24+$0xFFFFFF70] =	vst v22  }
0xf0: {  	[tilespmem:s24+$0xFFFFFFA0] =	vst v27  }
0xf1: {  	v9 =	vshrl.u32 v33, $0x3;
	[tilespmem:s24+$0xFFFFFFB0] =	vst v26;
	v11 =	vmul.f32 v32, v15  }
0xf2: {  	[tilespmem:s24+$0xFFFFFFE0] =	vst v28;
	v12 =	vmul.f32 v31, v15;
	v44 =	vmov s26;
	s10 =	sadd.s32 $0x5, s26;
	v9 =	vshll.u32 v9, v1  }
0xf3: {  	v39 =	vld [tilespmem:s25+$0xFFFFFF90];
	[tilespmem:s24+$0xFFFFFFF0] =	vst v24;
	s28 =	sadd.s32 $0x6, s26;
	v13 =	vshll.u32 v29, $0x10;
	v40 =	vand.u32 $0xFFFF0000, v29;
	v48 =	vmov s10  }
0xf4: {  	s25 =	sadd.s32 $0x100, s25;
	v50 =	vld.idx.msk [tilespmem:v21+s31+$0x0], $0xffff;
	[tilespmem:s24+$0xE0] =	vst v19;
	v51 =	vshrl.u32 v44, $0x3;
	v52 =	vmov s28;
	v9 =	vadd.s32 v9, v10  }
0xf5: {  	v49 =	vld [tilespmem:s25+$0xFFFFFFA0];
	v13 =	vmul.f32 v13, v18;
	v15 =	vmul.f32 v40, v18;
	[tilespmem:s24+$0x20] =	vst v11;
	v21 =	vshll.u32 v51, v1  }
0xf6: {  	v20 =	vld.idx.msk [tilespmem:v20+s31+$0x0], $0xffff;
	[tilespmem:s24+$0x30] =	vst v12;
	v9 =	vbroadcast v9, $0x0;
	v41 =	vshll.u32 v30, $0x10;
	v43 =	vand.u32 $0xFFFF0000, v30  }
0xf7: {  	v12 =	vld.idx.msk [tilespmem:v14+s31+$0x0], $0xffff;
	v6 =	vadd.s32 v6, v21;
	v18 =	vmul.f32 v41, v17;
	v45 =	vmul.f32 v43, v17  }
0xf8: {  	v54 =	vld [tilespmem:s25+$0xFFFFFFC0];
	[tilespmem:s24+$0x60] =	vst v13;
	v6 =	vbroadcast v6, $0x0;
	v46 =	vshll.u32 v39, $0x10;
	v10 =	vand.u32 $0xFFFF0000, v39  }
0xf9: {  	v57 =	vld [tilespmem:s25+$0xFFFFFFE0];
	v53 =	vshrl.u32 v52, $0x3;
	[tilespmem:s24+$0x70] =	vst v15;
	v47 =	vmul.f32 v46, v16;
	v10 =	vmul.f32 v10, v16  }
0xfa: {  	v58 =	vld.idx.msk [tilespmem:v23+s31+$0x0], $0xffff;
	v16 =	vshrl.u32 v48, $0x3;
	[tilespmem:s24+$0xA0] =	vst v18;
	v18 =	vshll.u32 v53, v1;
	v59 =	vshll.u32 v49, $0x10  }
0xfb: {  	v60 =	vld [tilespmem:s25+$0x0];
	[tilespmem:s24+$0xB0] =	vst v45;
	v15 =	vand.u32 $0xFFFF0000, v49;
	v16 =	vshll.u32 v16, v1;
	v7 =	vadd.s32 v18, v7  }
0xfc: {  	v42 =	vld [tilespmem:s25+$0x60];
	v18 =	vmul.f32 v59, v12;
	v8 =	vadd.s32 v16, v8;
	[tilespmem:s24+$0xFFFFFF20] =	vst v47;
	v7 =	vbroadcast v7, $0x0  }
0xfd: {  	s17 =	sadd.s32 $0x200, s24;
	v24 =	vld [tilespmem:s25+$0x20];
	v14 =	vand.u32 $0xFFFF0000, v54;
	v62 =	vmul.f32 v15, v12;
	[tilespmem:s24+$0xFFFFFF30] =	vst v10;
	v8 =	vbroadcast v8, $0x0  }
0xfe: {  	v25 =	vshll.u32 v57, $0x10;
	v26 =	vmul.f32 v14, v50;
	v9 =	vld.idx.msk [tilespmem:v9+s31+$0x0], $0xffff;
	[tilespmem:s17+$0xFFFFFF40] =	vst v18  }
0xff: {  	v29 =	vld [tilespmem:s25+$0x40];
	v27 =	vand.u32 $0xFFFF0000, v57;
	v28 =	vmul.f32 v25, v20;
	[tilespmem:s17+$0xFFFFFF50] =	vst v62  }
0x100: {  	v33 =	vld [tilespmem:s25+$0xFFFFFF80];
	v30 =	vshll.u32 v60, $0x10;
	v14 =	vmul.f32 v27, v20;
	[tilespmem:s17+$0xFFFFFF90] =	vst v26  }
0x101: {  	v61 =	vshll.u32 v54, $0x10;
	v31 =	vmul.f32 v30, v58;
	[tilespmem:s17+$0xFFFFFFC0] =	vst v28;
	v6 =	vld.idx.msk [tilespmem:v6+s31+$0x0], $0xffff  }
0x102: {  	v55 =	vshll.u32 v42, $0x10;
	v10 =	vmul.f32 v61, v50;
	[tilespmem:s17+$0xFFFFFFD0] =	vst v14;
	v7 =	vld.idx.msk [tilespmem:v7+s31+$0x0], $0xffff  }
0x103: {  	v11 =	vand.u32 $0xFFFF0000, v42;
	[tilespmem:s17+$0x0] =	vst v31;
	v56 =	vmul.f32 v55, v9;
	v8 =	vld.idx.msk [tilespmem:v8+s31+$0x0], $0xffff  }
0x104: {  	v16 =	vand.u32 $0xFFFF0000, v60;
	[tilespmem:s17+$0xFFFFFF80] =	vst v10;
	v11 =	vmul.f32 v11, v9  }
0x105: {  	v41 =	vand.u32 $0xFFFF0000, v33;
	v16 =	vmul.f32 v16, v58;
	v36 =	vld [tilespmem:s25+$0xFFFFFFB0];
	[tilespmem:s17+$0xC0] =	vst v56  }
0x106: {  	v38 =	vand.u32 $0xFFFF0000, v29;
	v43 =	vmul.f32 v41, v6;
	[tilespmem:s17+$0xD0] =	vst v11  }
0x107: {  	v34 =	vshll.u32 v24, $0x10;
	[tilespmem:s17+$0x10] =	vst v16;
	v63 =	vld [tilespmem:s25+$0x70];
	v16 =	vmul.f32 v38, v7  }
0x108: {  	v35 =	vand.u32 $0xFFFF0000, v24;
	[tilespmem:s17+$0xFFFFFF10] =	vst v43;
	v14 =	vmul.f32 v34, v8  }
0x109: {  	v40 =	vshll.u32 v33, $0x10;
	v39 =	vld [tilespmem:s25+$0xFFFFFFD0];
	v11 =	vmul.f32 v35, v8;
	[tilespmem:s17+$0x90] =	vst v16  }
0x10a: {  	v42 =	vld [tilespmem:s25+$0xFFFFFFF0];
	v44 =	vshll.u32 v36, $0x10;
	[tilespmem:s17+$0x40] =	vst v14;
	v14 =	vmul.f32 v40, v6  }
0x10b: {  	v45 =	vand.u32 $0xFFFF0000, v36;
	[tilespmem:s17+$0x50] =	vst v11;
	v11 =	vmul.f32 v44, v12  }
0x10c: {  	v46 =	vld [tilespmem:s25+$0x10];
	v32 =	vand.u32 $0xFFFF0000, v63;
	v12 =	vmul.f32 v45, v12;
	[tilespmem:s17+$0xFFFFFF00] =	vst v14  }
0x10d: {  	v60 =	vshll.u32 v63, $0x10;
	v10 =	vmul.f32 v32, v9;
	[tilespmem:s17+$0xFFFFFF60] =	vst v11  }
0x10e: {  	v47 =	vshll.u32 v39, $0x10;
	v61 =	vmul.f32 v60, v9;
	[tilespmem:s17+$0xFFFFFF70] =	vst v12  }
0x10f: {  	v51 =	vand.u32 $0xFFFF0000, v42;
	v14 =	vmul.f32 v47, v50;
	[tilespmem:s17+$0xF0] =	vst v10  }
0x110: {  	v37 =	vshll.u32 v29, $0x10;
	v49 =	vld [tilespmem:s25+$0x30];
	v12 =	vmul.f32 v51, v20;
	[tilespmem:s17+$0xE0] =	vst v61  }
0x111: {  	v53 =	vshll.u32 v46, $0x10;
	v10 =	vmul.f32 v37, v7;
	[tilespmem:s17+$0xFFFFFFA0] =	vst v14  }
0x112: {  	v48 =	vand.u32 $0xFFFF0000, v39;
	v55 =	vld [tilespmem:s25+$0xFFFFFF90];
	v14 =	vmul.f32 v53, v58;
	[tilespmem:s17+$0xFFFFFFF0] =	vst v12  }
0x113: {  	[tilespmem:s17+$0x80] =	vst v10;
	v10 =	vmul.f32 v48, v50;
	v50 =	vshll.u32 v42, $0x10  }
0x114: {  	v54 =	vand.u32 $0xFFFF0000, v46;
	v11 =	vmul.f32 v50, v20;
	v52 =	vld [tilespmem:s25+$0x50];
	[tilespmem:s17+$0x20] =	vst v14  }
0x115: {  	v56 =	vshll.u32 v49, $0x10;
	[tilespmem:s17+$0xFFFFFFB0] =	vst v10;
	v10 =	vmul.f32 v54, v58  }
0x116: {  	v57 =	vand.u32 $0xFFFF0000, v49;
	v13 =	vmul.f32 v56, v8;
	[tilespmem:s17+$0xFFFFFFE0] =	vst v11  }
0x117: {  	v8 =	vmul.f32 v57, v8;
	v62 =	vshll.u32 v55, $0x10;
	[tilespmem:s17+$0x30] =	vst v10  }
0x118: {  	v63 =	vand.u32 $0xFFFF0000, v55;
	[tilespmem:s17+$0x60] =	vst v13;
	v9 =	vmul.f32 v62, v6  }
0x119: {  	p2 =	slt.u32 s22, $0xFA;
	s28 =	smul.u32 $0x140, s21;
	[tilespmem:s17+$0x70] =	vst v8;
	v6 =	vmul.f32 v63, v6;
	v58 =	vshll.u32 v52, $0x10  }
.Ltmp8:
0x11a: {  	v59 =	vand.u32 $0xFFFF0000, v52;
	[tilespmem:s17+$0xFFFFFF20] =	vst v9;
	v12 =	vmul.f32 v58, v7;
	(pc) =	sbr.rel @p2 .LBB2_3-.Ltmp8, $4  }
.Ltmp9:
0x11b: {  	[tilespmem:s17+$0xFFFFFF30] =	vst v6;
	v7 =	vmul.f32 v59, v7;
	(pc) =	sbr.rel @!p2 .LBB2_13-.Ltmp9, $4  }
0x11c: {  	s10 =	sshrl.u32 s28, $0x2;
	[tilespmem:s17+$0xA0] =	vst v12  }
0x11d: {  	s10 =	sadd.s32 $0x140, s10;
	[tilespmem:s17+$0xB0] =	vst v7  }
0x11e: {  	[spmem:s1] =	stream.indirect.scatter.add.f32 [tilespmem:s23], [sflag:$0x3], $0x40, s10, s0, $0xb8;
	[tilespmem:$0x10D10] =	vst v63  }
0x11f: {  	_ = 	snop  }
.LBB2_8:
0x120: {  	p2 =	seq.s32 s22, $0xF9  }
.Ltmp10:
0x121: {  	_ = 	snop;
	(pc) =	sbr.rel @p2 .LBB2_10-.Ltmp10, $4  }
.Ltmp11:
0x122: {  	_ = 	snop;
	(pc) =	sbr.rel @!p2 .LBB2_9-.Ltmp11, $4  }
0x123: {  	_ = 	snop  }
0x124: {  	_ = 	snop  }
0x125: {  	s24 =	simm.s32 $0xF9;
	s22 =	simm.s32 $0xFA  }
0x126: {  	_ = 	snop  }
.LBB2_14:
0x127: {  	s25 =	simm.s32 $0x0;
	s10 =	simm.s32 $0xDC0  }
0x128: {  	[tilespmem:s10], [sflag:$0x2] =	stream.indirect.gather [hbm4b:s6+s0], $0x20, s25, s0, $0xb8;
	[tilespmem:$0x10D10] =	vst v63  }
.LBB2_15:
0x129: {  	p4 =	slt.u32 s25, $0x2  }
0x12a: {  	p2 =	slt.u32 @!p4 s25, $0x7F  }
0x12b: {  	_ =	swait.ge [sflag:s13], $0xA00;
	p3 =	por p4, p2  }
0x12c: {  	[sflag:s13] =	ssyncset.done $0x0;
	p2 =	sgt.u32 @!p3 s25, $0xF7  }
0x12d: {  	s10 =	simm.s32 @!p4 $0x3;
	[sflag:s13] =	ssyncadd.s32 $0xFFFFF600;
	p2 =	por p3, !p2  }
0x12e: {  	_ =	swait.ge @!p4 [sflag:s10], $0x1400;
	s17 =	sadd.s32 @p2 $0x2, s25  }
0x12f: {  	[sflag:s10] =	ssyncset.done @!p4 $0x0;
	s21 =	smul.u32 @p2 $0x50, s17  }
0x130: {  	[sflag:s10] =	ssyncadd.s32 @!p4 $0xFFFFEC00;
	s10 =	simm.s32 @!p3 $0x3  }
0x131: {  	_ =	swait.ge @!p3 [sflag:s10], $0x500;
	s17 =	sand.u32 @p2 $0x3, s17;
	s21 =	sadd.s32 @p2 s12, s21  }
0x132: {  	[sflag:s10] =	ssyncset.done @!p3 $0x0;
	s17 =	smul.u32 @p2 $0x50, s17;
	s21 =	sshrl.u32 @p2 s21, $0x3  }
0x133: {  	s22 =	simm.s32 @p2 $0x0;
	[sflag:s10] =	ssyncadd.s32 @!p3 $0xFFFFFB00;
	s10 =	sadd.s32 @p2 s8, s21  }
0x134: {  	[tilespmem:s17], [sflag:$0x1] =	stream.linear.gather @p2 [hbm4b:s10+s22], $0x50, $0x38;
	[tilespmem:$0x10D10] =	vst v63  }
0x135: {  	s23 =	sadd.s32 @p2 s9, s21;
	s10 =	sadd.s32 @p2 $0x140, s17  }
0x136: {  	[tilespmem:s10], [sflag:$0x1] =	stream.linear.gather @p2 [hbm4b:s23+s22], $0x50, $0x38;
	[tilespmem:$0x10D10] =	vst v63  }
0x137: {  	p3 =	sgt.u32 @p2 s25, $0x7C;
	s10 =	sadd.s32 @p2 $0x280, s17;
	s17 =	sadd.s32 @p2 s7, s21  }
0x138: {  	[tilespmem:s10], [sflag:$0x1] =	stream.linear.gather @p2 [hbm4b:s17+s22], $0x50, $0x38;
	[tilespmem:$0x10D10] =	vst v63  }
0x139: {  	p2 =	por !p2, p3  }
.Ltmp12:
0x13a: {  	_ = 	snop;
	(pc) =	sbr.rel @!p2 .LBB2_16-.Ltmp12, $2  }
0x13b: {  	_ =	sdelay $0x2  }
0x13c: {  	s21 =	sand.u32 $0x3, s25;
	s22 =	sand.u32 $0x1, s25  }
0x13d: {  	v6 =	vmov s22  }
0x13e: {  	v6 =	vmul.u32 $0x500, v6;
	_ =	sdelay $0x1  }
0x13f: {  	s10 =	smul.u32 $0x50, s21;
	v6 =	vbroadcast v6, $0x0;
	_ =	sdelay $0x1  }
0x140: {  	v7 =	vld [tilespmem:s10+$0x280];
	v8 =	vor.u32 v0, v6  }
0x141: {  	v9 =	vld [tilespmem:s10+$0x290];
	v10 =	vadd.s32 v2, v6  }
0x142: {  	v11 =	vld [tilespmem:s10+$0x2A0];
	v12 =	vadd.s32 v3, v6  }
0x143: {  	v13 =	vld [tilespmem:s10+$0x2B0];
	v14 =	vadd.s32 v4, v6  }
0x144: {  	v15 =	vld [tilespmem:s10+$0x2C0];
	v6 =	vadd.s32 v5, v6  }
0x145: {  	s24 =	smul.u32 $0x1400, s22;
	p2 =	seq.s32 s25, $0xF9;
	[tilespmem:v8+s29+$0x0] =	vst.idx.msk $0xffff, v7  }
.Ltmp13:
0x146: {  	[tilespmem:v10+s29+$0x0] =	vst.idx.msk $0xffff, v9;
	(pc) =	sbr.rel @p2 .LBB2_19-.Ltmp13, $4  }
.Ltmp14:
0x147: {  	[tilespmem:v12+s29+$0x0] =	vst.idx.msk $0xffff, v11;
	(pc) =	sbr.rel @!p2 .LBB2_18-.Ltmp14, $4  }
0x148: {  	s17 =	sshrl.u32 s24, $0x2;
	[tilespmem:v14+s29+$0x0] =	vst.idx.msk $0xffff, v13  }
0x149: {  	s23 =	simm.s32 $0xFA;
	s10 =	sadd.s32 $0x140, s10;
	s17 =	sadd.s32 $0x3C0, s17;
	[tilespmem:v6+s29+$0x0] =	vst.idx.msk $0xffff, v15  }
0x14a: {  	[spmem:s2] =	stream.indirect.scatter.add.f32 [tilespmem:s17], [sflag:$0x3], $0x10, s10, s0, $0xb8;
	[tilespmem:$0x10D10] =	vst v63  }
0x14b: {  	_ = 	snop  }
.LBB2_16:
0x14c: {  	s24 =	smul.u32 $0x1400, s22  }
.LBB2_18:
0x14d: {  	_ =	swait.ge [sflag:s4], $0x50  }
0x14e: {  	[sflag:s4] =	ssyncset.done $0x0  }
0x14f: {  	[sflag:s4] =	ssyncadd.s32 $0xFFFFFFB0  }
0x150: {  	_ =	swait.ge [sflag:s4], $0x50  }
0x151: {  	s23 =	sadd.s32 $0x1, s25;
	[sflag:s4] =	ssyncset.done $0x0  }
0x152: {  	s10 =	sand.u32 $0x3, s23;
	[sflag:s4] =	ssyncadd.s32 $0xFFFFFFB0  }
0x153: {  	s17 =	sand.u32 $0x1, s23;
	s10 =	smul.u32 $0x140, s10;
	_ =	swait.ge [sflag:s4], $0x50  }
0x154: {  	p2 =	seq.s32 s17, $0x1;
	s17 =	simm.s32 $0x17C0;
	[sflag:s4] =	ssyncset.done $0x0  }
0x155: {  	s17 =	simm.s32 @!p2 $0xDC0;
	s10 =	sshrl.u32 s10, $0x2;
	[sflag:s4] =	ssyncadd.s32 $0xFFFFFFB0  }
0x156: {  	[tilespmem:s17], [sflag:$0x2] =	stream.indirect.gather [hbm4b:s6+s0], $0x20, s10, s0, $0xb8;
	[tilespmem:$0x10D10] =	vst v63  }
.LBB2_19:
0x157: {  	v6 =	vmov s21  }
0x158: {  	s10 =	simm.s32 $0x1;
	s26 =	simm.s32 $0x2;
	s17 =	simm.s32 $0x3;
	v6 =	vmul.u32 $0x50, v6  }
0x159: {  	v7 =	vmov s10;
	v8 =	vmov s26;
	v13 =	vmov s17  }
0x15a: {  	v7 =	vshrl.u32 v7, $0x3;
	v8 =	vshrl.u32 v8, $0x3;
	v13 =	vshrl.u32 v13, $0x3  }
0x15b: {  	v9 =	vor.u32 $0x1, v6;
	v11 =	vor.u32 $0x2, v6;
	v7 =	vshll.u32 v7, v1  }
0x15c: {  	s10 =	smul.u32 $0x2800, s22;
	v12 =	vor.u32 $0x3, v6;
	v10 =	vor.u32 $0x7, v6;
	v7 =	vadd.s32 v7, v9  }
0x15d: {  	s25 =	simm.s32 $0x7;
	v14 =	vbroadcast v7, $0x0;
	v7 =	vshll.u32 v8, v1;
	v8 =	vshll.u32 v13, v1  }
0x15e: {  	s10 =	sshrl.u32 s10, $0x2;
	v13 =	vmov s25;
	s25 =	simm.s32 $0x9;
	v7 =	vadd.s32 v7, v11;
	v8 =	vadd.s32 v8, v12  }
0x15f: {  	s26 =	simm.s32 $0x4;
	v20 =	vmov s25;
	s25 =	sadd.s32 $0xE40, s10;
	v15 =	vbroadcast v7, $0x0;
	v7 =	vshrl.u32 v13, $0x3  }
0x160: {  	v13 =	vmov s26;
	v16 =	vbroadcast v8, $0x0;
	v29 =	vld [tilespmem:s25+$0xFFFFFFA0];
	v7 =	vshll.u32 v7, v1  }
0x161: {  	v8 =	vshrl.u32 v13, $0x3;
	v7 =	vadd.s32 v7, v10  }
0x162: {  	v13 =	vor.u32 $0x4, v6;
	v8 =	vshll.u32 v8, v1;
	v17 =	vbroadcast v7, $0x0  }
0x163: {  	s17 =	simm.s32 $0x0;
	v18 =	vadd.s32 v8, v13;
	v8 =	vor.u32 $0x5, v6  }
0x164: {  	s26 =	simm.s32 $0xA;
	v7 =	vor.u32 $0x6, v6;
	v18 =	vbroadcast v18, $0x0;
	v19 =	vld.idx.msk [tilespmem:v14+s31+$0x0], $0xffff;
	v14 =	vmov s17  }
0x165: {  	s17 =	simm.s32 $0xB;
	v14 =	vshrl.u32 v14, $0x3;
	v36 =	vshll.u32 v29, $0x10;
	v21 =	vld.idx.msk [tilespmem:v15+s31+$0x0], $0xffff;
	v15 =	vmov s26;
	s26 =	simm.s32 $0x5  }
0x166: {  	v23 =	vld.idx.msk [tilespmem:v16+s31+$0x0], $0xffff;
	v16 =	vmov s17;
	v14 =	vshll.u32 v14, v1;
	v22 =	vmov s26;
	s26 =	simm.s32 $0x6  }
0x167: {  	v26 =	vld [tilespmem:s25+$0x60];
	v28 =	vshrl.u32 v15, $0x3;
	v22 =	vshrl.u32 v22, $0x3;
	v25 =	vmov s26  }
0x168: {  	v22 =	vshll.u32 v22, v1;
	v25 =	vshrl.u32 v25, $0x3;
	v27 =	vld.idx.msk [tilespmem:v17+s31+$0x0], $0xffff;
	v17 =	vshrl.u32 v20, $0x3  }
0x169: {  	v34 =	vld [tilespmem:s25+$0x20];
	v22 =	vadd.s32 v22, v8;
	v25 =	vshll.u32 v25, v1;
	v17 =	vshll.u32 v17, v1  }
0x16a: {  	v22 =	vbroadcast v22, $0x0;
	v15 =	vadd.s32 v25, v7;
	v25 =	vshrl.u32 v16, $0x3;
	v16 =	vld [tilespmem:s25+$0xFFFFFFC0]  }
0x16b: {  	v37 =	vld [tilespmem:s25+$0x40];
	v30 =	vbroadcast v15, $0x0;
	v15 =	vadd.s32 v17, v9;
	v17 =	vadd.s32 v6, v14  }
0x16c: {  	v14 =	vbroadcast v15, $0x0;
	v32 =	vbroadcast v17, $0x0;
	v17 =	vld [tilespmem:s25+$0x0];
	v15 =	vshll.u32 v26, $0x10  }
0x16d: {  	v31 =	vld [tilespmem:s25+$0xFFFFFFE0];
	v29 =	vand.u32 $0xFFFF0000, v29;
	v26 =	vand.u32 $0xFFFF0000, v26;
	v35 =	vmul.f32 v15, v27  }
0x16e: {  	s24 =	sadd.s32 $0x22C0, s24;
	v56 =	vshll.u32 v34, $0x10;
	v34 =	vand.u32 $0xFFFF0000, v34;
	v20 =	vld [tilespmem:s25+$0xFFFFFF80];
	v26 =	vmul.f32 v26, v27  }
0x16f: {  	v15 =	vld.idx.msk [tilespmem:v18+s31+$0x0], $0xffff;
	v38 =	vshll.u32 v16, $0x10;
	v39 =	vand.u32 $0xFFFF0000, v16;
	[tilespmem:s24+$0xC0] =	vst v35;
	v16 =	vmul.f32 v36, v19  }
0x170: {  	v57 =	vshll.u32 v37, $0x10;
	v37 =	vand.u32 $0xFFFF0000, v37;
	[tilespmem:s24+$0xD0] =	vst v26;
	v26 =	vmul.f32 v29, v19;
	v18 =	vld.idx.msk [tilespmem:v22+s31+$0x0], $0xffff  }
0x171: {  	s17 =	simm.s32 $0xC;
	v29 =	vshll.u32 v17, $0x10;
	v54 =	vand.u32 $0xFFFF0000, v17;
	v17 =	vld.idx.msk [tilespmem:v30+s31+$0x0], $0xffff;
	[tilespmem:s24+$0xFFFFFF40] =	vst v16;
	v30 =	vmul.f32 v38, v21  }
0x172: {  	v24 =	vmov s17;
	v22 =	vshll.u32 v31, $0x10;
	v55 =	vld [tilespmem:s25+$0x70];
	[tilespmem:s24+$0xFFFFFF50] =	vst v26;
	v26 =	vmul.f32 v39, v21  }
0x173: {  	v24 =	vshrl.u32 v24, $0x3;
	v31 =	vand.u32 $0xFFFF0000, v31;
	v22 =	vmul.f32 v22, v23;
	v16 =	vld.idx.msk [tilespmem:v32+s31+$0x0], $0xffff;
	[tilespmem:s24+$0xFFFFFF80] =	vst v30  }
0x174: {  	v28 =	vshll.u32 v28, v1;
	v24 =	vshll.u32 v24, v1;
	v58 =	vld [tilespmem:s25+$0xFFFFFFB0];
	v30 =	vmul.f32 v31, v23;
	[tilespmem:s24+$0xFFFFFF90] =	vst v26  }
0x175: {  	v28 =	vadd.s32 v28, v11;
	v33 =	vshll.u32 v20, $0x10;
	v20 =	vand.u32 $0xFFFF0000, v20;
	[tilespmem:s24+$0xFFFFFFC0] =	vst v22  }
0x176: {  	v31 =	vshll.u32 v25, v1;
	v25 =	vmul.f32 v29, v15;
	v26 =	vmul.f32 v54, v15;
	v29 =	vld [tilespmem:s25+$0xFFFFFFD0];
	[tilespmem:s24+$0xFFFFFFD0] =	vst v30  }
0x177: {  	v59 =	vmul.f32 v56, v18;
	v34 =	vmul.f32 v34, v18;
	v22 =	vand.u32 $0xFFFF0000, v55;
	v61 =	vld [tilespmem:s25+$0xFFFFFFF0]  }
0x178: {  	v60 =	vshll.u32 v55, $0x10;
	[tilespmem:s24+$0x0] =	vst v25;
	v30 =	vmul.f32 v57, v17;
	v22 =	vmul.f32 v22, v27  }
0x179: {  	[tilespmem:s24+$0x10] =	vst v26;
	v37 =	vmul.f32 v37, v17;
	v62 =	vmul.f32 v20, v16;
	v20 =	vshll.u32 v58, $0x10  }
0x17a: {  	v33 =	vmul.f32 v33, v16;
	v39 =	vand.u32 $0xFFFF0000, v58;
	[tilespmem:s24+$0x40] =	vst v59;
	v25 =	vmul.f32 v20, v19  }
0x17b: {  	v31 =	vadd.s32 v31, v12;
	v63 =	vld [tilespmem:s25+$0x10];
	[tilespmem:s24+$0xF0] =	vst v22;
	v22 =	vmul.f32 v39, v19;
	v19 =	vmul.f32 v60, v27  }
0x17c: {  	[tilespmem:s24+$0x50] =	vst v34;
	v20 =	vshll.u32 v29, $0x10;
	v26 =	vand.u32 $0xFFFF0000, v29;
	v29 =	vand.u32 $0xFFFF0000, v61  }
0x17d: {  	[tilespmem:s24+$0x80] =	vst v30;
	v30 =	vadd.s32 v24, v13;
	v27 =	vmul.f32 v20, v21;
	v24 =	vmul.f32 v29, v23;
	v29 =	vld [tilespmem:s25+$0x30]  }
0x17e: {  	s17 =	simm.s32 $0xF;
	[tilespmem:s24+$0x90] =	vst v37;
	v26 =	vmul.f32 v26, v21;
	v21 =	vbroadcast v28, $0x0;
	v20 =	vshll.u32 v61, $0x10  }
0x17f: {  	[tilespmem:s24+$0xFFFFFF00] =	vst v33;
	v33 =	vmov s17;
	v28 =	vmul.f32 v20, v23;
	v23 =	vbroadcast v30, $0x0;
	v30 =	vld [tilespmem:s25+$0x50]  }
0x180: {  	s28 =	simm.s32 $0x10;
	s26 =	simm.s32 $0x8;
	[tilespmem:s24+$0xFFFFFF10] =	vst v62;
	v32 =	vshll.u32 v63, $0x10;
	v20 =	vbroadcast v31, $0x0;
	v31 =	vand.u32 $0xFFFF0000, v63  }
.LBB2_20:
0x181: {  	p2 =	slt.u32 s28, $0x48;
	v33 =	vshrl.u32 v33, $0x3;
	v34 =	vld [tilespmem:s25+$0xFFFFFF90];
	[tilespmem:s24+$0xFFFFFF60] =	vst v25;
	v25 =	vmul.f32 v32, v15;
	v31 =	vmul.f32 v31, v15  }
0x182: {  	v15 =	vshll.u32 v33, v1;
	[tilespmem:s24+$0xFFFFFF70] =	vst v22;
	v22 =	vshll.u32 v29, $0x10;
	v29 =	vand.u32 $0xFFFF0000, v29  }
0x183: {  	v15 =	vadd.s32 v15, v10;
	[tilespmem:s24+$0xFFFFFFA0] =	vst v27;
	v27 =	vmul.f32 v22, v18;
	v18 =	vmul.f32 v29, v18  }
0x184: {  	v29 =	vbroadcast v15, $0x0;
	[tilespmem:s24+$0xFFFFFFB0] =	vst v26;
	v15 =	vshll.u32 v30, $0x10;
	v26 =	vand.u32 $0xFFFF0000, v30  }
0x185: {  	s10 =	sadd.s32 $0x1, s28;
	v30 =	vmov s26;
	v22 =	vld.idx.msk [tilespmem:v14+s31+$0x0], $0xffff;
	[tilespmem:s24+$0xFFFFFFE0] =	vst v28;
	v14 =	vmul.f32 v15, v17;
	v17 =	vmul.f32 v26, v17  }
0x186: {  	v26 =	vmov s10;
	s10 =	sadd.s32 $0x2, s28;
	v21 =	vld.idx.msk [tilespmem:v21+s31+$0x0], $0xffff;
	v15 =	vshll.u32 v34, $0x10;
	v28 =	vand.u32 $0xFFFF0000, v34;
	[tilespmem:s24+$0xFFFFFFF0] =	vst v24  }
0x187: {  	s17 =	sadd.s32 $0x5, s26;
	v24 =	vmov s10;
	s10 =	sadd.s32 $0x3, s28;
	v20 =	vld.idx.msk [tilespmem:v20+s31+$0x0], $0xffff;
	v32 =	vmul.f32 v15, v16;
	v16 =	vmul.f32 v28, v16;
	[tilespmem:s24+$0x20] =	vst v25  }
0x188: {  	s25 =	sadd.s32 $0x100, s25;
	v25 =	vmov s10;
	s10 =	sadd.s32 $0x4, s28;
	v28 =	vshrl.u32 v30, $0x3;
	v15 =	vld.idx.msk [tilespmem:v23+s31+$0x0], $0xffff;
	v23 =	vmov s17;
	s17 =	sadd.s32 $0x6, s26;
	[tilespmem:s24+$0x30] =	vst v31  }
0x189: {  	v30 =	vmov s10;
	s26 =	smov.u32 s28;
	v23 =	vshrl.u32 v23, $0x3;
	v31 =	vmov s17;
	v33 =	vld [tilespmem:s25+$0x60];
	[tilespmem:s24+$0x60] =	vst v27  }
0x18a: {  	v27 =	vshll.u32 v28, v1;
	v23 =	vshll.u32 v23, v1;
	v28 =	vshrl.u32 v31, $0x3;
	v29 =	vld.idx.msk [tilespmem:v29+s31+$0x0], $0xffff;
	[tilespmem:s24+$0x70] =	vst v18  }
0x18b: {  	v18 =	vshrl.u32 v26, $0x3;
	v26 =	vld [tilespmem:s25+$0xFFFFFF80];
	v23 =	vadd.s32 v23, v8;
	v28 =	vshll.u32 v28, v1;
	[tilespmem:s24+$0xA0] =	vst v14  }
0x18c: {  	v24 =	vshrl.u32 v24, $0x3;
	v31 =	vld [tilespmem:s25+$0xFFFFFFA0];
	v23 =	vbroadcast v23, $0x0;
	v14 =	vadd.s32 v28, v7;
	[tilespmem:s24+$0xB0] =	vst v17  }
0x18d: {  	v25 =	vshrl.u32 v25, $0x3;
	v17 =	vshll.u32 v18, v1;
	v18 =	vld [tilespmem:s25+$0xFFFFFFC0];
	v28 =	vbroadcast v14, $0x0;
	[tilespmem:s24+$0xE0] =	vst v19  }
0x18e: {  	v14 =	vadd.s32 v17, v9;
	v19 =	vshrl.u32 v30, $0x3;
	v17 =	vadd.s32 v6, v27;
	v27 =	vld [tilespmem:s25+$0xFFFFFFE0];
	[tilespmem:s24+$0xFFFFFF20] =	vst v32  }
0x18f: {  	v14 =	vbroadcast v14, $0x0;
	v30 =	vbroadcast v17, $0x0;
	v17 =	vshll.u32 v33, $0x10;
	v32 =	vld [tilespmem:s25+$0x0];
	[tilespmem:s24+$0xFFFFFF30] =	vst v16  }
0x190: {  	v16 =	vand.u32 $0xFFFF0000, v33;
	v17 =	vmul.f32 v17, v29;
	v34 =	vshll.u32 v26, $0x10;
	v35 =	vld [tilespmem:s25+$0x20]  }
0x191: {  	s24 =	sadd.s32 $0x200, s24;
	v26 =	vand.u32 $0xFFFF0000, v26;
	v16 =	vmul.f32 v16, v29;
	v33 =	vshll.u32 v31, $0x10;
	v36 =	vld [tilespmem:s25+$0x40]  }
0x192: {  	v31 =	vand.u32 $0xFFFF0000, v31;
	v37 =	vshll.u32 v18, $0x10;
	v38 =	vand.u32 $0xFFFF0000, v18;
	v18 =	vld.idx.msk [tilespmem:v23+s31+$0x0], $0xffff;
	[tilespmem:s24+$0xC0] =	vst v17  }
0x193: {  	v23 =	vmul.f32 v33, v22;
	v33 =	vshll.u32 v27, $0x10;
	v27 =	vand.u32 $0xFFFF0000, v27;
	v17 =	vld.idx.msk [tilespmem:v28+s31+$0x0], $0xffff;
	[tilespmem:s24+$0xD0] =	vst v16  }
0x194: {  	v28 =	vmul.f32 v31, v22;
	v31 =	vshll.u32 v32, $0x10;
	v32 =	vand.u32 $0xFFFF0000, v32;
	v39 =	vld [tilespmem:s25+$0x70]  }
0x195: {  	v16 =	vld.idx.msk [tilespmem:v30+s31+$0x0], $0xffff;
	[tilespmem:s24+$0xFFFFFF40] =	vst v23;
	v23 =	vmul.f32 v37, v21;
	v30 =	vshll.u32 v35, $0x10;
	v35 =	vand.u32 $0xFFFF0000, v35  }
0x196: {  	[tilespmem:s24+$0xFFFFFF50] =	vst v28;
	v28 =	vmul.f32 v38, v21;
	v37 =	vshll.u32 v36, $0x10;
	v36 =	vand.u32 $0xFFFF0000, v36  }
0x197: {  	v24 =	vshll.u32 v24, v1;
	v27 =	vmul.f32 v27, v20;
	v38 =	vld [tilespmem:s25+$0xFFFFFFB0];
	[tilespmem:s24+$0xFFFFFF80] =	vst v23;
	v23 =	vmul.f32 v33, v20  }
0x198: {  	v33 =	vshll.u32 v25, v1;
	v25 =	vmul.f32 v31, v15;
	[tilespmem:s24+$0xFFFFFF90] =	vst v28;
	v28 =	vmul.f32 v32, v15  }
0x199: {  	v31 =	vld [tilespmem:s25+$0xFFFFFFD0];
	[tilespmem:s24+$0xFFFFFFC0] =	vst v23;
	v23 =	vmul.f32 v30, v18;
	v30 =	vmul.f32 v35, v18;
	v32 =	vand.u32 $0xFFFF0000, v39  }
0x19a: {  	v35 =	vmul.f32 v37, v17;
	[tilespmem:s24+$0xFFFFFFD0] =	vst v27;
	v27 =	vshll.u32 v39, $0x10;
	v32 =	vmul.f32 v32, v29  }
0x19b: {  	v36 =	vmul.f32 v36, v17;
	v37 =	vshll.u32 v19, v1;
	v34 =	vmul.f32 v34, v16;
	v39 =	vld [tilespmem:s25+$0xFFFFFFF0];
	[tilespmem:s24+$0x0] =	vst v25  }
0x19c: {  	v40 =	vmul.f32 v26, v16;
	v19 =	vshll.u32 v38, $0x10;
	v26 =	vand.u32 $0xFFFF0000, v38;
	[tilespmem:s24+$0xF0] =	vst v32  }
0x19d: {  	v24 =	vadd.s32 v24, v11;
	v25 =	vmul.f32 v19, v22;
	v22 =	vmul.f32 v26, v22;
	[tilespmem:s24+$0x10] =	vst v28  }
0x19e: {  	v19 =	vmul.f32 v27, v29;
	v26 =	vshll.u32 v31, $0x10;
	v28 =	vand.u32 $0xFFFF0000, v31;
	v31 =	vld [tilespmem:s25+$0x10];
	[tilespmem:s24+$0x40] =	vst v23  }
.Ltmp15:
0x19f: {  	v23 =	vadd.s32 v33, v12;
	v27 =	vmul.f32 v26, v21;
	v26 =	vmul.f32 v28, v21;
	[tilespmem:s24+$0x50] =	vst v30;
	(pc) =	sbr.rel @p2 .LBB2_20-.Ltmp15, $4  }
0x1a0: {  	v21 =	vbroadcast v24, $0x0;
	v24 =	vshll.u32 v39, $0x10;
	v30 =	vand.u32 $0xFFFF0000, v39;
	v29 =	vld [tilespmem:s25+$0x30];
	[tilespmem:s24+$0x80] =	vst v35  }
0x1a1: {  	v32 =	vadd.s32 v37, v13;
	v28 =	vmul.f32 v24, v20;
	v24 =	vmul.f32 v30, v20;
	[tilespmem:s24+$0x90] =	vst v36  }
0x1a2: {  	s10 =	sadd.s32 $0x7, s28;
	v20 =	vbroadcast v23, $0x0;
	v23 =	vbroadcast v32, $0x0;
	[tilespmem:s24+$0xFFFFFF00] =	vst v34;
	v30 =	vld [tilespmem:s25+$0x50]  }
0x1a3: {  	s28 =	sadd.s32 $0x8, s28;
	v33 =	vmov s10;
	[tilespmem:s24+$0xFFFFFF10] =	vst v40;
	v32 =	vshll.u32 v31, $0x10;
	v31 =	vand.u32 $0xFFFF0000, v31  }
0x1a4: {  	[tilespmem:s24+$0xFFFFFF60] =	vst v25  }
0x1a5: {  	[tilespmem:s24+$0xFFFFFF70] =	vst v22  }
0x1a6: {  	[tilespmem:s24+$0xFFFFFFA0] =	vst v27  }
0x1a7: {  	v9 =	vshrl.u32 v33, $0x3;
	[tilespmem:s24+$0xFFFFFFB0] =	vst v26;
	v11 =	vmul.f32 v32, v15  }
0x1a8: {  	[tilespmem:s24+$0xFFFFFFE0] =	vst v28;
	v12 =	vmul.f32 v31, v15;
	v44 =	vmov s26;
	s10 =	sadd.s32 $0x5, s26;
	v9 =	vshll.u32 v9, v1  }
0x1a9: {  	v39 =	vld [tilespmem:s25+$0xFFFFFF90];
	[tilespmem:s24+$0xFFFFFFF0] =	vst v24;
	s26 =	sadd.s32 $0x6, s26;
	v13 =	vshll.u32 v29, $0x10;
	v40 =	vand.u32 $0xFFFF0000, v29;
	v48 =	vmov s10  }
0x1aa: {  	s17 =	sadd.s32 $0x100, s25;
	v50 =	vld.idx.msk [tilespmem:v21+s31+$0x0], $0xffff;
	[tilespmem:s24+$0xE0] =	vst v19;
	v51 =	vshrl.u32 v44, $0x3;
	v52 =	vmov s26;
	v9 =	vadd.s32 v9, v10  }
0x1ab: {  	v49 =	vld [tilespmem:s17+$0xFFFFFFA0];
	v13 =	vmul.f32 v13, v18;
	v15 =	vmul.f32 v40, v18;
	[tilespmem:s24+$0x20] =	vst v11;
	v21 =	vshll.u32 v51, v1  }
0x1ac: {  	v20 =	vld.idx.msk [tilespmem:v20+s31+$0x0], $0xffff;
	[tilespmem:s24+$0x30] =	vst v12;
	v9 =	vbroadcast v9, $0x0;
	v41 =	vshll.u32 v30, $0x10;
	v43 =	vand.u32 $0xFFFF0000, v30  }
0x1ad: {  	v12 =	vld.idx.msk [tilespmem:v14+s31+$0x0], $0xffff;
	v6 =	vadd.s32 v6, v21;
	v18 =	vmul.f32 v41, v17;
	v45 =	vmul.f32 v43, v17  }
0x1ae: {  	v54 =	vld [tilespmem:s17+$0xFFFFFFC0];
	[tilespmem:s24+$0x60] =	vst v13;
	v6 =	vbroadcast v6, $0x0;
	v46 =	vshll.u32 v39, $0x10;
	v10 =	vand.u32 $0xFFFF0000, v39  }
0x1af: {  	v57 =	vld [tilespmem:s17+$0xFFFFFFE0];
	v53 =	vshrl.u32 v52, $0x3;
	[tilespmem:s24+$0x70] =	vst v15;
	v47 =	vmul.f32 v46, v16;
	v10 =	vmul.f32 v10, v16  }
0x1b0: {  	v58 =	vld.idx.msk [tilespmem:v23+s31+$0x0], $0xffff;
	v16 =	vshrl.u32 v48, $0x3;
	[tilespmem:s24+$0xA0] =	vst v18;
	v18 =	vshll.u32 v53, v1;
	v59 =	vshll.u32 v49, $0x10  }
0x1b1: {  	v60 =	vld [tilespmem:s17+$0x0];
	[tilespmem:s24+$0xB0] =	vst v45;
	v15 =	vand.u32 $0xFFFF0000, v49;
	v16 =	vshll.u32 v16, v1;
	v7 =	vadd.s32 v18, v7  }
0x1b2: {  	v42 =	vld [tilespmem:s17+$0x60];
	v18 =	vmul.f32 v59, v12;
	v8 =	vadd.s32 v16, v8;
	[tilespmem:s24+$0xFFFFFF20] =	vst v47;
	v7 =	vbroadcast v7, $0x0  }
0x1b3: {  	s26 =	sadd.s32 $0x200, s24;
	v24 =	vld [tilespmem:s17+$0x20];
	v14 =	vand.u32 $0xFFFF0000, v54;
	v62 =	vmul.f32 v15, v12;
	[tilespmem:s24+$0xFFFFFF30] =	vst v10;
	v8 =	vbroadcast v8, $0x0  }
0x1b4: {  	v25 =	vshll.u32 v57, $0x10;
	v26 =	vmul.f32 v14, v50;
	v9 =	vld.idx.msk [tilespmem:v9+s31+$0x0], $0xffff;
	[tilespmem:s26+$0xFFFFFF40] =	vst v18  }
0x1b5: {  	v29 =	vld [tilespmem:s17+$0x40];
	v27 =	vand.u32 $0xFFFF0000, v57;
	v28 =	vmul.f32 v25, v20;
	[tilespmem:s26+$0xFFFFFF50] =	vst v62  }
0x1b6: {  	v33 =	vld [tilespmem:s17+$0xFFFFFF80];
	v30 =	vshll.u32 v60, $0x10;
	v14 =	vmul.f32 v27, v20;
	[tilespmem:s26+$0xFFFFFF90] =	vst v26  }
0x1b7: {  	v61 =	vshll.u32 v54, $0x10;
	v31 =	vmul.f32 v30, v58;
	[tilespmem:s26+$0xFFFFFFC0] =	vst v28;
	v6 =	vld.idx.msk [tilespmem:v6+s31+$0x0], $0xffff  }
0x1b8: {  	v55 =	vshll.u32 v42, $0x10;
	v10 =	vmul.f32 v61, v50;
	[tilespmem:s26+$0xFFFFFFD0] =	vst v14;
	v7 =	vld.idx.msk [tilespmem:v7+s31+$0x0], $0xffff  }
0x1b9: {  	v11 =	vand.u32 $0xFFFF0000, v42;
	[tilespmem:s26+$0x0] =	vst v31;
	v56 =	vmul.f32 v55, v9;
	v8 =	vld.idx.msk [tilespmem:v8+s31+$0x0], $0xffff  }
0x1ba: {  	v16 =	vand.u32 $0xFFFF0000, v60;
	[tilespmem:s26+$0xFFFFFF80] =	vst v10;
	v11 =	vmul.f32 v11, v9  }
0x1bb: {  	v41 =	vand.u32 $0xFFFF0000, v33;
	v16 =	vmul.f32 v16, v58;
	v36 =	vld [tilespmem:s17+$0xFFFFFFB0];
	[tilespmem:s26+$0xC0] =	vst v56  }
0x1bc: {  	v38 =	vand.u32 $0xFFFF0000, v29;
	v43 =	vmul.f32 v41, v6;
	[tilespmem:s26+$0xD0] =	vst v11  }
0x1bd: {  	v34 =	vshll.u32 v24, $0x10;
	[tilespmem:s26+$0x10] =	vst v16;
	v63 =	vld [tilespmem:s17+$0x70];
	v16 =	vmul.f32 v38, v7  }
0x1be: {  	v35 =	vand.u32 $0xFFFF0000, v24;
	[tilespmem:s26+$0xFFFFFF10] =	vst v43;
	v14 =	vmul.f32 v34, v8  }
0x1bf: {  	v40 =	vshll.u32 v33, $0x10;
	v39 =	vld [tilespmem:s17+$0xFFFFFFD0];
	v11 =	vmul.f32 v35, v8;
	[tilespmem:s26+$0x90] =	vst v16  }
0x1c0: {  	v42 =	vld [tilespmem:s17+$0xFFFFFFF0];
	v44 =	vshll.u32 v36, $0x10;
	[tilespmem:s26+$0x40] =	vst v14;
	v14 =	vmul.f32 v40, v6  }
0x1c1: {  	v45 =	vand.u32 $0xFFFF0000, v36;
	[tilespmem:s26+$0x50] =	vst v11;
	v11 =	vmul.f32 v44, v12  }
0x1c2: {  	v46 =	vld [tilespmem:s17+$0x10];
	v32 =	vand.u32 $0xFFFF0000, v63;
	v12 =	vmul.f32 v45, v12;
	[tilespmem:s26+$0xFFFFFF00] =	vst v14  }
0x1c3: {  	v60 =	vshll.u32 v63, $0x10;
	v10 =	vmul.f32 v32, v9;
	[tilespmem:s26+$0xFFFFFF60] =	vst v11  }
0x1c4: {  	v47 =	vshll.u32 v39, $0x10;
	v61 =	vmul.f32 v60, v9;
	[tilespmem:s26+$0xFFFFFF70] =	vst v12  }
0x1c5: {  	v51 =	vand.u32 $0xFFFF0000, v42;
	v14 =	vmul.f32 v47, v50;
	[tilespmem:s26+$0xF0] =	vst v10  }
0x1c6: {  	v37 =	vshll.u32 v29, $0x10;
	v49 =	vld [tilespmem:s17+$0x30];
	v12 =	vmul.f32 v51, v20;
	[tilespmem:s26+$0xE0] =	vst v61  }
0x1c7: {  	v53 =	vshll.u32 v46, $0x10;
	v10 =	vmul.f32 v37, v7;
	[tilespmem:s26+$0xFFFFFFA0] =	vst v14  }
0x1c8: {  	v48 =	vand.u32 $0xFFFF0000, v39;
	v55 =	vld [tilespmem:s17+$0xFFFFFF90];
	v14 =	vmul.f32 v53, v58;
	[tilespmem:s26+$0xFFFFFFF0] =	vst v12  }
0x1c9: {  	[tilespmem:s26+$0x80] =	vst v10;
	v10 =	vmul.f32 v48, v50;
	v50 =	vshll.u32 v42, $0x10  }
0x1ca: {  	v54 =	vand.u32 $0xFFFF0000, v46;
	v11 =	vmul.f32 v50, v20;
	v52 =	vld [tilespmem:s17+$0x50];
	[tilespmem:s26+$0x20] =	vst v14  }
0x1cb: {  	v56 =	vshll.u32 v49, $0x10;
	[tilespmem:s26+$0xFFFFFFB0] =	vst v10;
	v10 =	vmul.f32 v54, v58  }
0x1cc: {  	v57 =	vand.u32 $0xFFFF0000, v49;
	v13 =	vmul.f32 v56, v8;
	[tilespmem:s26+$0xFFFFFFE0] =	vst v11  }
0x1cd: {  	v8 =	vmul.f32 v57, v8;
	v62 =	vshll.u32 v55, $0x10;
	[tilespmem:s26+$0x30] =	vst v10  }
0x1ce: {  	s28 =	smul.u32 $0x5000, s22;
	v63 =	vand.u32 $0xFFFF0000, v55;
	[tilespmem:s26+$0x60] =	vst v13;
	v9 =	vmul.f32 v62, v6  }
0x1cf: {  	p2 =	slt.u32 s23, $0xFA;
	s17 =	smul.u32 $0x140, s21;
	[tilespmem:s26+$0x70] =	vst v8;
	v6 =	vmul.f32 v63, v6;
	v58 =	vshll.u32 v52, $0x10  }
.Ltmp16:
0x1d0: {  	v59 =	vand.u32 $0xFFFF0000, v52;
	[tilespmem:s26+$0xFFFFFF20] =	vst v9;
	v12 =	vmul.f32 v58, v7;
	(pc) =	sbr.rel @p2 .LBB2_15-.Ltmp16, $4  }
0x1d1: {  	[tilespmem:s26+$0xFFFFFF30] =	vst v6;
	v7 =	vmul.f32 v59, v7  }
0x1d2: {  	s10 =	sshrl.u32 s28, $0x2;
	s17 =	sshrl.u32 s17, $0x2;
	[tilespmem:s26+$0xA0] =	vst v12  }
0x1d3: {  	s25 =	smov.u32 s23;
	s10 =	sor.u32 $0x21C0, s10;
	s17 =	sadd.s32 $0x140, s17;
	[tilespmem:s26+$0xB0] =	vst v7  }
0x1d4: {  	[spmem:s1] =	stream.indirect.scatter.add.f32 [tilespmem:s10], [sflag:$0x3], $0x40, s17, s0, $0xb8;
	[tilespmem:$0x10D10] =	vst v63  }
0x1d5: {  	_ =	swait.ge [sflag:s14], $0x1400  }
0x1d6: {  	[sflag:s14] =	ssyncset.done $0x0  }
0x1d7: {  	[sflag:s14] =	ssyncadd.s32 $0xFFFFEC00  }
0x1d8: {  	_ =	swait.ge [sflag:s14], $0x500  }
0x1d9: {  	[sflag:s14] =	ssyncset.done $0x0  }
0x1da: {  	[sflag:s14] =	ssyncadd.s32 $0xFFFFFB00  }
0x1db: {  	_ =	swait.ge [sflag:s14], $0x1400  }
.Ltmp17:
0x1dc: {  	[sflag:s14] =	ssyncset.done $0x0;
	(pc) =	sbr.rel .LBB2_23-.Ltmp17, $4  }
0x1dd: {  	[sflag:s14] =	ssyncadd.s32 $0xFFFFEC00  }
0x1de: {  	_ =	swait.ge [sflag:s14], $0x500  }
0x1df: {  	[sflag:s14] =	ssyncset.done $0x0  }
0x1e0: {  	[sflag:s14] =	ssyncadd.s32 $0xFFFFFB00  }
.LBB2_24:
0x1e1: {  	_ =	sfence.sel $0x180000  }
0x1e2: {  	[bflag:$0x0] =	sbarrier.arrive $0xFFFF  }
0x1e3: {  	_ =	strace $0x9000004A  }
0x1e4: {  	s0 =	stileid.u32;
	[bflag:$0x2] =	sbarrier.arrive $0xFFFF  }
0x1e5: {  	p0 =	sne.s32 s0, $0x0;
	s0 =	rddreg [dreg:$0x4]  }
0x1e6: {  	s0 =	sadd.s32 @!p0 $0x100000, s0  }
0x1e7: {  	[sflag:s0] =	ssyncadd.tile.s32 @!p0 $0x1;
	_ =	shalt  }
.Lfunc_end2:
_tile_overlayer_lowered:
.L_overlay_start_2:
0x1e8: {  	(tag) =	ssettag $0x2  }
0x1e9: {  	s0 =	rddreg [dreg:$0x0];
	s2 =	stileid.u32  }
0x1ea: {  	s1 =	rddreg [dreg:$0x1];
	p0 =	sne.s32 s2, $0x0  }
0x1eb: {  	s3 =	rddreg [dreg:$0x2];
	[bflag:$0x3] =	sbarrier.arrive $0xFFFF;
	s2 =	simm.s32 @!p0 $0x1C04  }
0x1ec: {  	[timem:s3], [sflag:s2] =	dma.local @!p0 [hbm:s0], s1  }
0x1ed: {  	s0 =	simm.s32 @!p0 $0x4  }
0x1ee: {  	_ =	swait.ge @!p0 [sflag:s0], s1  }
0x1ef: {  	s1 =	ssub.s32 @!p0 $0x0, s1;
	[sflag:s0] =	ssyncset.done @!p0 $0x0  }
0x1f0: {  	[sflag:s0] =	ssyncadd.s32 @!p0 s1  }
0x1f1: {  	[bflag:$0x3] =	sbarrier.arrive $0xFFFF  }
0x1f2: {  	_ =	shalt  }

</sc_bundles>
